<compile_context>
chip_gen: v7x
topology: tpu7x:2x2x1
jax: 0.10.2.dev20260603
libtpu: 0.0.44.dev20260713+nightly
codegen_flags: <defaults>
</compile_context>

<pallas_src>
import functools

import jax
import jax.numpy as jnp
from jax import lax
from jax.experimental import pallas as pl
from jax.experimental.pallas import tpu as pltpu
from jax.experimental.pallas import tpu_sc as plsc

N = 10000
E = 320000
D = 128
DOUT = 64
NC = 2
NS = 16
NW = NC * NS
CHUNK = 128
NCHUNK = 80
EPAD = NW * NCHUNK * CHUNK
NPAD = 10112
RPT = NPAD // NS
BR = 2000


@functools.cache
def _mesh():
    return plsc.VectorSubcoreMesh(core_axis_name="c", subcore_axis_name="s",
                                  num_cores=NC, num_subcores=NS)



HC = NCHUNK // 2


def _edge_body(idx_hbm, z_hbm, zeros_hbm, out_hbm, idx_v, rows_v, acc,
               semg0, semg1):
    c = lax.axis_index("c")
    s = lax.axis_index("s")
    wid = s * NC + c
    pltpu.sync_copy(zeros_hbm.at[pl.ds(s * RPT, RPT)],
                    acc.at[pl.ds(s * RPT, RPT)])
    plsc.subcore_barrier()

    b0 = rows_v.at[0]
    b1 = rows_v.at[1]
    for h in range(2):
        pltpu.sync_copy(idx_hbm.at[wid, pl.ds(h * HC, HC)], idx_v)
        pltpu.async_copy(z_hbm.at[idx_v.at[0, 0]], b0, semg0)

        def pair(p, carry):
            j = 2 * p
            pltpu.make_async_copy(z_hbm.at[idx_v.at[j, 0]], b0, semg0).wait()
            pltpu.async_copy(z_hbm.at[idx_v.at[j + 1, 0]], b1, semg1)
            pltpu.sync_copy(b0, acc.at[idx_v.at[j, 1]], add=True)
            pltpu.make_async_copy(z_hbm.at[idx_v.at[j + 1, 0]], b1,
                                  semg1).wait()
            nxt = lax.rem(j + 2, HC)
            pltpu.async_copy(z_hbm.at[idx_v.at[nxt, 0]], b0, semg0)
            pltpu.sync_copy(b1, acc.at[idx_v.at[j + 1, 1]], add=True)
            return carry

        lax.fori_loop(0, HC // 2, pair, 0)
        pltpu.make_async_copy(z_hbm.at[idx_v.at[0, 0]], b0, semg0).wait()
    plsc.subcore_barrier()
    pltpu.sync_copy(acc.at[pl.ds(s * RPT, RPT)],
                    out_hbm.at[c, pl.ds(s * RPT, RPT)])


@functools.cache
def _edge_kernel():
    return pl.kernel(
        _edge_body,
        out_type=jax.ShapeDtypeStruct((NC, NPAD, D), jnp.float32),
        mesh=_mesh(),
        scratch_types=[
            pltpu.VMEM((HC, 2, CHUNK), jnp.int32),
            pltpu.VMEM((2, CHUNK, D), jnp.float32),
            pltpu.VMEM_SHARED((NPAD, D), jnp.float32),
            pltpu.SemaphoreType.DMA,
            pltpu.SemaphoreType.DMA,
        ],
    )


def _deg_body(dst_hbm, ones_hbm, zeros_hbm, out_hbm, dst_v, ones_v, acc):
    c = lax.axis_index("c")
    s = lax.axis_index("s")
    wid = s * NC + c
    pltpu.sync_copy(zeros_hbm.at[pl.ds(s * RPT, RPT)],
                    acc.at[pl.ds(s * RPT, RPT)])
    pltpu.sync_copy(ones_hbm, ones_v)
    pltpu.sync_copy(dst_hbm.at[wid], dst_v)
    plsc.subcore_barrier()

    def step(j, carry):
        pltpu.sync_copy(ones_v, acc.at[dst_v.at[j]], add=True)
        return carry

    lax.fori_loop(0, NCHUNK, step, 0)
    plsc.subcore_barrier()
    pltpu.sync_copy(acc.at[pl.ds(s * RPT, RPT)],
                    out_hbm.at[c, pl.ds(s * RPT, RPT)])


@functools.cache
def _deg_kernel():
    return pl.kernel(
        _deg_body,
        out_type=jax.ShapeDtypeStruct((NC, NPAD, D), jnp.float32),
        mesh=_mesh(),
        scratch_types=[
            pltpu.VMEM((NCHUNK, CHUNK), jnp.int32),
            pltpu.VMEM((CHUNK, D), jnp.float32),
            pltpu.VMEM_SHARED((NPAD, D), jnp.float32),
        ],
    )



def _ln(h, g, b):
    mu = jnp.mean(h, axis=-1, keepdims=True)
    var = jnp.mean((h - mu) ** 2, axis=-1, keepdims=True)
    return (h - mu) * lax.rsqrt(var + 1e-5) * g + b


def _proj_body(x_ref, w_ref, b_ref, g_ref, bb_ref, h_ref, z_ref):
    h = jnp.dot(x_ref[...], w_ref[...],
                preferred_element_type=jnp.float32) + b_ref[...]
    h_ref[...] = h
    z_ref[...] = _ln(h, g_ref[...], bb_ref[...])


_proj_ln = pl.pallas_call(
    _proj_body,
    grid=(N // BR,),
    in_specs=[
        pl.BlockSpec((BR, D), lambda i: (i, 0)),
        pl.BlockSpec((D, D), lambda i: (0, 0)),
        pl.BlockSpec((1, D), lambda i: (0, 0)),
        pl.BlockSpec((1, D), lambda i: (0, 0)),
        pl.BlockSpec((1, D), lambda i: (0, 0)),
    ],
    out_specs=[pl.BlockSpec((BR, D), lambda i: (i, 0)),
               pl.BlockSpec((BR, D), lambda i: (i, 0))],
    out_shape=[jax.ShapeDtypeStruct((N, D), jnp.float32),
               jax.ShapeDtypeStruct((N, D), jnp.float32)],
)


def _sage_common(h_ref, z_ref, p_ref, dg_ref, wn_ref, ws_ref, bc_ref):
    deg = jnp.maximum(dg_ref[0, :, 0:1] + dg_ref[1, :, 0:1], 1.0)
    agg = (p_ref[0] + p_ref[1]) / deg
    conv = (jnp.dot(agg, wn_ref[...], preferred_element_type=jnp.float32)
            + jnp.dot(z_ref[...], ws_ref[...], preferred_element_type=jnp.float32)
            + bc_ref[...])
    return jnp.maximum(h_ref[...] + conv, 0.0)


def _mid_body(h_ref, z_ref, p_ref, dg_ref, wn_ref, ws_ref, bc_ref,
              g_ref, bb_ref, ho_ref, zo_ref):
    hn = _sage_common(h_ref, z_ref, p_ref, dg_ref, wn_ref, ws_ref, bc_ref)
    ho_ref[...] = hn
    zo_ref[...] = _ln(hn, g_ref[...], bb_ref[...])


_SAGE_SPECS = [
    pl.BlockSpec((BR, D), lambda i: (i, 0)),
    pl.BlockSpec((BR, D), lambda i: (i, 0)),
    pl.BlockSpec((NC, BR, D), lambda i: (0, i, 0)),
    pl.BlockSpec((NC, BR, D), lambda i: (0, i, 0)),
    pl.BlockSpec((D, D), lambda i: (0, 0)),
    pl.BlockSpec((D, D), lambda i: (0, 0)),
    pl.BlockSpec((1, D), lambda i: (0, 0)),
]

_mid_layer = pl.pallas_call(
    _mid_body,
    grid=(N // BR,),
    in_specs=_SAGE_SPECS + [
        pl.BlockSpec((1, D), lambda i: (0, 0)),
        pl.BlockSpec((1, D), lambda i: (0, 0)),
    ],
    out_specs=[pl.BlockSpec((BR, D), lambda i: (i, 0)),
               pl.BlockSpec((BR, D), lambda i: (i, 0))],
    out_shape=[jax.ShapeDtypeStruct((N, D), jnp.float32),
               jax.ShapeDtypeStruct((N, D), jnp.float32)],
)


def _last_body(h_ref, z_ref, p_ref, dg_ref, wn_ref, ws_ref, bc_ref,
               wo_ref, bo_ref, o_ref):
    hn = _sage_common(h_ref, z_ref, p_ref, dg_ref, wn_ref, ws_ref, bc_ref)
    o_ref[...] = jnp.dot(hn, wo_ref[...],
                         preferred_element_type=jnp.float32) + bo_ref[...]


_last_layer = pl.pallas_call(
    _last_body,
    grid=(N // BR,),
    in_specs=_SAGE_SPECS + [
        pl.BlockSpec((D, DOUT), lambda i: (0, 0)),
        pl.BlockSpec((1, DOUT), lambda i: (0, 0)),
    ],
    out_specs=pl.BlockSpec((BR, DOUT), lambda i: (i, 0)),
    out_shape=jax.ShapeDtypeStruct((N, DOUT), jnp.float32),
)



def kernel(x, edge_index, W_in, b_in, ln_g, ln_b, W_neigh, W_self, b_conv,
           W_out, b_out):
    i32 = jnp.int32
    src = edge_index[0].astype(i32)
    dst = edge_index[1].astype(i32)
    pad = jnp.arange(EPAD - E, dtype=i32)
    src_p = jnp.concatenate([src, pad % N])
    dst_p = jnp.concatenate([dst, N + pad % (NPAD - N)])
    idx_p = jnp.stack([src_p.reshape(NW, NCHUNK, CHUNK),
                       dst_p.reshape(NW, NCHUNK, CHUNK)], axis=2)
    dst_c = dst_p.reshape(NW, NCHUNK, CHUNK)

    zeros_d = jnp.zeros((NPAD, D), jnp.float32)
    ones_d = jnp.ones((CHUNK, D), jnp.float32)

    degp = _deg_kernel()(dst_c, ones_d, zeros_d)
    h, z = _proj_ln(x, W_in, b_in.reshape(1, D),
                    ln_g[0].reshape(1, D), ln_b[0].reshape(1, D))

    out = None
    for i in range(W_self.shape[0]):
        parts = _edge_kernel()(idx_p, z, zeros_d)
        if i + 1 < W_self.shape[0]:
            h, z = _mid_layer(h, z, parts, degp, W_neigh[i], W_self[i],
                              b_conv[i].reshape(1, D),
                              ln_g[i + 1].reshape(1, D),
                              ln_b[i + 1].reshape(1, D))
        else:
            out = _last_layer(h, z, parts, degp, W_neigh[i], W_self[i],
                              b_conv[i].reshape(1, D), W_out,
                              b_out.reshape(1, DOUT))
    return out

# --- scband reference (transcript-rebuilt; emitter-appended) ---
"""Pipeline reference for scband-drop-edge-graph-sage-50680614093676 (READ-ONLY COPY).

The authoritative reference and input builder live on the scoring server;
editing this copy changes nothing except your own understanding.
"""

import jax, jax.numpy as jnp
import numpy as np

N_NODES = 10000
N_EDGES = 320000
D_IN = 128
D_HID = 128
D_OUT = 64
N_LAYERS = 3

def _layernorm(x, g, b, eps=1e-5):
    mu = jnp.mean(x, axis=-1, keepdims=True)
    var = jnp.mean((x - mu) ** 2, axis=-1, keepdims=True)
    return (x - mu) / jnp.sqrt(var + eps) * g + b

def setup_inputs(seed: int = 0) -> dict:
    key = jax.random.key(seed)
    ks = jax.random.split(key, 12)
    x = jax.random.normal(ks[0], (N_NODES, D_IN), dtype=jnp.float32)
    edge_index = jax.random.randint(ks[1], (2, N_EDGES), 0, N_NODES, dtype=jnp.int64)
    W_in = jax.random.normal(ks[2], (D_IN, D_HID), dtype=jnp.float32) * 0.05
    b_in = jnp.zeros((D_HID,), dtype=jnp.float32)
    ln_g = jnp.ones((N_LAYERS, D_HID), dtype=jnp.float32)
    ln_b = jnp.zeros((N_LAYERS, D_HID), dtype=jnp.float32)
    W_neigh = jax.random.normal(ks[3], (N_LAYERS, D_HID, D_HID), dtype=jnp.float32) * 0.05
    W_self = jax.random.normal(ks[4], (N_LAYERS, D_HID, D_HID), dtype=jnp.float32) * 0.05
    b_conv = jnp.zeros((N_LAYERS, D_HID), dtype=jnp.float32)
    W_out = jax.random.normal(ks[5], (D_HID, D_OUT), dtype=jnp.float32) * 0.05
    b_out = jnp.zeros((D_OUT,), dtype=jnp.float32)
    return {"x": x, "edge_index": edge_index, "W_in": W_in, "b_in": b_in,
            "ln_g": ln_g, "ln_b": ln_b, "W_neigh": W_neigh, "W_self": W_self,
            "b_conv": b_conv, "W_out": W_out, "b_out": b_out}

def reference(x, edge_index, W_in, b_in, ln_g, ln_b, W_neigh, W_self, b_conv, W_out, b_out):
    # Eval-mode forward: DropEdge and dropout are inactive (self.training == False).
    n = x.shape[0]
    src = edge_index[0]
    dst = edge_index[1]
    h = x @ W_in + b_in
    deg = jax.ops.segment_sum(jnp.ones(src.shape[0], dtype=h.dtype), dst, num_segments=n)
    deg = jnp.maximum(deg, 1.0)
    for i in range(W_self.shape[0]):
        z = _layernorm(h, ln_g[i], ln_b[i])
        # SAGEConv (mean aggregation): lin_l(mean of neighbor msgs) + lin_r(self)
        agg = jax.ops.segment_sum(z[src], dst, num_segments=n) / deg[:, None]
        conv = agg @ W_neigh[i] + z @ W_self[i] + b_conv[i]
        h = jax.nn.relu(h + conv)
    return h @ W_out + b_out

if __name__ == "__main__":
    import jax
    _d = setup_inputs()
    print(jax.jit(kernel)(*tuple(_d.values())))

</pallas_src>

<mosaic_0001>
#map = affine_map<(d0, d1) -> (0, 0, 0, 0)>
#map1 = affine_map<(d0, d1) -> (0, 0)>
#map2 = affine_map<(d0, d1) -> (0, 0, 0)>
module attributes {stable_mosaic.version = 14 : i64} {
  func.func @_edge_body(%arg0: i32, %arg1: i32, %arg2: memref<32x80x2x128xi32, #tpu.memory_space<hbm>>, %arg3: memref<10000x128xf32, #tpu.memory_space<hbm>>, %arg4: memref<10112x128xf32, #tpu.memory_space<hbm>>, %arg5: memref<2x10112x128xf32, #tpu.memory_space<hbm>>, %arg6: memref<40x2x128xi32, #tpu.memory_space<vmem>>, %arg7: memref<2x128x128xf32, #tpu.memory_space<vmem>>, %arg8: memref<10112x128xf32, #tpu.memory_space<vmem_shared>>, %arg9: memref<!tpu.dma_semaphore, #tpu.memory_space<semaphore_mem>>, %arg10: memref<!tpu.dma_semaphore, #tpu.memory_space<semaphore_mem>>) attributes {dimension_semantics = [#tpu.dimension_semantics<core_parallel>, #tpu.dimension_semantics<subcore_parallel>], iteration_bounds = array<i64: 2, 16>, scalar_prefetch = 0 : i64, scratch_operands = 5 : i64, tpu.core_type = #tpu.core_type<sc_vector_subcore>, window_params = [{transform_indices = #map}, {transform_indices = #map1}, {transform_indices = #map1}, {transform_indices = #map2}]} {
    %mul3A = arith.constant 2 : i32
    %mul3A_0 = arith.muli %arg1, %mul3A : i32
    %add3A = arith.addi %mul3A_0, %arg0 : i32
    %mul3A_1 = arith.constant 632 : i32
    %mul3A_2 = arith.muli %arg1, %mul3A_1 : i32
    %mul3A_3 = arith.constant 632 : i32
    %mul3A_4 = arith.muli %arg1, %mul3A_3 : i32
    "tpu.region"() ({
      %run_scoped3A = tpu.sem_alloc : memref<!tpu.dma_semaphore, #tpu.memory_space<semaphore_mem>>
      %dma_start3A_75 = arith.constant 0 : i32
      %dma_start3A_76 = tpu.memref_slice %arg8[%mul3A_4, %dma_start3A_75] : memref<10112x128xf32, #tpu.memory_space<vmem_shared>> -> memref<632x128xf32, #tpu.memory_space<vmem_shared>>
      %dma_start3A_77 = arith.constant 0 : i32
      %dma_start3A_78 = tpu.memref_slice %arg4[%mul3A_2, %dma_start3A_77] : memref<10112x128xf32, #tpu.memory_space<hbm>> -> memref<632x128xf32, #tpu.memory_space<hbm>>
      tpu.enqueue_dma source(%dma_start3A_78 : memref<632x128xf32, #tpu.memory_space<hbm>>) target(%dma_start3A_76 : memref<632x128xf32, #tpu.memory_space<vmem_shared>>) target_semaphore(%run_scoped3A : memref<!tpu.dma_semaphore, #tpu.memory_space<semaphore_mem>>)
      %dma_wait3A_79 = arith.constant 0 : i32
      %dma_wait3A_80 = tpu.memref_slice %arg8[%mul3A_4, %dma_wait3A_79] : memref<10112x128xf32, #tpu.memory_space<vmem_shared>> -> memref<632x128xf32, #tpu.memory_space<vmem_shared>>
      %dma_wait3A_81 = arith.constant 0 : i32
      %dma_wait3A_82 = tpu.memref_slice %arg4[%mul3A_2, %dma_wait3A_81] : memref<10112x128xf32, #tpu.memory_space<hbm>> -> memref<632x128xf32, #tpu.memory_space<hbm>>
      tpu.wait_dma2 semaphore(%run_scoped3A : memref<!tpu.dma_semaphore, #tpu.memory_space<semaphore_mem>>) src(%dma_wait3A_82 : memref<632x128xf32, #tpu.memory_space<hbm>>) dst(%dma_wait3A_80 : memref<632x128xf32, #tpu.memory_space<vmem_shared>>)
      tpu.yield
    }) : () -> ()
    %barrier3A = arith.constant 0 : index
    tpu.barrier barrier_id(%barrier3A)
    "tpu.region"() ({
      %run_scoped3A = tpu.sem_alloc : memref<!tpu.dma_semaphore, #tpu.memory_space<semaphore_mem>>
      %dma_start3A_75 = arith.constant 0 : i32
      %dma_start3A_76 = arith.constant 0 : i32
      %dma_start3A_77 = arith.constant 0 : i32
      %dma_start3A_78 = tpu.memref_slice %arg2[%add3A, %dma_start3A_75, %dma_start3A_76, %dma_start3A_77] : memref<32x80x2x128xi32, #tpu.memory_space<hbm>> -> memref<1x40x2x128xi32, #tpu.memory_space<hbm>>
      %dma_start3A_79 = tpu.memref_squeeze %dma_start3A_78 : memref<1x40x2x128xi32, #tpu.memory_space<hbm>> -> memref<40x2x128xi32, #tpu.memory_space<hbm>>
      %dma_start3A_80 = arith.constant 0 : i32
      %dma_start3A_81 = arith.constant 0 : i32
      %dma_start3A_82 = arith.constant 0 : i32
      %dma_start3A_83 = tpu.memref_slice %arg2[%add3A, %dma_start3A_80, %dma_start3A_81, %dma_start3A_82] : memref<32x80x2x128xi32, #tpu.memory_space<hbm>> -> memref<1x40x2x128xi32, #tpu.memory_space<hbm>>
      %dma_start3A_84 = tpu.memref_squeeze %dma_start3A_83 : memref<1x40x2x128xi32, #tpu.memory_space<hbm>> -> memref<40x2x128xi32, #tpu.memory_space<hbm>>
      tpu.enqueue_dma source(%dma_start3A_84 : memref<40x2x128xi32, #tpu.memory_space<hbm>>) target(%arg6 : memref<40x2x128xi32, #tpu.memory_space<vmem>>) target_semaphore(%run_scoped3A : memref<!tpu.dma_semaphore, #tpu.memory_space<semaphore_mem>>)
      %dma_wait3A_85 = arith.constant 0 : i32
      %dma_wait3A_86 = arith.constant 0 : i32
      %dma_wait3A_87 = arith.constant 0 : i32
      %dma_wait3A_88 = tpu.memref_slice %arg2[%add3A, %dma_wait3A_85, %dma_wait3A_86, %dma_wait3A_87] : memref<32x80x2x128xi32, #tpu.memory_space<hbm>> -> memref<1x40x2x128xi32, #tpu.memory_space<hbm>>
      %dma_wait3A_89 = tpu.memref_squeeze %dma_wait3A_88 : memref<1x40x2x128xi32, #tpu.memory_space<hbm>> -> memref<40x2x128xi32, #tpu.memory_space<hbm>>
      %dma_wait3A_90 = arith.constant 0 : i32
      %dma_wait3A_91 = arith.constant 0 : i32
      %dma_wait3A_92 = arith.constant 0 : i32
      %dma_wait3A_93 = tpu.memref_slice %arg2[%add3A, %dma_wait3A_90, %dma_wait3A_91, %dma_wait3A_92] : memref<32x80x2x128xi32, #tpu.memory_space<hbm>> -> memref<1x40x2x128xi32, #tpu.memory_space<hbm>>
      %dma_wait3A_94 = tpu.memref_squeeze %dma_wait3A_93 : memref<1x40x2x128xi32, #tpu.memory_space<hbm>> -> memref<40x2x128xi32, #tpu.memory_space<hbm>>
      tpu.wait_dma2 semaphore(%run_scoped3A : memref<!tpu.dma_semaphore, #tpu.memory_space<semaphore_mem>>) src(%dma_wait3A_94 : memref<40x2x128xi32, #tpu.memory_space<hbm>>) dst(%arg6 : memref<40x2x128xi32, #tpu.memory_space<vmem>>)
      tpu.yield
    }) : () -> ()
    %dma_start3A = arith.constant 0 : i32
    %dma_start3A_5 = arith.constant 0 : i32
    %dma_start3A_6 = arith.constant 0 : i32
    %dma_start3A_7 = arith.constant 0 : i32
    %dma_start3A_8 = arith.constant 0 : i32
    %dma_start3A_9 = tpu.memref_slice %arg7[%dma_start3A_6, %dma_start3A_7, %dma_start3A_8] : memref<2x128x128xf32, #tpu.memory_space<vmem>> -> memref<1x128x128xf32, #tpu.memory_space<vmem>>
    %dma_start3A_10 = tpu.memref_squeeze %dma_start3A_9 : memref<1x128x128xf32, #tpu.memory_space<vmem>> -> memref<128x128xf32, #tpu.memory_space<vmem>>
    %dma_start3A_11 = arith.constant 0 : i32
    %dma_start3A_12 = tpu.memref_slice %arg6[%dma_start3A, %dma_start3A_5, %dma_start3A_11] : memref<40x2x128xi32, #tpu.memory_space<vmem>> -> memref<1x1x128xi32, #tpu.memory_space<vmem>>
    %dma_start3A_13 = tpu.memref_squeeze %dma_start3A_12 : memref<1x1x128xi32, #tpu.memory_space<vmem>> -> memref<128xi32, #tpu.memory_space<vmem>>
    %dma_start3A_14 = arith.constant 0 : i32
    %dma_start3A_15 = arith.constant 0 : i32
    %dma_start3A_16 = tpu.memref_slice %arg3[%dma_start3A_14, %dma_start3A_15] : memref<10000x128xf32, #tpu.memory_space<hbm>> -> memref<10000x128xf32, #tpu.memory_space<hbm>>
    tpu.enqueue_indirect_dma source(%dma_start3A_16 : memref<10000x128xf32, #tpu.memory_space<hbm>>) target(%dma_start3A_10 : memref<128x128xf32, #tpu.memory_space<vmem>>) offsets(%dma_start3A_13 : memref<128xi32, #tpu.memory_space<vmem>>) semaphore(%arg9 : memref<!tpu.dma_semaphore, #tpu.memory_space<semaphore_mem>>)
    %scan3A = arith.constant 0 : i32
    %scan3A_17 = arith.constant 0 : i32
    %scan3A_18 = arith.constant 1 : i32
    %scan3A_19 = arith.constant 0 : i32
    %scan3A_20 = arith.constant 20 : i32
    %scan3A_21 = arith.addi %scan3A_19, %scan3A_20 : i32
    %scan3A_22 = arith.constant 1 : i32
    scf.for %scan3A_75 = %scan3A_19 to %scan3A_21 step %scan3A_22  : i32 {
      %mul3A_76 = arith.constant 2 : i32
      %mul3A_77 = arith.muli %mul3A_76, %scan3A_75 : i32
      %dma_wait3A_78 = arith.constant 0 : i32
      %dma_wait3A_79 = arith.constant 0 : i32
      %dma_wait3A_80 = arith.constant 0 : i32
      %dma_wait3A_81 = tpu.memref_slice %arg7[%scan3A_17, %dma_wait3A_79, %dma_wait3A_80] : memref<2x128x128xf32, #tpu.memory_space<vmem>> -> memref<1x128x128xf32, #tpu.memory_space<vmem>>
      %dma_wait3A_82 = tpu.memref_squeeze %dma_wait3A_81 : memref<1x128x128xf32, #tpu.memory_space<vmem>> -> memref<128x128xf32, #tpu.memory_space<vmem>>
      %dma_wait3A_83 = arith.constant 0 : i32
      %dma_wait3A_84 = tpu.memref_slice %arg6[%mul3A_77, %dma_wait3A_78, %dma_wait3A_83] : memref<40x2x128xi32, #tpu.memory_space<vmem>> -> memref<1x1x128xi32, #tpu.memory_space<vmem>>
      %dma_wait3A_85 = tpu.memref_squeeze %dma_wait3A_84 : memref<1x1x128xi32, #tpu.memory_space<vmem>> -> memref<128xi32, #tpu.memory_space<vmem>>
      %dma_wait3A_86 = arith.constant 0 : i32
      %dma_wait3A_87 = arith.constant 0 : i32
      %dma_wait3A_88 = tpu.memref_slice %arg3[%dma_wait3A_86, %dma_wait3A_87] : memref<10000x128xf32, #tpu.memory_space<hbm>> -> memref<10000x128xf32, #tpu.memory_space<hbm>>
      tpu.wait_indirect_dma semaphore(%arg9 : memref<!tpu.dma_semaphore, #tpu.memory_space<semaphore_mem>>) src(%dma_wait3A_88 : memref<10000x128xf32, #tpu.memory_space<hbm>>) dst(%dma_wait3A_82 : memref<128x128xf32, #tpu.memory_space<vmem>>)
      %add3A_89 = arith.constant 1 : i32
      %add3A_90 = arith.addi %mul3A_77, %add3A_89 : i32
      %dma_start3A_91 = arith.constant 0 : i32
      %dma_start3A_92 = arith.constant 0 : i32
      %dma_start3A_93 = arith.constant 0 : i32
      %dma_start3A_94 = tpu.memref_slice %arg7[%scan3A_18, %dma_start3A_92, %dma_start3A_93] : memref<2x128x128xf32, #tpu.memory_space<vmem>> -> memref<1x128x128xf32, #tpu.memory_space<vmem>>
      %dma_start3A_95 = tpu.memref_squeeze %dma_start3A_94 : memref<1x128x128xf32, #tpu.memory_space<vmem>> -> memref<128x128xf32, #tpu.memory_space<vmem>>
      %dma_start3A_96 = arith.constant 0 : i32
      %dma_start3A_97 = tpu.memref_slice %arg6[%add3A_90, %dma_start3A_91, %dma_start3A_96] : memref<40x2x128xi32, #tpu.memory_space<vmem>> -> memref<1x1x128xi32, #tpu.memory_space<vmem>>
      %dma_start3A_98 = tpu.memref_squeeze %dma_start3A_97 : memref<1x1x128xi32, #tpu.memory_space<vmem>> -> memref<128xi32, #tpu.memory_space<vmem>>
      %dma_start3A_99 = arith.constant 0 : i32
      %dma_start3A_100 = arith.constant 0 : i32
      %dma_start3A_101 = tpu.memref_slice %arg3[%dma_start3A_99, %dma_start3A_100] : memref<10000x128xf32, #tpu.memory_space<hbm>> -> memref<10000x128xf32, #tpu.memory_space<hbm>>
      tpu.enqueue_indirect_dma source(%dma_start3A_101 : memref<10000x128xf32, #tpu.memory_space<hbm>>) target(%dma_start3A_95 : memref<128x128xf32, #tpu.memory_space<vmem>>) offsets(%dma_start3A_98 : memref<128xi32, #tpu.memory_space<vmem>>) semaphore(%arg10 : memref<!tpu.dma_semaphore, #tpu.memory_space<semaphore_mem>>)
      %run_scoped3A = arith.constant 1 : i32
      "tpu.region"() ({
        %run_scoped3A_132 = tpu.sem_alloc : memref<!tpu.dma_semaphore, #tpu.memory_space<semaphore_mem>>
        %dma_start3A_133 = arith.constant 0 : i32
        %dma_start3A_134 = arith.constant 0 : i32
        %dma_start3A_135 = tpu.memref_slice %arg7[%scan3A_17, %dma_start3A_133, %dma_start3A_134] : memref<2x128x128xf32, #tpu.memory_space<vmem>> -> memref<1x128x128xf32, #tpu.memory_space<vmem>>
        %dma_start3A_136 = tpu.memref_squeeze %dma_start3A_135 : memref<1x128x128xf32, #tpu.memory_space<vmem>> -> memref<128x128xf32, #tpu.memory_space<vmem>>
        %dma_start3A_137 = arith.constant 0 : i32
        %dma_start3A_138 = tpu.memref_slice %arg6[%mul3A_77, %run_scoped3A, %dma_start3A_137] : memref<40x2x128xi32, #tpu.memory_space<vmem>> -> memref<1x1x128xi32, #tpu.memory_space<vmem>>
        %dma_start3A_139 = tpu.memref_squeeze %dma_start3A_138 : memref<1x1x128xi32, #tpu.memory_space<vmem>> -> memref<128xi32, #tpu.memory_space<vmem>>
        %dma_start3A_140 = arith.constant 0 : i32
        %dma_start3A_141 = arith.constant 0 : i32
        %dma_start3A_142 = tpu.memref_slice %arg8[%dma_start3A_140, %dma_start3A_141] : memref<10112x128xf32, #tpu.memory_space<vmem_shared>> -> memref<10112x128xf32, #tpu.memory_space<vmem_shared>>
        tpu.enqueue_indirect_dma source(%dma_start3A_136 : memref<128x128xf32, #tpu.memory_space<vmem>>) target(%dma_start3A_142 : memref<10112x128xf32, #tpu.memory_space<vmem_shared>>) offsets(%dma_start3A_139 : memref<128xi32, #tpu.memory_space<vmem>>) semaphore(%run_scoped3A_132 : memref<!tpu.dma_semaphore, #tpu.memory_space<semaphore_mem>>) {add = true}
        %dma_wait3A_143 = arith.constant 0 : i32
        %dma_wait3A_144 = arith.constant 0 : i32
        %dma_wait3A_145 = tpu.memref_slice %arg7[%scan3A_17, %dma_wait3A_143, %dma_wait3A_144] : memref<2x128x128xf32, #tpu.memory_space<vmem>> -> memref<1x128x128xf32, #tpu.memory_space<vmem>>
        %dma_wait3A_146 = tpu.memref_squeeze %dma_wait3A_145 : memref<1x128x128xf32, #tpu.memory_space<vmem>> -> memref<128x128xf32, #tpu.memory_space<vmem>>
        %dma_wait3A_147 = arith.constant 0 : i32
        %dma_wait3A_148 = tpu.memref_slice %arg6[%mul3A_77, %run_scoped3A, %dma_wait3A_147] : memref<40x2x128xi32, #tpu.memory_space<vmem>> -> memref<1x1x128xi32, #tpu.memory_space<vmem>>
        %dma_wait3A_149 = tpu.memref_squeeze %dma_wait3A_148 : memref<1x1x128xi32, #tpu.memory_space<vmem>> -> memref<128xi32, #tpu.memory_space<vmem>>
        %dma_wait3A_150 = arith.constant 0 : i32
        %dma_wait3A_151 = arith.constant 0 : i32
        %dma_wait3A_152 = tpu.memref_slice %arg8[%dma_wait3A_150, %dma_wait3A_151] : memref<10112x128xf32, #tpu.memory_space<vmem_shared>> -> memref<10112x128xf32, #tpu.memory_space<vmem_shared>>
        tpu.wait_indirect_dma semaphore(%run_scoped3A_132 : memref<!tpu.dma_semaphore, #tpu.memory_space<semaphore_mem>>) src(%dma_wait3A_146 : memref<128x128xf32, #tpu.memory_space<vmem>>) dst(%dma_wait3A_152 : memref<10112x128xf32, #tpu.memory_space<vmem_shared>>)
        tpu.yield
      }) : () -> ()
      %add3A_102 = arith.constant 1 : i32
      %add3A_103 = arith.addi %mul3A_77, %add3A_102 : i32
      %dma_wait3A_104 = arith.constant 0 : i32
      %dma_wait3A_105 = arith.constant 0 : i32
      %dma_wait3A_106 = arith.constant 0 : i32
      %dma_wait3A_107 = tpu.memref_slice %arg7[%scan3A_18, %dma_wait3A_105, %dma_wait3A_106] : memref<2x128x128xf32, #tpu.memory_space<vmem>> -> memref<1x128x128xf32, #tpu.memory_space<vmem>>
      %dma_wait3A_108 = tpu.memref_squeeze %dma_wait3A_107 : memref<1x128x128xf32, #tpu.memory_space<vmem>> -> memref<128x128xf32, #tpu.memory_space<vmem>>
      %dma_wait3A_109 = arith.constant 0 : i32
      %dma_wait3A_110 = tpu.memref_slice %arg6[%add3A_103, %dma_wait3A_104, %dma_wait3A_109] : memref<40x2x128xi32, #tpu.memory_space<vmem>> -> memref<1x1x128xi32, #tpu.memory_space<vmem>>
      %dma_wait3A_111 = tpu.memref_squeeze %dma_wait3A_110 : memref<1x1x128xi32, #tpu.memory_space<vmem>> -> memref<128xi32, #tpu.memory_space<vmem>>
      %dma_wait3A_112 = arith.constant 0 : i32
      %dma_wait3A_113 = arith.constant 0 : i32
      %dma_wait3A_114 = tpu.memref_slice %arg3[%dma_wait3A_112, %dma_wait3A_113] : memref<10000x128xf32, #tpu.memory_space<hbm>> -> memref<10000x128xf32, #tpu.memory_space<hbm>>
      tpu.wait_indirect_dma semaphore(%arg10 : memref<!tpu.dma_semaphore, #tpu.memory_space<semaphore_mem>>) src(%dma_wait3A_114 : memref<10000x128xf32, #tpu.memory_space<hbm>>) dst(%dma_wait3A_108 : memref<128x128xf32, #tpu.memory_space<vmem>>)
      %add3A_115 = arith.constant 2 : i32
      %add3A_116 = arith.addi %mul3A_77, %add3A_115 : i32
      %rem3A = arith.constant 40 : i32
      %rem3A_117 = arith.remsi %add3A_116, %rem3A : i32
      %dma_start3A_118 = arith.constant 0 : i32
      %dma_start3A_119 = arith.constant 0 : i32
      %dma_start3A_120 = arith.constant 0 : i32
      %dma_start3A_121 = tpu.memref_slice %arg7[%scan3A_17, %dma_start3A_119, %dma_start3A_120] : memref<2x128x128xf32, #tpu.memory_space<vmem>> -> memref<1x128x128xf32, #tpu.memory_space<vmem>>
      %dma_start3A_122 = tpu.memref_squeeze %dma_start3A_121 : memref<1x128x128xf32, #tpu.memory_space<vmem>> -> memref<128x128xf32, #tpu.memory_space<vmem>>
      %dma_start3A_123 = arith.constant 0 : i32
      %dma_start3A_124 = tpu.memref_slice %arg6[%rem3A_117, %dma_start3A_118, %dma_start3A_123] : memref<40x2x128xi32, #tpu.memory_space<vmem>> -> memref<1x1x128xi32, #tpu.memory_space<vmem>>
      %dma_start3A_125 = tpu.memref_squeeze %dma_start3A_124 : memref<1x1x128xi32, #tpu.memory_space<vmem>> -> memref<128xi32, #tpu.memory_space<vmem>>
      %dma_start3A_126 = arith.constant 0 : i32
      %dma_start3A_127 = arith.constant 0 : i32
      %dma_start3A_128 = tpu.memref_slice %arg3[%dma_start3A_126, %dma_start3A_127] : memref<10000x128xf32, #tpu.memory_space<hbm>> -> memref<10000x128xf32, #tpu.memory_space<hbm>>
      tpu.enqueue_indirect_dma source(%dma_start3A_128 : memref<10000x128xf32, #tpu.memory_space<hbm>>) target(%dma_start3A_122 : memref<128x128xf32, #tpu.memory_space<vmem>>) offsets(%dma_start3A_125 : memref<128xi32, #tpu.memory_space<vmem>>) semaphore(%arg9 : memref<!tpu.dma_semaphore, #tpu.memory_space<semaphore_mem>>)
      %add3A_129 = arith.constant 1 : i32
      %add3A_130 = arith.addi %mul3A_77, %add3A_129 : i32
      %run_scoped3A_131 = arith.constant 1 : i32
      "tpu.region"() ({
        %run_scoped3A_132 = tpu.sem_alloc : memref<!tpu.dma_semaphore, #tpu.memory_space<semaphore_mem>>
        %dma_start3A_133 = arith.constant 0 : i32
        %dma_start3A_134 = arith.constant 0 : i32
        %dma_start3A_135 = tpu.memref_slice %arg7[%scan3A_18, %dma_start3A_133, %dma_start3A_134] : memref<2x128x128xf32, #tpu.memory_space<vmem>> -> memref<1x128x128xf32, #tpu.memory_space<vmem>>
        %dma_start3A_136 = tpu.memref_squeeze %dma_start3A_135 : memref<1x128x128xf32, #tpu.memory_space<vmem>> -> memref<128x128xf32, #tpu.memory_space<vmem>>
        %dma_start3A_137 = arith.constant 0 : i32
        %dma_start3A_138 = tpu.memref_slice %arg6[%add3A_130, %run_scoped3A_131, %dma_start3A_137] : memref<40x2x128xi32, #tpu.memory_space<vmem>> -> memref<1x1x128xi32, #tpu.memory_space<vmem>>
        %dma_start3A_139 = tpu.memref_squeeze %dma_start3A_138 : memref<1x1x128xi32, #tpu.memory_space<vmem>> -> memref<128xi32, #tpu.memory_space<vmem>>
        %dma_start3A_140 = arith.constant 0 : i32
        %dma_start3A_141 = arith.constant 0 : i32
        %dma_start3A_142 = tpu.memref_slice %arg8[%dma_start3A_140, %dma_start3A_141] : memref<10112x128xf32, #tpu.memory_space<vmem_shared>> -> memref<10112x128xf32, #tpu.memory_space<vmem_shared>>
        tpu.enqueue_indirect_dma source(%dma_start3A_136 : memref<128x128xf32, #tpu.memory_space<vmem>>) target(%dma_start3A_142 : memref<10112x128xf32, #tpu.memory_space<vmem_shared>>) offsets(%dma_start3A_139 : memref<128xi32, #tpu.memory_space<vmem>>) semaphore(%run_scoped3A_132 : memref<!tpu.dma_semaphore, #tpu.memory_space<semaphore_mem>>) {add = true}
        %dma_wait3A_143 = arith.constant 0 : i32
        %dma_wait3A_144 = arith.constant 0 : i32
        %dma_wait3A_145 = tpu.memref_slice %arg7[%scan3A_18, %dma_wait3A_143, %dma_wait3A_144] : memref<2x128x128xf32, #tpu.memory_space<vmem>> -> memref<1x128x128xf32, #tpu.memory_space<vmem>>
        %dma_wait3A_146 = tpu.memref_squeeze %dma_wait3A_145 : memref<1x128x128xf32, #tpu.memory_space<vmem>> -> memref<128x128xf32, #tpu.memory_space<vmem>>
        %dma_wait3A_147 = arith.constant 0 : i32
        %dma_wait3A_148 = tpu.memref_slice %arg6[%add3A_130, %run_scoped3A_131, %dma_wait3A_147] : memref<40x2x128xi32, #tpu.memory_space<vmem>> -> memref<1x1x128xi32, #tpu.memory_space<vmem>>
        %dma_wait3A_149 = tpu.memref_squeeze %dma_wait3A_148 : memref<1x1x128xi32, #tpu.memory_space<vmem>> -> memref<128xi32, #tpu.memory_space<vmem>>
        %dma_wait3A_150 = arith.constant 0 : i32
        %dma_wait3A_151 = arith.constant 0 : i32
        %dma_wait3A_152 = tpu.memref_slice %arg8[%dma_wait3A_150, %dma_wait3A_151] : memref<10112x128xf32, #tpu.memory_space<vmem_shared>> -> memref<10112x128xf32, #tpu.memory_space<vmem_shared>>
        tpu.wait_indirect_dma semaphore(%run_scoped3A_132 : memref<!tpu.dma_semaphore, #tpu.memory_space<semaphore_mem>>) src(%dma_wait3A_146 : memref<128x128xf32, #tpu.memory_space<vmem>>) dst(%dma_wait3A_152 : memref<10112x128xf32, #tpu.memory_space<vmem_shared>>)
        tpu.yield
      }) : () -> ()
    }
    %scan3A_23 = arith.constant 20 : i32
    %dma_wait3A = arith.constant 0 : i32
    %dma_wait3A_24 = arith.constant 0 : i32
    %dma_wait3A_25 = arith.constant 0 : i32
    %dma_wait3A_26 = arith.constant 0 : i32
    %dma_wait3A_27 = arith.constant 0 : i32
    %dma_wait3A_28 = tpu.memref_slice %arg7[%dma_wait3A_25, %dma_wait3A_26, %dma_wait3A_27] : memref<2x128x128xf32, #tpu.memory_space<vmem>> -> memref<1x128x128xf32, #tpu.memory_space<vmem>>
    %dma_wait3A_29 = tpu.memref_squeeze %dma_wait3A_28 : memref<1x128x128xf32, #tpu.memory_space<vmem>> -> memref<128x128xf32, #tpu.memory_space<vmem>>
    %dma_wait3A_30 = arith.constant 0 : i32
    %dma_wait3A_31 = tpu.memref_slice %arg6[%dma_wait3A, %dma_wait3A_24, %dma_wait3A_30] : memref<40x2x128xi32, #tpu.memory_space<vmem>> -> memref<1x1x128xi32, #tpu.memory_space<vmem>>
    %dma_wait3A_32 = tpu.memref_squeeze %dma_wait3A_31 : memref<1x1x128xi32, #tpu.memory_space<vmem>> -> memref<128xi32, #tpu.memory_space<vmem>>
    %dma_wait3A_33 = arith.constant 0 : i32
    %dma_wait3A_34 = arith.constant 0 : i32
    %dma_wait3A_35 = tpu.memref_slice %arg3[%dma_wait3A_33, %dma_wait3A_34] : memref<10000x128xf32, #tpu.memory_space<hbm>> -> memref<10000x128xf32, #tpu.memory_space<hbm>>
    tpu.wait_indirect_dma semaphore(%arg9 : memref<!tpu.dma_semaphore, #tpu.memory_space<semaphore_mem>>) src(%dma_wait3A_35 : memref<10000x128xf32, #tpu.memory_space<hbm>>) dst(%dma_wait3A_29 : memref<128x128xf32, #tpu.memory_space<vmem>>)
    "tpu.region"() ({
      %run_scoped3A = tpu.sem_alloc : memref<!tpu.dma_semaphore, #tpu.memory_space<semaphore_mem>>
      %dma_start3A_75 = arith.constant 40 : i32
      %dma_start3A_76 = arith.constant 0 : i32
      %dma_start3A_77 = arith.constant 0 : i32
      %dma_start3A_78 = tpu.memref_slice %arg2[%add3A, %dma_start3A_75, %dma_start3A_76, %dma_start3A_77] : memref<32x80x2x128xi32, #tpu.memory_space<hbm>> -> memref<1x40x2x128xi32, #tpu.memory_space<hbm>>
      %dma_start3A_79 = tpu.memref_squeeze %dma_start3A_78 : memref<1x40x2x128xi32, #tpu.memory_space<hbm>> -> memref<40x2x128xi32, #tpu.memory_space<hbm>>
      %dma_start3A_80 = arith.constant 40 : i32
      %dma_start3A_81 = arith.constant 0 : i32
      %dma_start3A_82 = arith.constant 0 : i32
      %dma_start3A_83 = tpu.memref_slice %arg2[%add3A, %dma_start3A_80, %dma_start3A_81, %dma_start3A_82] : memref<32x80x2x128xi32, #tpu.memory_space<hbm>> -> memref<1x40x2x128xi32, #tpu.memory_space<hbm>>
      %dma_start3A_84 = tpu.memref_squeeze %dma_start3A_83 : memref<1x40x2x128xi32, #tpu.memory_space<hbm>> -> memref<40x2x128xi32, #tpu.memory_space<hbm>>
      tpu.enqueue_dma source(%dma_start3A_84 : memref<40x2x128xi32, #tpu.memory_space<hbm>>) target(%arg6 : memref<40x2x128xi32, #tpu.memory_space<vmem>>) target_semaphore(%run_scoped3A : memref<!tpu.dma_semaphore, #tpu.memory_space<semaphore_mem>>)
      %dma_wait3A_85 = arith.constant 40 : i32
      %dma_wait3A_86 = arith.constant 0 : i32
      %dma_wait3A_87 = arith.constant 0 : i32
      %dma_wait3A_88 = tpu.memref_slice %arg2[%add3A, %dma_wait3A_85, %dma_wait3A_86, %dma_wait3A_87] : memref<32x80x2x128xi32, #tpu.memory_space<hbm>> -> memref<1x40x2x128xi32, #tpu.memory_space<hbm>>
      %dma_wait3A_89 = tpu.memref_squeeze %dma_wait3A_88 : memref<1x40x2x128xi32, #tpu.memory_space<hbm>> -> memref<40x2x128xi32, #tpu.memory_space<hbm>>
      %dma_wait3A_90 = arith.constant 40 : i32
      %dma_wait3A_91 = arith.constant 0 : i32
      %dma_wait3A_92 = arith.constant 0 : i32
      %dma_wait3A_93 = tpu.memref_slice %arg2[%add3A, %dma_wait3A_90, %dma_wait3A_91, %dma_wait3A_92] : memref<32x80x2x128xi32, #tpu.memory_space<hbm>> -> memref<1x40x2x128xi32, #tpu.memory_space<hbm>>
      %dma_wait3A_94 = tpu.memref_squeeze %dma_wait3A_93 : memref<1x40x2x128xi32, #tpu.memory_space<hbm>> -> memref<40x2x128xi32, #tpu.memory_space<hbm>>
      tpu.wait_dma2 semaphore(%run_scoped3A : memref<!tpu.dma_semaphore, #tpu.memory_space<semaphore_mem>>) src(%dma_wait3A_94 : memref<40x2x128xi32, #tpu.memory_space<hbm>>) dst(%arg6 : memref<40x2x128xi32, #tpu.memory_space<vmem>>)
      tpu.yield
    }) : () -> ()
    %dma_start3A_36 = arith.constant 0 : i32
    %dma_start3A_37 = arith.constant 0 : i32
    %dma_start3A_38 = arith.constant 0 : i32
    %dma_start3A_39 = arith.constant 0 : i32
    %dma_start3A_40 = arith.constant 0 : i32
    %dma_start3A_41 = tpu.memref_slice %arg7[%dma_start3A_38, %dma_start3A_39, %dma_start3A_40] : memref<2x128x128xf32, #tpu.memory_space<vmem>> -> memref<1x128x128xf32, #tpu.memory_space<vmem>>
    %dma_start3A_42 = tpu.memref_squeeze %dma_start3A_41 : memref<1x128x128xf32, #tpu.memory_space<vmem>> -> memref<128x128xf32, #tpu.memory_space<vmem>>
    %dma_start3A_43 = arith.constant 0 : i32
    %dma_start3A_44 = tpu.memref_slice %arg6[%dma_start3A_36, %dma_start3A_37, %dma_start3A_43] : memref<40x2x128xi32, #tpu.memory_space<vmem>> -> memref<1x1x128xi32, #tpu.memory_space<vmem>>
    %dma_start3A_45 = tpu.memref_squeeze %dma_start3A_44 : memref<1x1x128xi32, #tpu.memory_space<vmem>> -> memref<128xi32, #tpu.memory_space<vmem>>
    %dma_start3A_46 = arith.constant 0 : i32
    %dma_start3A_47 = arith.constant 0 : i32
    %dma_start3A_48 = tpu.memref_slice %arg3[%dma_start3A_46, %dma_start3A_47] : memref<10000x128xf32, #tpu.memory_space<hbm>> -> memref<10000x128xf32, #tpu.memory_space<hbm>>
    tpu.enqueue_indirect_dma source(%dma_start3A_48 : memref<10000x128xf32, #tpu.memory_space<hbm>>) target(%dma_start3A_42 : memref<128x128xf32, #tpu.memory_space<vmem>>) offsets(%dma_start3A_45 : memref<128xi32, #tpu.memory_space<vmem>>) semaphore(%arg9 : memref<!tpu.dma_semaphore, #tpu.memory_space<semaphore_mem>>)
    %scan3A_49 = arith.constant 0 : i32
    %scan3A_50 = arith.constant 0 : i32
    %scan3A_51 = arith.constant 1 : i32
    %scan3A_52 = arith.constant 0 : i32
    %scan3A_53 = arith.constant 20 : i32
    %scan3A_54 = arith.addi %scan3A_52, %scan3A_53 : i32
    %scan3A_55 = arith.constant 1 : i32
    scf.for %scan3A_75 = %scan3A_52 to %scan3A_54 step %scan3A_55  : i32 {
      %mul3A_76 = arith.constant 2 : i32
      %mul3A_77 = arith.muli %mul3A_76, %scan3A_75 : i32
      %dma_wait3A_78 = arith.constant 0 : i32
      %dma_wait3A_79 = arith.constant 0 : i32
      %dma_wait3A_80 = arith.constant 0 : i32
      %dma_wait3A_81 = tpu.memref_slice %arg7[%scan3A_50, %dma_wait3A_79, %dma_wait3A_80] : memref<2x128x128xf32, #tpu.memory_space<vmem>> -> memref<1x128x128xf32, #tpu.memory_space<vmem>>
      %dma_wait3A_82 = tpu.memref_squeeze %dma_wait3A_81 : memref<1x128x128xf32, #tpu.memory_space<vmem>> -> memref<128x128xf32, #tpu.memory_space<vmem>>
      %dma_wait3A_83 = arith.constant 0 : i32
      %dma_wait3A_84 = tpu.memref_slice %arg6[%mul3A_77, %dma_wait3A_78, %dma_wait3A_83] : memref<40x2x128xi32, #tpu.memory_space<vmem>> -> memref<1x1x128xi32, #tpu.memory_space<vmem>>
      %dma_wait3A_85 = tpu.memref_squeeze %dma_wait3A_84 : memref<1x1x128xi32, #tpu.memory_space<vmem>> -> memref<128xi32, #tpu.memory_space<vmem>>
      %dma_wait3A_86 = arith.constant 0 : i32
      %dma_wait3A_87 = arith.constant 0 : i32
      %dma_wait3A_88 = tpu.memref_slice %arg3[%dma_wait3A_86, %dma_wait3A_87] : memref<10000x128xf32, #tpu.memory_space<hbm>> -> memref<10000x128xf32, #tpu.memory_space<hbm>>
      tpu.wait_indirect_dma semaphore(%arg9 : memref<!tpu.dma_semaphore, #tpu.memory_space<semaphore_mem>>) src(%dma_wait3A_88 : memref<10000x128xf32, #tpu.memory_space<hbm>>) dst(%dma_wait3A_82 : memref<128x128xf32, #tpu.memory_space<vmem>>)
      %add3A_89 = arith.constant 1 : i32
      %add3A_90 = arith.addi %mul3A_77, %add3A_89 : i32
      %dma_start3A_91 = arith.constant 0 : i32
      %dma_start3A_92 = arith.constant 0 : i32
      %dma_start3A_93 = arith.constant 0 : i32
      %dma_start3A_94 = tpu.memref_slice %arg7[%scan3A_51, %dma_start3A_92, %dma_start3A_93] : memref<2x128x128xf32, #tpu.memory_space<vmem>> -> memref<1x128x128xf32, #tpu.memory_space<vmem>>
      %dma_start3A_95 = tpu.memref_squeeze %dma_start3A_94 : memref<1x128x128xf32, #tpu.memory_space<vmem>> -> memref<128x128xf32, #tpu.memory_space<vmem>>
      %dma_start3A_96 = arith.constant 0 : i32
      %dma_start3A_97 = tpu.memref_slice %arg6[%add3A_90, %dma_start3A_91, %dma_start3A_96] : memref<40x2x128xi32, #tpu.memory_space<vmem>> -> memref<1x1x128xi32, #tpu.memory_space<vmem>>
      %dma_start3A_98 = tpu.memref_squeeze %dma_start3A_97 : memref<1x1x128xi32, #tpu.memory_space<vmem>> -> memref<128xi32, #tpu.memory_space<vmem>>
      %dma_start3A_99 = arith.constant 0 : i32
      %dma_start3A_100 = arith.constant 0 : i32
      %dma_start3A_101 = tpu.memref_slice %arg3[%dma_start3A_99, %dma_start3A_100] : memref<10000x128xf32, #tpu.memory_space<hbm>> -> memref<10000x128xf32, #tpu.memory_space<hbm>>
      tpu.enqueue_indirect_dma source(%dma_start3A_101 : memref<10000x128xf32, #tpu.memory_space<hbm>>) target(%dma_start3A_95 : memref<128x128xf32, #tpu.memory_space<vmem>>) offsets(%dma_start3A_98 : memref<128xi32, #tpu.memory_space<vmem>>) semaphore(%arg10 : memref<!tpu.dma_semaphore, #tpu.memory_space<semaphore_mem>>)
      %run_scoped3A = arith.constant 1 : i32
      "tpu.region"() ({
        %run_scoped3A_132 = tpu.sem_alloc : memref<!tpu.dma_semaphore, #tpu.memory_space<semaphore_mem>>
        %dma_start3A_133 = arith.constant 0 : i32
        %dma_start3A_134 = arith.constant 0 : i32
        %dma_start3A_135 = tpu.memref_slice %arg7[%scan3A_50, %dma_start3A_133, %dma_start3A_134] : memref<2x128x128xf32, #tpu.memory_space<vmem>> -> memref<1x128x128xf32, #tpu.memory_space<vmem>>
        %dma_start3A_136 = tpu.memref_squeeze %dma_start3A_135 : memref<1x128x128xf32, #tpu.memory_space<vmem>> -> memref<128x128xf32, #tpu.memory_space<vmem>>
        %dma_start3A_137 = arith.constant 0 : i32
        %dma_start3A_138 = tpu.memref_slice %arg6[%mul3A_77, %run_scoped3A, %dma_start3A_137] : memref<40x2x128xi32, #tpu.memory_space<vmem>> -> memref<1x1x128xi32, #tpu.memory_space<vmem>>
        %dma_start3A_139 = tpu.memref_squeeze %dma_start3A_138 : memref<1x1x128xi32, #tpu.memory_space<vmem>> -> memref<128xi32, #tpu.memory_space<vmem>>
        %dma_start3A_140 = arith.constant 0 : i32
        %dma_start3A_141 = arith.constant 0 : i32
        %dma_start3A_142 = tpu.memref_slice %arg8[%dma_start3A_140, %dma_start3A_141] : memref<10112x128xf32, #tpu.memory_space<vmem_shared>> -> memref<10112x128xf32, #tpu.memory_space<vmem_shared>>
        tpu.enqueue_indirect_dma source(%dma_start3A_136 : memref<128x128xf32, #tpu.memory_space<vmem>>) target(%dma_start3A_142 : memref<10112x128xf32, #tpu.memory_space<vmem_shared>>) offsets(%dma_start3A_139 : memref<128xi32, #tpu.memory_space<vmem>>) semaphore(%run_scoped3A_132 : memref<!tpu.dma_semaphore, #tpu.memory_space<semaphore_mem>>) {add = true}
        %dma_wait3A_143 = arith.constant 0 : i32
        %dma_wait3A_144 = arith.constant 0 : i32
        %dma_wait3A_145 = tpu.memref_slice %arg7[%scan3A_50, %dma_wait3A_143, %dma_wait3A_144] : memref<2x128x128xf32, #tpu.memory_space<vmem>> -> memref<1x128x128xf32, #tpu.memory_space<vmem>>
        %dma_wait3A_146 = tpu.memref_squeeze %dma_wait3A_145 : memref<1x128x128xf32, #tpu.memory_space<vmem>> -> memref<128x128xf32, #tpu.memory_space<vmem>>
        %dma_wait3A_147 = arith.constant 0 : i32
        %dma_wait3A_148 = tpu.memref_slice %arg6[%mul3A_77, %run_scoped3A, %dma_wait3A_147] : memref<40x2x128xi32, #tpu.memory_space<vmem>> -> memref<1x1x128xi32, #tpu.memory_space<vmem>>
        %dma_wait3A_149 = tpu.memref_squeeze %dma_wait3A_148 : memref<1x1x128xi32, #tpu.memory_space<vmem>> -> memref<128xi32, #tpu.memory_space<vmem>>
        %dma_wait3A_150 = arith.constant 0 : i32
        %dma_wait3A_151 = arith.constant 0 : i32
        %dma_wait3A_152 = tpu.memref_slice %arg8[%dma_wait3A_150, %dma_wait3A_151] : memref<10112x128xf32, #tpu.memory_space<vmem_shared>> -> memref<10112x128xf32, #tpu.memory_space<vmem_shared>>
        tpu.wait_indirect_dma semaphore(%run_scoped3A_132 : memref<!tpu.dma_semaphore, #tpu.memory_space<semaphore_mem>>) src(%dma_wait3A_146 : memref<128x128xf32, #tpu.memory_space<vmem>>) dst(%dma_wait3A_152 : memref<10112x128xf32, #tpu.memory_space<vmem_shared>>)
        tpu.yield
      }) : () -> ()
      %add3A_102 = arith.constant 1 : i32
      %add3A_103 = arith.addi %mul3A_77, %add3A_102 : i32
      %dma_wait3A_104 = arith.constant 0 : i32
      %dma_wait3A_105 = arith.constant 0 : i32
      %dma_wait3A_106 = arith.constant 0 : i32
      %dma_wait3A_107 = tpu.memref_slice %arg7[%scan3A_51, %dma_wait3A_105, %dma_wait3A_106] : memref<2x128x128xf32, #tpu.memory_space<vmem>> -> memref<1x128x128xf32, #tpu.memory_space<vmem>>
      %dma_wait3A_108 = tpu.memref_squeeze %dma_wait3A_107 : memref<1x128x128xf32, #tpu.memory_space<vmem>> -> memref<128x128xf32, #tpu.memory_space<vmem>>
      %dma_wait3A_109 = arith.constant 0 : i32
      %dma_wait3A_110 = tpu.memref_slice %arg6[%add3A_103, %dma_wait3A_104, %dma_wait3A_109] : memref<40x2x128xi32, #tpu.memory_space<vmem>> -> memref<1x1x128xi32, #tpu.memory_space<vmem>>
      %dma_wait3A_111 = tpu.memref_squeeze %dma_wait3A_110 : memref<1x1x128xi32, #tpu.memory_space<vmem>> -> memref<128xi32, #tpu.memory_space<vmem>>
      %dma_wait3A_112 = arith.constant 0 : i32
      %dma_wait3A_113 = arith.constant 0 : i32
      %dma_wait3A_114 = tpu.memref_slice %arg3[%dma_wait3A_112, %dma_wait3A_113] : memref<10000x128xf32, #tpu.memory_space<hbm>> -> memref<10000x128xf32, #tpu.memory_space<hbm>>
      tpu.wait_indirect_dma semaphore(%arg10 : memref<!tpu.dma_semaphore, #tpu.memory_space<semaphore_mem>>) src(%dma_wait3A_114 : memref<10000x128xf32, #tpu.memory_space<hbm>>) dst(%dma_wait3A_108 : memref<128x128xf32, #tpu.memory_space<vmem>>)
      %add3A_115 = arith.constant 2 : i32
      %add3A_116 = arith.addi %mul3A_77, %add3A_115 : i32
      %rem3A = arith.constant 40 : i32
      %rem3A_117 = arith.remsi %add3A_116, %rem3A : i32
      %dma_start3A_118 = arith.constant 0 : i32
      %dma_start3A_119 = arith.constant 0 : i32
      %dma_start3A_120 = arith.constant 0 : i32
      %dma_start3A_121 = tpu.memref_slice %arg7[%scan3A_50, %dma_start3A_119, %dma_start3A_120] : memref<2x128x128xf32, #tpu.memory_space<vmem>> -> memref<1x128x128xf32, #tpu.memory_space<vmem>>
      %dma_start3A_122 = tpu.memref_squeeze %dma_start3A_121 : memref<1x128x128xf32, #tpu.memory_space<vmem>> -> memref<128x128xf32, #tpu.memory_space<vmem>>
      %dma_start3A_123 = arith.constant 0 : i32
      %dma_start3A_124 = tpu.memref_slice %arg6[%rem3A_117, %dma_start3A_118, %dma_start3A_123] : memref<40x2x128xi32, #tpu.memory_space<vmem>> -> memref<1x1x128xi32, #tpu.memory_space<vmem>>
      %dma_start3A_125 = tpu.memref_squeeze %dma_start3A_124 : memref<1x1x128xi32, #tpu.memory_space<vmem>> -> memref<128xi32, #tpu.memory_space<vmem>>
      %dma_start3A_126 = arith.constant 0 : i32
      %dma_start3A_127 = arith.constant 0 : i32
      %dma_start3A_128 = tpu.memref_slice %arg3[%dma_start3A_126, %dma_start3A_127] : memref<10000x128xf32, #tpu.memory_space<hbm>> -> memref<10000x128xf32, #tpu.memory_space<hbm>>
      tpu.enqueue_indirect_dma source(%dma_start3A_128 : memref<10000x128xf32, #tpu.memory_space<hbm>>) target(%dma_start3A_122 : memref<128x128xf32, #tpu.memory_space<vmem>>) offsets(%dma_start3A_125 : memref<128xi32, #tpu.memory_space<vmem>>) semaphore(%arg9 : memref<!tpu.dma_semaphore, #tpu.memory_space<semaphore_mem>>)
      %add3A_129 = arith.constant 1 : i32
      %add3A_130 = arith.addi %mul3A_77, %add3A_129 : i32
      %run_scoped3A_131 = arith.constant 1 : i32
      "tpu.region"() ({
        %run_scoped3A_132 = tpu.sem_alloc : memref<!tpu.dma_semaphore, #tpu.memory_space<semaphore_mem>>
        %dma_start3A_133 = arith.constant 0 : i32
        %dma_start3A_134 = arith.constant 0 : i32
        %dma_start3A_135 = tpu.memref_slice %arg7[%scan3A_51, %dma_start3A_133, %dma_start3A_134] : memref<2x128x128xf32, #tpu.memory_space<vmem>> -> memref<1x128x128xf32, #tpu.memory_space<vmem>>
        %dma_start3A_136 = tpu.memref_squeeze %dma_start3A_135 : memref<1x128x128xf32, #tpu.memory_space<vmem>> -> memref<128x128xf32, #tpu.memory_space<vmem>>
        %dma_start3A_137 = arith.constant 0 : i32
        %dma_start3A_138 = tpu.memref_slice %arg6[%add3A_130, %run_scoped3A_131, %dma_start3A_137] : memref<40x2x128xi32, #tpu.memory_space<vmem>> -> memref<1x1x128xi32, #tpu.memory_space<vmem>>
        %dma_start3A_139 = tpu.memref_squeeze %dma_start3A_138 : memref<1x1x128xi32, #tpu.memory_space<vmem>> -> memref<128xi32, #tpu.memory_space<vmem>>
        %dma_start3A_140 = arith.constant 0 : i32
        %dma_start3A_141 = arith.constant 0 : i32
        %dma_start3A_142 = tpu.memref_slice %arg8[%dma_start3A_140, %dma_start3A_141] : memref<10112x128xf32, #tpu.memory_space<vmem_shared>> -> memref<10112x128xf32, #tpu.memory_space<vmem_shared>>
        tpu.enqueue_indirect_dma source(%dma_start3A_136 : memref<128x128xf32, #tpu.memory_space<vmem>>) target(%dma_start3A_142 : memref<10112x128xf32, #tpu.memory_space<vmem_shared>>) offsets(%dma_start3A_139 : memref<128xi32, #tpu.memory_space<vmem>>) semaphore(%run_scoped3A_132 : memref<!tpu.dma_semaphore, #tpu.memory_space<semaphore_mem>>) {add = true}
        %dma_wait3A_143 = arith.constant 0 : i32
        %dma_wait3A_144 = arith.constant 0 : i32
        %dma_wait3A_145 = tpu.memref_slice %arg7[%scan3A_51, %dma_wait3A_143, %dma_wait3A_144] : memref<2x128x128xf32, #tpu.memory_space<vmem>> -> memref<1x128x128xf32, #tpu.memory_space<vmem>>
        %dma_wait3A_146 = tpu.memref_squeeze %dma_wait3A_145 : memref<1x128x128xf32, #tpu.memory_space<vmem>> -> memref<128x128xf32, #tpu.memory_space<vmem>>
        %dma_wait3A_147 = arith.constant 0 : i32
        %dma_wait3A_148 = tpu.memref_slice %arg6[%add3A_130, %run_scoped3A_131, %dma_wait3A_147] : memref<40x2x128xi32, #tpu.memory_space<vmem>> -> memref<1x1x128xi32, #tpu.memory_space<vmem>>
        %dma_wait3A_149 = tpu.memref_squeeze %dma_wait3A_148 : memref<1x1x128xi32, #tpu.memory_space<vmem>> -> memref<128xi32, #tpu.memory_space<vmem>>
        %dma_wait3A_150 = arith.constant 0 : i32
        %dma_wait3A_151 = arith.constant 0 : i32
        %dma_wait3A_152 = tpu.memref_slice %arg8[%dma_wait3A_150, %dma_wait3A_151] : memref<10112x128xf32, #tpu.memory_space<vmem_shared>> -> memref<10112x128xf32, #tpu.memory_space<vmem_shared>>
        tpu.wait_indirect_dma semaphore(%run_scoped3A_132 : memref<!tpu.dma_semaphore, #tpu.memory_space<semaphore_mem>>) src(%dma_wait3A_146 : memref<128x128xf32, #tpu.memory_space<vmem>>) dst(%dma_wait3A_152 : memref<10112x128xf32, #tpu.memory_space<vmem_shared>>)
        tpu.yield
      }) : () -> ()
    }
    %scan3A_56 = arith.constant 20 : i32
    %dma_wait3A_57 = arith.constant 0 : i32
    %dma_wait3A_58 = arith.constant 0 : i32
    %dma_wait3A_59 = arith.constant 0 : i32
    %dma_wait3A_60 = arith.constant 0 : i32
    %dma_wait3A_61 = arith.constant 0 : i32
    %dma_wait3A_62 = tpu.memref_slice %arg7[%dma_wait3A_59, %dma_wait3A_60, %dma_wait3A_61] : memref<2x128x128xf32, #tpu.memory_space<vmem>> -> memref<1x128x128xf32, #tpu.memory_space<vmem>>
    %dma_wait3A_63 = tpu.memref_squeeze %dma_wait3A_62 : memref<1x128x128xf32, #tpu.memory_space<vmem>> -> memref<128x128xf32, #tpu.memory_space<vmem>>
    %dma_wait3A_64 = arith.constant 0 : i32
    %dma_wait3A_65 = tpu.memref_slice %arg6[%dma_wait3A_57, %dma_wait3A_58, %dma_wait3A_64] : memref<40x2x128xi32, #tpu.memory_space<vmem>> -> memref<1x1x128xi32, #tpu.memory_space<vmem>>
    %dma_wait3A_66 = tpu.memref_squeeze %dma_wait3A_65 : memref<1x1x128xi32, #tpu.memory_space<vmem>> -> memref<128xi32, #tpu.memory_space<vmem>>
    %dma_wait3A_67 = arith.constant 0 : i32
    %dma_wait3A_68 = arith.constant 0 : i32
    %dma_wait3A_69 = tpu.memref_slice %arg3[%dma_wait3A_67, %dma_wait3A_68] : memref<10000x128xf32, #tpu.memory_space<hbm>> -> memref<10000x128xf32, #tpu.memory_space<hbm>>
    tpu.wait_indirect_dma semaphore(%arg9 : memref<!tpu.dma_semaphore, #tpu.memory_space<semaphore_mem>>) src(%dma_wait3A_69 : memref<10000x128xf32, #tpu.memory_space<hbm>>) dst(%dma_wait3A_63 : memref<128x128xf32, #tpu.memory_space<vmem>>)
    %barrier3A_70 = arith.constant 0 : index
    tpu.barrier barrier_id(%barrier3A_70)
    %mul3A_71 = arith.constant 632 : i32
    %mul3A_72 = arith.muli %arg1, %mul3A_71 : i32
    %mul3A_73 = arith.constant 632 : i32
    %mul3A_74 = arith.muli %arg1, %mul3A_73 : i32
    "tpu.region"() ({
      %run_scoped3A = tpu.sem_alloc : memref<!tpu.dma_semaphore, #tpu.memory_space<semaphore_mem>>
      %dma_start3A_75 = arith.constant 0 : i32
      %dma_start3A_76 = tpu.memref_slice %arg5[%arg0, %mul3A_74, %dma_start3A_75] : memref<2x10112x128xf32, #tpu.memory_space<hbm>> -> memref<1x632x128xf32, #tpu.memory_space<hbm>>
      %dma_start3A_77 = tpu.memref_squeeze %dma_start3A_76 : memref<1x632x128xf32, #tpu.memory_space<hbm>> -> memref<632x128xf32, #tpu.memory_space<hbm>>
      %dma_start3A_78 = arith.constant 0 : i32
      %dma_start3A_79 = tpu.memref_slice %arg8[%mul3A_72, %dma_start3A_78] : memref<10112x128xf32, #tpu.memory_space<vmem_shared>> -> memref<632x128xf32, #tpu.memory_space<vmem_shared>>
      tpu.enqueue_dma source(%dma_start3A_79 : memref<632x128xf32, #tpu.memory_space<vmem_shared>>) target(%dma_start3A_77 : memref<632x128xf32, #tpu.memory_space<hbm>>) target_semaphore(%run_scoped3A : memref<!tpu.dma_semaphore, #tpu.memory_space<semaphore_mem>>)
      %dma_wait3A_80 = arith.constant 0 : i32
      %dma_wait3A_81 = tpu.memref_slice %arg5[%arg0, %mul3A_74, %dma_wait3A_80] : memref<2x10112x128xf32, #tpu.memory_space<hbm>> -> memref<1x632x128xf32, #tpu.memory_space<hbm>>
      %dma_wait3A_82 = tpu.memref_squeeze %dma_wait3A_81 : memref<1x632x128xf32, #tpu.memory_space<hbm>> -> memref<632x128xf32, #tpu.memory_space<hbm>>
      %dma_wait3A_83 = arith.constant 0 : i32
      %dma_wait3A_84 = tpu.memref_slice %arg8[%mul3A_72, %dma_wait3A_83] : memref<10112x128xf32, #tpu.memory_space<vmem_shared>> -> memref<632x128xf32, #tpu.memory_space<vmem_shared>>
      tpu.wait_dma2 semaphore(%run_scoped3A : memref<!tpu.dma_semaphore, #tpu.memory_space<semaphore_mem>>) src(%dma_wait3A_84 : memref<632x128xf32, #tpu.memory_space<vmem_shared>>) dst(%dma_wait3A_82 : memref<632x128xf32, #tpu.memory_space<hbm>>)
      tpu.yield
    }) : () -> ()
    return
  }
}

#map = affine_map<(d0, d1) -> (0, 0, 0, 0)>
#map1 = affine_map<(d0, d1) -> (0, 0)>
#map2 = affine_map<(d0, d1) -> (0, 0, 0)>
module attributes {stable_mosaic.version = 14 : i64} {
  func.func @_edge_body(%arg0: i32, %arg1: i32, %arg2: memref<32x80x2x128xi32, #tpu.memory_space<hbm>>, %arg3: memref<10000x128xf32, #tpu.memory_space<hbm>>, %arg4: memref<10112x128xf32, #tpu.memory_space<hbm>>, %arg5: memref<2x10112x128xf32, #tpu.memory_space<hbm>>, %arg6: memref<40x2x128xi32, #tpu.memory_space<vmem>>, %arg7: memref<2x128x128xf32, #tpu.memory_space<vmem>>, %arg8: memref<10112x128xf32, #tpu.memory_space<vmem_shared>>, %arg9: memref<!tpu.dma_semaphore, #tpu.memory_space<semaphore_mem>>, %arg10: memref<!tpu.dma_semaphore, #tpu.memory_space<semaphore_mem>>) attributes {dimension_semantics = [#tpu.dimension_semantics<core_parallel>, #tpu.dimension_semantics<subcore_parallel>], iteration_bounds = array<i64: 2, 16>, scalar_prefetch = 0 : i64, scratch_operands = 5 : i64, tpu.core_type = #tpu.core_type<sc_vector_subcore>, window_params = [{transform_indices = #map}, {transform_indices = #map1}, {transform_indices = #map1}, {transform_indices = #map2}]} {
    %mul3A = arith.constant 2 : i32
    %mul3A_0 = arith.muli %arg1, %mul3A : i32
    %add3A = arith.addi %mul3A_0, %arg0 : i32
    %mul3A_1 = arith.constant 632 : i32
    %mul3A_2 = arith.muli %arg1, %mul3A_1 : i32
    %mul3A_3 = arith.constant 632 : i32
    %mul3A_4 = arith.muli %arg1, %mul3A_3 : i32
    "tpu.region"() ({
      %run_scoped3A = tpu.sem_alloc : memref<!tpu.dma_semaphore, #tpu.memory_space<semaphore_mem>>
      %dma_start3A_75 = arith.constant 0 : i32
      %dma_start3A_76 = tpu.memref_slice %arg8[%mul3A_4, %dma_start3A_75] : memref<10112x128xf32, #tpu.memory_space<vmem_shared>> -> memref<632x128xf32, #tpu.memory_space<vmem_shared>>
      %dma_start3A_77 = arith.constant 0 : i32
      %dma_start3A_78 = tpu.memref_slice %arg4[%mul3A_2, %dma_start3A_77] : memref<10112x128xf32, #tpu.memory_space<hbm>> -> memref<632x128xf32, #tpu.memory_space<hbm>>
      tpu.enqueue_dma source(%dma_start3A_78 : memref<632x128xf32, #tpu.memory_space<hbm>>) target(%dma_start3A_76 : memref<632x128xf32, #tpu.memory_space<vmem_shared>>) target_semaphore(%run_scoped3A : memref<!tpu.dma_semaphore, #tpu.memory_space<semaphore_mem>>)
      %dma_wait3A_79 = arith.constant 0 : i32
      %dma_wait3A_80 = tpu.memref_slice %arg8[%mul3A_4, %dma_wait3A_79] : memref<10112x128xf32, #tpu.memory_space<vmem_shared>> -> memref<632x128xf32, #tpu.memory_space<vmem_shared>>
      %dma_wait3A_81 = arith.constant 0 : i32
      %dma_wait3A_82 = tpu.memref_slice %arg4[%mul3A_2, %dma_wait3A_81] : memref<10112x128xf32, #tpu.memory_space<hbm>> -> memref<632x128xf32, #tpu.memory_space<hbm>>
      tpu.wait_dma2 semaphore(%run_scoped3A : memref<!tpu.dma_semaphore, #tpu.memory_space<semaphore_mem>>) src(%dma_wait3A_82 : memref<632x128xf32, #tpu.memory_space<hbm>>) dst(%dma_wait3A_80 : memref<632x128xf32, #tpu.memory_space<vmem_shared>>)
      tpu.yield
    }) : () -> ()
    %barrier3A = arith.constant 0 : index
    tpu.barrier barrier_id(%barrier3A)
    "tpu.region"() ({
      %run_scoped3A = tpu.sem_alloc : memref<!tpu.dma_semaphore, #tpu.memory_space<semaphore_mem>>
      %dma_start3A_75 = arith.constant 0 : i32
      %dma_start3A_76 = arith.constant 0 : i32
      %dma_start3A_77 = arith.constant 0 : i32
      %dma_start3A_78 = tpu.memref_slice %arg2[%add3A, %dma_start3A_75, %dma_start3A_76, %dma_start3A_77] : memref<32x80x2x128xi32, #tpu.memory_space<hbm>> -> memref<1x40x2x128xi32, #tpu.memory_space<hbm>>
      %dma_start3A_79 = tpu.memref_squeeze %dma_start3A_78 : memref<1x40x2x128xi32, #tpu.memory_space<hbm>> -> memref<40x2x128xi32, #tpu.memory_space<hbm>>
      %dma_start3A_80 = arith.constant 0 : i32
      %dma_start3A_81 = arith.constant 0 : i32
      %dma_start3A_82 = arith.constant 0 : i32
      %dma_start3A_83 = tpu.memref_slice %arg2[%add3A, %dma_start3A_80, %dma_start3A_81, %dma_start3A_82] : memref<32x80x2x128xi32, #tpu.memory_space<hbm>> -> memref<1x40x2x128xi32, #tpu.memory_space<hbm>>
      %dma_start3A_84 = tpu.memref_squeeze %dma_start3A_83 : memref<1x40x2x128xi32, #tpu.memory_space<hbm>> -> memref<40x2x128xi32, #tpu.memory_space<hbm>>
      tpu.enqueue_dma source(%dma_start3A_84 : memref<40x2x128xi32, #tpu.memory_space<hbm>>) target(%arg6 : memref<40x2x128xi32, #tpu.memory_space<vmem>>) target_semaphore(%run_scoped3A : memref<!tpu.dma_semaphore, #tpu.memory_space<semaphore_mem>>)
      %dma_wait3A_85 = arith.constant 0 : i32
      %dma_wait3A_86 = arith.constant 0 : i32
      %dma_wait3A_87 = arith.constant 0 : i32
      %dma_wait3A_88 = tpu.memref_slice %arg2[%add3A, %dma_wait3A_85, %dma_wait3A_86, %dma_wait3A_87] : memref<32x80x2x128xi32, #tpu.memory_space<hbm>> -> memref<1x40x2x128xi32, #tpu.memory_space<hbm>>
      %dma_wait3A_89 = tpu.memref_squeeze %dma_wait3A_88 : memref<1x40x2x128xi32, #tpu.memory_space<hbm>> -> memref<40x2x128xi32, #tpu.memory_space<hbm>>
      %dma_wait3A_90 = arith.constant 0 : i32
      %dma_wait3A_91 = arith.constant 0 : i32
      %dma_wait3A_92 = arith.constant 0 : i32
      %dma_wait3A_93 = tpu.memref_slice %arg2[%add3A, %dma_wait3A_90, %dma_wait3A_91, %dma_wait3A_92] : memref<32x80x2x128xi32, #tpu.memory_space<hbm>> -> memref<1x40x2x128xi32, #tpu.memory_space<hbm>>
      %dma_wait3A_94 = tpu.memref_squeeze %dma_wait3A_93 : memref<1x40x2x128xi32, #tpu.memory_space<hbm>> -> memref<40x2x128xi32, #tpu.memory_space<hbm>>
      tpu.wait_dma2 semaphore(%run_scoped3A : memref<!tpu.dma_semaphore, #tpu.memory_space<semaphore_mem>>) src(%dma_wait3A_94 : memref<40x2x128xi32, #tpu.memory_space<hbm>>) dst(%arg6 : memref<40x2x128xi32, #tpu.memory_space<vmem>>)
      tpu.yield
    }) : () -> ()
    %dma_start3A = arith.constant 0 : i32
    %dma_start3A_5 = arith.constant 0 : i32
    %dma_start3A_6 = arith.constant 0 : i32
    %dma_start3A_7 = arith.constant 0 : i32
    %dma_start3A_8 = arith.constant 0 : i32
    %dma_start3A_9 = tpu.memref_slice %arg7[%dma_start3A_6, %dma_start3A_7, %dma_start3A_8] : memref<2x128x128xf32, #tpu.memory_space<vmem>> -> memref<1x128x128xf32, #tpu.memory_space<vmem>>
    %dma_start3A_10 = tpu.memref_squeeze %dma_start3A_9 : memref<1x128x128xf32, #tpu.memory_space<vmem>> -> memref<128x128xf32, #tpu.memory_space<vmem>>
    %dma_start3A_11 = arith.constant 0 : i32
    %dma_start3A_12 = tpu.memref_slice %arg6[%dma_start3A, %dma_start3A_5, %dma_start3A_11] : memref<40x2x128xi32, #tpu.memory_space<vmem>> -> memref<1x1x128xi32, #tpu.memory_space<vmem>>
    %dma_start3A_13 = tpu.memref_squeeze %dma_start3A_12 : memref<1x1x128xi32, #tpu.memory_space<vmem>> -> memref<128xi32, #tpu.memory_space<vmem>>
    %dma_start3A_14 = arith.constant 0 : i32
    %dma_start3A_15 = arith.constant 0 : i32
    %dma_start3A_16 = tpu.memref_slice %arg3[%dma_start3A_14, %dma_start3A_15] : memref<10000x128xf32, #tpu.memory_space<hbm>> -> memref<10000x128xf32, #tpu.memory_space<hbm>>
    tpu.enqueue_indirect_dma source(%dma_start3A_16 : memref<10000x128xf32, #tpu.memory_space<hbm>>) target(%dma_start3A_10 : memref<128x128xf32, #tpu.memory_space<vmem>>) offsets(%dma_start3A_13 : memref<128xi32, #tpu.memory_space<vmem>>) semaphore(%arg9 : memref<!tpu.dma_semaphore, #tpu.memory_space<semaphore_mem>>)
    %scan3A = arith.constant 0 : i32
    %scan3A_17 = arith.constant 0 : i32
    %scan3A_18 = arith.constant 1 : i32
    %scan3A_19 = arith.constant 0 : i32
    %scan3A_20 = arith.constant 20 : i32
    %scan3A_21 = arith.addi %scan3A_19, %scan3A_20 : i32
    %scan3A_22 = arith.constant 1 : i32
    scf.for %scan3A_75 = %scan3A_19 to %scan3A_21 step %scan3A_22  : i32 {
      %mul3A_76 = arith.constant 2 : i32
      %mul3A_77 = arith.muli %mul3A_76, %scan3A_75 : i32
      %dma_wait3A_78 = arith.constant 0 : i32
      %dma_wait3A_79 = arith.constant 0 : i32
      %dma_wait3A_80 = arith.constant 0 : i32
      %dma_wait3A_81 = tpu.memref_slice %arg7[%scan3A_17, %dma_wait3A_79, %dma_wait3A_80] : memref<2x128x128xf32, #tpu.memory_space<vmem>> -> memref<1x128x128xf32, #tpu.memory_space<vmem>>
      %dma_wait3A_82 = tpu.memref_squeeze %dma_wait3A_81 : memref<1x128x128xf32, #tpu.memory_space<vmem>> -> memref<128x128xf32, #tpu.memory_space<vmem>>
      %dma_wait3A_83 = arith.constant 0 : i32
      %dma_wait3A_84 = tpu.memref_slice %arg6[%mul3A_77, %dma_wait3A_78, %dma_wait3A_83] : memref<40x2x128xi32, #tpu.memory_space<vmem>> -> memref<1x1x128xi32, #tpu.memory_space<vmem>>
      %dma_wait3A_85 = tpu.memref_squeeze %dma_wait3A_84 : memref<1x1x128xi32, #tpu.memory_space<vmem>> -> memref<128xi32, #tpu.memory_space<vmem>>
      %dma_wait3A_86 = arith.constant 0 : i32
      %dma_wait3A_87 = arith.constant 0 : i32
      %dma_wait3A_88 = tpu.memref_slice %arg3[%dma_wait3A_86, %dma_wait3A_87] : memref<10000x128xf32, #tpu.memory_space<hbm>> -> memref<10000x128xf32, #tpu.memory_space<hbm>>
      tpu.wait_indirect_dma semaphore(%arg9 : memref<!tpu.dma_semaphore, #tpu.memory_space<semaphore_mem>>) src(%dma_wait3A_88 : memref<10000x128xf32, #tpu.memory_space<hbm>>) dst(%dma_wait3A_82 : memref<128x128xf32, #tpu.memory_space<vmem>>)
      %add3A_89 = arith.constant 1 : i32
      %add3A_90 = arith.addi %mul3A_77, %add3A_89 : i32
      %dma_start3A_91 = arith.constant 0 : i32
      %dma_start3A_92 = arith.constant 0 : i32
      %dma_start3A_93 = arith.constant 0 : i32
      %dma_start3A_94 = tpu.memref_slice %arg7[%scan3A_18, %dma_start3A_92, %dma_start3A_93] : memref<2x128x128xf32, #tpu.memory_space<vmem>> -> memref<1x128x128xf32, #tpu.memory_space<vmem>>
      %dma_start3A_95 = tpu.memref_squeeze %dma_start3A_94 : memref<1x128x128xf32, #tpu.memory_space<vmem>> -> memref<128x128xf32, #tpu.memory_space<vmem>>
      %dma_start3A_96 = arith.constant 0 : i32
      %dma_start3A_97 = tpu.memref_slice %arg6[%add3A_90, %dma_start3A_91, %dma_start3A_96] : memref<40x2x128xi32, #tpu.memory_space<vmem>> -> memref<1x1x128xi32, #tpu.memory_space<vmem>>
      %dma_start3A_98 = tpu.memref_squeeze %dma_start3A_97 : memref<1x1x128xi32, #tpu.memory_space<vmem>> -> memref<128xi32, #tpu.memory_space<vmem>>
      %dma_start3A_99 = arith.constant 0 : i32
      %dma_start3A_100 = arith.constant 0 : i32
      %dma_start3A_101 = tpu.memref_slice %arg3[%dma_start3A_99, %dma_start3A_100] : memref<10000x128xf32, #tpu.memory_space<hbm>> -> memref<10000x128xf32, #tpu.memory_space<hbm>>
      tpu.enqueue_indirect_dma source(%dma_start3A_101 : memref<10000x128xf32, #tpu.memory_space<hbm>>) target(%dma_start3A_95 : memref<128x128xf32, #tpu.memory_space<vmem>>) offsets(%dma_start3A_98 : memref<128xi32, #tpu.memory_space<vmem>>) semaphore(%arg10 : memref<!tpu.dma_semaphore, #tpu.memory_space<semaphore_mem>>)
      %run_scoped3A = arith.constant 1 : i32
      "tpu.region"() ({
        %run_scoped3A_132 = tpu.sem_alloc : memref<!tpu.dma_semaphore, #tpu.memory_space<semaphore_mem>>
        %dma_start3A_133 = arith.constant 0 : i32
        %dma_start3A_134 = arith.constant 0 : i32
        %dma_start3A_135 = tpu.memref_slice %arg7[%scan3A_17, %dma_start3A_133, %dma_start3A_134] : memref<2x128x128xf32, #tpu.memory_space<vmem>> -> memref<1x128x128xf32, #tpu.memory_space<vmem>>
        %dma_start3A_136 = tpu.memref_squeeze %dma_start3A_135 : memref<1x128x128xf32, #tpu.memory_space<vmem>> -> memref<128x128xf32, #tpu.memory_space<vmem>>
        %dma_start3A_137 = arith.constant 0 : i32
        %dma_start3A_138 = tpu.memref_slice %arg6[%mul3A_77, %run_scoped3A, %dma_start3A_137] : memref<40x2x128xi32, #tpu.memory_space<vmem>> -> memref<1x1x128xi32, #tpu.memory_space<vmem>>
        %dma_start3A_139 = tpu.memref_squeeze %dma_start3A_138 : memref<1x1x128xi32, #tpu.memory_space<vmem>> -> memref<128xi32, #tpu.memory_space<vmem>>
        %dma_start3A_140 = arith.constant 0 : i32
        %dma_start3A_141 = arith.constant 0 : i32
        %dma_start3A_142 = tpu.memref_slice %arg8[%dma_start3A_140, %dma_start3A_141] : memref<10112x128xf32, #tpu.memory_space<vmem_shared>> -> memref<10112x128xf32, #tpu.memory_space<vmem_shared>>
        tpu.enqueue_indirect_dma source(%dma_start3A_136 : memref<128x128xf32, #tpu.memory_space<vmem>>) target(%dma_start3A_142 : memref<10112x128xf32, #tpu.memory_space<vmem_shared>>) offsets(%dma_start3A_139 : memref<128xi32, #tpu.memory_space<vmem>>) semaphore(%run_scoped3A_132 : memref<!tpu.dma_semaphore, #tpu.memory_space<semaphore_mem>>) {add = true}
        %dma_wait3A_143 = arith.constant 0 : i32
        %dma_wait3A_144 = arith.constant 0 : i32
        %dma_wait3A_145 = tpu.memref_slice %arg7[%scan3A_17, %dma_wait3A_143, %dma_wait3A_144] : memref<2x128x128xf32, #tpu.memory_space<vmem>> -> memref<1x128x128xf32, #tpu.memory_space<vmem>>
        %dma_wait3A_146 = tpu.memref_squeeze %dma_wait3A_145 : memref<1x128x128xf32, #tpu.memory_space<vmem>> -> memref<128x128xf32, #tpu.memory_space<vmem>>
        %dma_wait3A_147 = arith.constant 0 : i32
        %dma_wait3A_148 = tpu.memref_slice %arg6[%mul3A_77, %run_scoped3A, %dma_wait3A_147] : memref<40x2x128xi32, #tpu.memory_space<vmem>> -> memref<1x1x128xi32, #tpu.memory_space<vmem>>
        %dma_wait3A_149 = tpu.memref_squeeze %dma_wait3A_148 : memref<1x1x128xi32, #tpu.memory_space<vmem>> -> memref<128xi32, #tpu.memory_space<vmem>>
        %dma_wait3A_150 = arith.constant 0 : i32
        %dma_wait3A_151 = arith.constant 0 : i32
        %dma_wait3A_152 = tpu.memref_slice %arg8[%dma_wait3A_150, %dma_wait3A_151] : memref<10112x128xf32, #tpu.memory_space<vmem_shared>> -> memref<10112x128xf32, #tpu.memory_space<vmem_shared>>
        tpu.wait_indirect_dma semaphore(%run_scoped3A_132 : memref<!tpu.dma_semaphore, #tpu.memory_space<semaphore_mem>>) src(%dma_wait3A_146 : memref<128x128xf32, #tpu.memory_space<vmem>>) dst(%dma_wait3A_152 : memref<10112x128xf32, #tpu.memory_space<vmem_shared>>)
        tpu.yield
      }) : () -> ()
      %add3A_102 = arith.constant 1 : i32
      %add3A_103 = arith.addi %mul3A_77, %add3A_102 : i32
      %dma_wait3A_104 = arith.constant 0 : i32
      %dma_wait3A_105 = arith.constant 0 : i32
      %dma_wait3A_106 = arith.constant 0 : i32
      %dma_wait3A_107 = tpu.memref_slice %arg7[%scan3A_18, %dma_wait3A_105, %dma_wait3A_106] : memref<2x128x128xf32, #tpu.memory_space<vmem>> -> memref<1x128x128xf32, #tpu.memory_space<vmem>>
      %dma_wait3A_108 = tpu.memref_squeeze %dma_wait3A_107 : memref<1x128x128xf32, #tpu.memory_space<vmem>> -> memref<128x128xf32, #tpu.memory_space<vmem>>
      %dma_wait3A_109 = arith.constant 0 : i32
      %dma_wait3A_110 = tpu.memref_slice %arg6[%add3A_103, %dma_wait3A_104, %dma_wait3A_109] : memref<40x2x128xi32, #tpu.memory_space<vmem>> -> memref<1x1x128xi32, #tpu.memory_space<vmem>>
      %dma_wait3A_111 = tpu.memref_squeeze %dma_wait3A_110 : memref<1x1x128xi32, #tpu.memory_space<vmem>> -> memref<128xi32, #tpu.memory_space<vmem>>
      %dma_wait3A_112 = arith.constant 0 : i32
      %dma_wait3A_113 = arith.constant 0 : i32
      %dma_wait3A_114 = tpu.memref_slice %arg3[%dma_wait3A_112, %dma_wait3A_113] : memref<10000x128xf32, #tpu.memory_space<hbm>> -> memref<10000x128xf32, #tpu.memory_space<hbm>>
      tpu.wait_indirect_dma semaphore(%arg10 : memref<!tpu.dma_semaphore, #tpu.memory_space<semaphore_mem>>) src(%dma_wait3A_114 : memref<10000x128xf32, #tpu.memory_space<hbm>>) dst(%dma_wait3A_108 : memref<128x128xf32, #tpu.memory_space<vmem>>)
      %add3A_115 = arith.constant 2 : i32
      %add3A_116 = arith.addi %mul3A_77, %add3A_115 : i32
      %rem3A = arith.constant 40 : i32
      %rem3A_117 = arith.remsi %add3A_116, %rem3A : i32
      %dma_start3A_118 = arith.constant 0 : i32
      %dma_start3A_119 = arith.constant 0 : i32
      %dma_start3A_120 = arith.constant 0 : i32
      %dma_start3A_121 = tpu.memref_slice %arg7[%scan3A_17, %dma_start3A_119, %dma_start3A_120] : memref<2x128x128xf32, #tpu.memory_space<vmem>> -> memref<1x128x128xf32, #tpu.memory_space<vmem>>
      %dma_start3A_122 = tpu.memref_squeeze %dma_start3A_121 : memref<1x128x128xf32, #tpu.memory_space<vmem>> -> memref<128x128xf32, #tpu.memory_space<vmem>>
      %dma_start3A_123 = arith.constant 0 : i32
      %dma_start3A_124 = tpu.memref_slice %arg6[%rem3A_117, %dma_start3A_118, %dma_start3A_123] : memref<40x2x128xi32, #tpu.memory_space<vmem>> -> memref<1x1x128xi32, #tpu.memory_space<vmem>>
      %dma_start3A_125 = tpu.memref_squeeze %dma_start3A_124 : memref<1x1x128xi32, #tpu.memory_space<vmem>> -> memref<128xi32, #tpu.memory_space<vmem>>
      %dma_start3A_126 = arith.constant 0 : i32
      %dma_start3A_127 = arith.constant 0 : i32
      %dma_start3A_128 = tpu.memref_slice %arg3[%dma_start3A_126, %dma_start3A_127] : memref<10000x128xf32, #tpu.memory_space<hbm>> -> memref<10000x128xf32, #tpu.memory_space<hbm>>
      tpu.enqueue_indirect_dma source(%dma_start3A_128 : memref<10000x128xf32, #tpu.memory_space<hbm>>) target(%dma_start3A_122 : memref<128x128xf32, #tpu.memory_space<vmem>>) offsets(%dma_start3A_125 : memref<128xi32, #tpu.memory_space<vmem>>) semaphore(%arg9 : memref<!tpu.dma_semaphore, #tpu.memory_space<semaphore_mem>>)
      %add3A_129 = arith.constant 1 : i32
      %add3A_130 = arith.addi %mul3A_77, %add3A_129 : i32
      %run_scoped3A_131 = arith.constant 1 : i32
      "tpu.region"() ({
        %run_scoped3A_132 = tpu.sem_alloc : memref<!tpu.dma_semaphore, #tpu.memory_space<semaphore_mem>>
        %dma_start3A_133 = arith.constant 0 : i32
        %dma_start3A_134 = arith.constant 0 : i32
        %dma_start3A_135 = tpu.memref_slice %arg7[%scan3A_18, %dma_start3A_133, %dma_start3A_134] : memref<2x128x128xf32, #tpu.memory_space<vmem>> -> memref<1x128x128xf32, #tpu.memory_space<vmem>>
        %dma_start3A_136 = tpu.memref_squeeze %dma_start3A_135 : memref<1x128x128xf32, #tpu.memory_space<vmem>> -> memref<128x128xf32, #tpu.memory_space<vmem>>
        %dma_start3A_137 = arith.constant 0 : i32
        %dma_start3A_138 = tpu.memref_slice %arg6[%add3A_130, %run_scoped3A_131, %dma_start3A_137] : memref<40x2x128xi32, #tpu.memory_space<vmem>> -> memref<1x1x128xi32, #tpu.memory_space<vmem>>
        %dma_start3A_139 = tpu.memref_squeeze %dma_start3A_138 : memref<1x1x128xi32, #tpu.memory_space<vmem>> -> memref<128xi32, #tpu.memory_space<vmem>>
        %dma_start3A_140 = arith.constant 0 : i32
        %dma_start3A_141 = arith.constant 0 : i32
        %dma_start3A_142 = tpu.memref_slice %arg8[%dma_start3A_140, %dma_start3A_141] : memref<10112x128xf32, #tpu.memory_space<vmem_shared>> -> memref<10112x128xf32, #tpu.memory_space<vmem_shared>>
        tpu.enqueue_indirect_dma source(%dma_start3A_136 : memref<128x128xf32, #tpu.memory_space<vmem>>) target(%dma_start3A_142 : memref<10112x128xf32, #tpu.memory_space<vmem_shared>>) offsets(%dma_start3A_139 : memref<128xi32, #tpu.memory_space<vmem>>) semaphore(%run_scoped3A_132 : memref<!tpu.dma_semaphore, #tpu.memory_space<semaphore_mem>>) {add = true}
        %dma_wait3A_143 = arith.constant 0 : i32
        %dma_wait3A_144 = arith.constant 0 : i32
        %dma_wait3A_145 = tpu.memref_slice %arg7[%scan3A_18, %dma_wait3A_143, %dma_wait3A_144] : memref<2x128x128xf32, #tpu.memory_space<vmem>> -> memref<1x128x128xf32, #tpu.memory_space<vmem>>
        %dma_wait3A_146 = tpu.memref_squeeze %dma_wait3A_145 : memref<1x128x128xf32, #tpu.memory_space<vmem>> -> memref<128x128xf32, #tpu.memory_space<vmem>>
        %dma_wait3A_147 = arith.constant 0 : i32
        %dma_wait3A_148 = tpu.memref_slice %arg6[%add3A_130, %run_scoped3A_131, %dma_wait3A_147] : memref<40x2x128xi32, #tpu.memory_space<vmem>> -> memref<1x1x128xi32, #tpu.memory_space<vmem>>
        %dma_wait3A_149 = tpu.memref_squeeze %dma_wait3A_148 : memref<1x1x128xi32, #tpu.memory_space<vmem>> -> memref<128xi32, #tpu.memory_space<vmem>>
        %dma_wait3A_150 = arith.constant 0 : i32
        %dma_wait3A_151 = arith.constant 0 : i32
        %dma_wait3A_152 = tpu.memref_slice %arg8[%dma_wait3A_150, %dma_wait3A_151] : memref<10112x128xf32, #tpu.memory_space<vmem_shared>> -> memref<10112x128xf32, #tpu.memory_space<vmem_shared>>
        tpu.wait_indirect_dma semaphore(%run_scoped3A_132 : memref<!tpu.dma_semaphore, #tpu.memory_space<semaphore_mem>>) src(%dma_wait3A_146 : memref<128x128xf32, #tpu.memory_space<vmem>>) dst(%dma_wait3A_152 : memref<10112x128xf32, #tpu.memory_space<vmem_shared>>)
        tpu.yield
      }) : () -> ()
    }
    %scan3A_23 = arith.constant 20 : i32
    %dma_wait3A = arith.constant 0 : i32
    %dma_wait3A_24 = arith.constant 0 : i32
    %dma_wait3A_25 = arith.constant 0 : i32
    %dma_wait3A_26 = arith.constant 0 : i32
    %dma_wait3A_27 = arith.constant 0 : i32
    %dma_wait3A_28 = tpu.memref_slice %arg7[%dma_wait3A_25, %dma_wait3A_26, %dma_wait3A_27] : memref<2x128x128xf32, #tpu.memory_space<vmem>> -> memref<1x128x128xf32, #tpu.memory_space<vmem>>
    %dma_wait3A_29 = tpu.memref_squeeze %dma_wait3A_28 : memref<1x128x128xf32, #tpu.memory_space<vmem>> -> memref<128x128xf32, #tpu.memory_space<vmem>>
    %dma_wait3A_30 = arith.constant 0 : i32
    %dma_wait3A_31 = tpu.memref_slice %arg6[%dma_wait3A, %dma_wait3A_24, %dma_wait3A_30] : memref<40x2x128xi32, #tpu.memory_space<vmem>> -> memref<1x1x128xi32, #tpu.memory_space<vmem>>
    %dma_wait3A_32 = tpu.memref_squeeze %dma_wait3A_31 : memref<1x1x128xi32, #tpu.memory_space<vmem>> -> memref<128xi32, #tpu.memory_space<vmem>>
    %dma_wait3A_33 = arith.constant 0 : i32
    %dma_wait3A_34 = arith.constant 0 : i32
    %dma_wait3A_35 = tpu.memref_slice %arg3[%dma_wait3A_33, %dma_wait3A_34] : memref<10000x128xf32, #tpu.memory_space<hbm>> -> memref<10000x128xf32, #tpu.memory_space<hbm>>
    tpu.wait_indirect_dma semaphore(%arg9 : memref<!tpu.dma_semaphore, #tpu.memory_space<semaphore_mem>>) src(%dma_wait3A_35 : memref<10000x128xf32, #tpu.memory_space<hbm>>) dst(%dma_wait3A_29 : memref<128x128xf32, #tpu.memory_space<vmem>>)
    "tpu.region"() ({
      %run_scoped3A = tpu.sem_alloc : memref<!tpu.dma_semaphore, #tpu.memory_space<semaphore_mem>>
      %dma_start3A_75 = arith.constant 40 : i32
      %dma_start3A_76 = arith.constant 0 : i32
      %dma_start3A_77 = arith.constant 0 : i32
      %dma_start3A_78 = tpu.memref_slice %arg2[%add3A, %dma_start3A_75, %dma_start3A_76, %dma_start3A_77] : memref<32x80x2x128xi32, #tpu.memory_space<hbm>> -> memref<1x40x2x128xi32, #tpu.memory_space<hbm>>
      %dma_start3A_79 = tpu.memref_squeeze %dma_start3A_78 : memref<1x40x2x128xi32, #tpu.memory_space<hbm>> -> memref<40x2x128xi32, #tpu.memory_space<hbm>>
      %dma_start3A_80 = arith.constant 40 : i32
      %dma_start3A_81 = arith.constant 0 : i32
      %dma_start3A_82 = arith.constant 0 : i32
      %dma_start3A_83 = tpu.memref_slice %arg2[%add3A, %dma_start3A_80, %dma_start3A_81, %dma_start3A_82] : memref<32x80x2x128xi32, #tpu.memory_space<hbm>> -> memref<1x40x2x128xi32, #tpu.memory_space<hbm>>
      %dma_start3A_84 = tpu.memref_squeeze %dma_start3A_83 : memref<1x40x2x128xi32, #tpu.memory_space<hbm>> -> memref<40x2x128xi32, #tpu.memory_space<hbm>>
      tpu.enqueue_dma source(%dma_start3A_84 : memref<40x2x128xi32, #tpu.memory_space<hbm>>) target(%arg6 : memref<40x2x128xi32, #tpu.memory_space<vmem>>) target_semaphore(%run_scoped3A : memref<!tpu.dma_semaphore, #tpu.memory_space<semaphore_mem>>)
      %dma_wait3A_85 = arith.constant 40 : i32
      %dma_wait3A_86 = arith.constant 0 : i32
      %dma_wait3A_87 = arith.constant 0 : i32
      %dma_wait3A_88 = tpu.memref_slice %arg2[%add3A, %dma_wait3A_85, %dma_wait3A_86, %dma_wait3A_87] : memref<32x80x2x128xi32, #tpu.memory_space<hbm>> -> memref<1x40x2x128xi32, #tpu.memory_space<hbm>>
      %dma_wait3A_89 = tpu.memref_squeeze %dma_wait3A_88 : memref<1x40x2x128xi32, #tpu.memory_space<hbm>> -> memref<40x2x128xi32, #tpu.memory_space<hbm>>
      %dma_wait3A_90 = arith.constant 40 : i32
      %dma_wait3A_91 = arith.constant 0 : i32
      %dma_wait3A_92 = arith.constant 0 : i32
      %dma_wait3A_93 = tpu.memref_slice %arg2[%add3A, %dma_wait3A_90, %dma_wait3A_91, %dma_wait3A_92] : memref<32x80x2x128xi32, #tpu.memory_space<hbm>> -> memref<1x40x2x128xi32, #tpu.memory_space<hbm>>
      %dma_wait3A_94 = tpu.memref_squeeze %dma_wait3A_93 : memref<1x40x2x128xi32, #tpu.memory_space<hbm>> -> memref<40x2x128xi32, #tpu.memory_space<hbm>>
      tpu.wait_dma2 semaphore(%run_scoped3A : memref<!tpu.dma_semaphore, #tpu.memory_space<semaphore_mem>>) src(%dma_wait3A_94 : memref<40x2x128xi32, #tpu.memory_space<hbm>>) dst(%arg6 : memref<40x2x128xi32, #tpu.memory_space<vmem>>)
      tpu.yield
    }) : () -> ()
    %dma_start3A_36 = arith.constant 0 : i32
    %dma_start3A_37 = arith.constant 0 : i32
    %dma_start3A_38 = arith.constant 0 : i32
    %dma_start3A_39 = arith.constant 0 : i32
    %dma_start3A_40 = arith.constant 0 : i32
    %dma_start3A_41 = tpu.memref_slice %arg7[%dma_start3A_38, %dma_start3A_39, %dma_start3A_40] : memref<2x128x128xf32, #tpu.memory_space<vmem>> -> memref<1x128x128xf32, #tpu.memory_space<vmem>>
    %dma_start3A_42 = tpu.memref_squeeze %dma_start3A_41 : memref<1x128x128xf32, #tpu.memory_space<vmem>> -> memref<128x128xf32, #tpu.memory_space<vmem>>
    %dma_start3A_43 = arith.constant 0 : i32
    %dma_start3A_44 = tpu.memref_slice %arg6[%dma_start3A_36, %dma_start3A_37, %dma_start3A_43] : memref<40x2x128xi32, #tpu.memory_space<vmem>> -> memref<1x1x128xi32, #tpu.memory_space<vmem>>
    %dma_start3A_45 = tpu.memref_squeeze %dma_start3A_44 : memref<1x1x128xi32, #tpu.memory_space<vmem>> -> memref<128xi32, #tpu.memory_space<vmem>>
    %dma_start3A_46 = arith.constant 0 : i32
    %dma_start3A_47 = arith.constant 0 : i32
    %dma_start3A_48 = tpu.memref_slice %arg3[%dma_start3A_46, %dma_start3A_47] : memref<10000x128xf32, #tpu.memory_space<hbm>> -> memref<10000x128xf32, #tpu.memory_space<hbm>>
    tpu.enqueue_indirect_dma source(%dma_start3A_48 : memref<10000x128xf32, #tpu.memory_space<hbm>>) target(%dma_start3A_42 : memref<128x128xf32, #tpu.memory_space<vmem>>) offsets(%dma_start3A_45 : memref<128xi32, #tpu.memory_space<vmem>>) semaphore(%arg9 : memref<!tpu.dma_semaphore, #tpu.memory_space<semaphore_mem>>)
    %scan3A_49 = arith.constant 0 : i32
    %scan3A_50 = arith.constant 0 : i32
    %scan3A_51 = arith.constant 1 : i32
    %scan3A_52 = arith.constant 0 : i32
    %scan3A_53 = arith.constant 20 : i32
    %scan3A_54 = arith.addi %scan3A_52, %scan3A_53 : i32
    %scan3A_55 = arith.constant 1 : i32
    scf.for %scan3A_75 = %scan3A_52 to %scan3A_54 step %scan3A_55  : i32 {
      %mul3A_76 = arith.constant 2 : i32
      %mul3A_77 = arith.muli %mul3A_76, %scan3A_75 : i32
      %dma_wait3A_78 = arith.constant 0 : i32
      %dma_wait3A_79 = arith.constant 0 : i32
      %dma_wait3A_80 = arith.constant 0 : i32
      %dma_wait3A_81 = tpu.memref_slice %arg7[%scan3A_50, %dma_wait3A_79, %dma_wait3A_80] : memref<2x128x128xf32, #tpu.memory_space<vmem>> -> memref<1x128x128xf32, #tpu.memory_space<vmem>>
      %dma_wait3A_82 = tpu.memref_squeeze %dma_wait3A_81 : memref<1x128x128xf32, #tpu.memory_space<vmem>> -> memref<128x128xf32, #tpu.memory_space<vmem>>
      %dma_wait3A_83 = arith.constant 0 : i32
      %dma_wait3A_84 = tpu.memref_slice %arg6[%mul3A_77, %dma_wait3A_78, %dma_wait3A_83] : memref<40x2x128xi32, #tpu.memory_space<vmem>> -> memref<1x1x128xi32, #tpu.memory_space<vmem>>
      %dma_wait3A_85 = tpu.memref_squeeze %dma_wait3A_84 : memref<1x1x128xi32, #tpu.memory_space<vmem>> -> memref<128xi32, #tpu.memory_space<vmem>>
      %dma_wait3A_86 = arith.constant 0 : i32
      %dma_wait3A_87 = arith.constant 0 : i32
      %dma_wait3A_88 = tpu.memref_slice %arg3[%dma_wait3A_86, %dma_wait3A_87] : memref<10000x128xf32, #tpu.memory_space<hbm>> -> memref<10000x128xf32, #tpu.memory_space<hbm>>
      tpu.wait_indirect_dma semaphore(%arg9 : memref<!tpu.dma_semaphore, #tpu.memory_space<semaphore_mem>>) src(%dma_wait3A_88 : memref<10000x128xf32, #tpu.memory_space<hbm>>) dst(%dma_wait3A_82 : memref<128x128xf32, #tpu.memory_space<vmem>>)
      %add3A_89 = arith.constant 1 : i32
      %add3A_90 = arith.addi %mul3A_77, %add3A_89 : i32
      %dma_start3A_91 = arith.constant 0 : i32
      %dma_start3A_92 = arith.constant 0 : i32
      %dma_start3A_93 = arith.constant 0 : i32
      %dma_start3A_94 = tpu.memref_slice %arg7[%scan3A_51, %dma_start3A_92, %dma_start3A_93] : memref<2x128x128xf32, #tpu.memory_space<vmem>> -> memref<1x128x128xf32, #tpu.memory_space<vmem>>
      %dma_start3A_95 = tpu.memref_squeeze %dma_start3A_94 : memref<1x128x128xf32, #tpu.memory_space<vmem>> -> memref<128x128xf32, #tpu.memory_space<vmem>>
      %dma_start3A_96 = arith.constant 0 : i32
      %dma_start3A_97 = tpu.memref_slice %arg6[%add3A_90, %dma_start3A_91, %dma_start3A_96] : memref<40x2x128xi32, #tpu.memory_space<vmem>> -> memref<1x1x128xi32, #tpu.memory_space<vmem>>
      %dma_start3A_98 = tpu.memref_squeeze %dma_start3A_97 : memref<1x1x128xi32, #tpu.memory_space<vmem>> -> memref<128xi32, #tpu.memory_space<vmem>>
      %dma_start3A_99 = arith.constant 0 : i32
      %dma_start3A_100 = arith.constant 0 : i32
      %dma_start3A_101 = tpu.memref_slice %arg3[%dma_start3A_99, %dma_start3A_100] : memref<10000x128xf32, #tpu.memory_space<hbm>> -> memref<10000x128xf32, #tpu.memory_space<hbm>>
      tpu.enqueue_indirect_dma source(%dma_start3A_101 : memref<10000x128xf32, #tpu.memory_space<hbm>>) target(%dma_start3A_95 : memref<128x128xf32, #tpu.memory_space<vmem>>) offsets(%dma_start3A_98 : memref<128xi32, #tpu.memory_space<vmem>>) semaphore(%arg10 : memref<!tpu.dma_semaphore, #tpu.memory_space<semaphore_mem>>)
      %run_scoped3A = arith.constant 1 : i32
      "tpu.region"() ({
        %run_scoped3A_132 = tpu.sem_alloc : memref<!tpu.dma_semaphore, #tpu.memory_space<semaphore_mem>>
        %dma_start3A_133 = arith.constant 0 : i32
        %dma_start3A_134 = arith.constant 0 : i32
        %dma_start3A_135 = tpu.memref_slice %arg7[%scan3A_50, %dma_start3A_133, %dma_start3A_134] : memref<2x128x128xf32, #tpu.memory_space<vmem>> -> memref<1x128x128xf32, #tpu.memory_space<vmem>>
        %dma_start3A_136 = tpu.memref_squeeze %dma_start3A_135 : memref<1x128x128xf32, #tpu.memory_space<vmem>> -> memref<128x128xf32, #tpu.memory_space<vmem>>
        %dma_start3A_137 = arith.constant 0 : i32
        %dma_start3A_138 = tpu.memref_slice %arg6[%mul3A_77, %run_scoped3A, %dma_start3A_137] : memref<40x2x128xi32, #tpu.memory_space<vmem>> -> memref<1x1x128xi32, #tpu.memory_space<vmem>>
        %dma_start3A_139 = tpu.memref_squeeze %dma_start3A_138 : memref<1x1x128xi32, #tpu.memory_space<vmem>> -> memref<128xi32, #tpu.memory_space<vmem>>
        %dma_start3A_140 = arith.constant 0 : i32
        %dma_start3A_141 = arith.constant 0 : i32
        %dma_start3A_142 = tpu.memref_slice %arg8[%dma_start3A_140, %dma_start3A_141] : memref<10112x128xf32, #tpu.memory_space<vmem_shared>> -> memref<10112x128xf32, #tpu.memory_space<vmem_shared>>
        tpu.enqueue_indirect_dma source(%dma_start3A_136 : memref<128x128xf32, #tpu.memory_space<vmem>>) target(%dma_start3A_142 : memref<10112x128xf32, #tpu.memory_space<vmem_shared>>) offsets(%dma_start3A_139 : memref<128xi32, #tpu.memory_space<vmem>>) semaphore(%run_scoped3A_132 : memref<!tpu.dma_semaphore, #tpu.memory_space<semaphore_mem>>) {add = true}
        %dma_wait3A_143 = arith.constant 0 : i32
        %dma_wait3A_144 = arith.constant 0 : i32
        %dma_wait3A_145 = tpu.memref_slice %arg7[%scan3A_50, %dma_wait3A_143, %dma_wait3A_144] : memref<2x128x128xf32, #tpu.memory_space<vmem>> -> memref<1x128x128xf32, #tpu.memory_space<vmem>>
        %dma_wait3A_146 = tpu.memref_squeeze %dma_wait3A_145 : memref<1x128x128xf32, #tpu.memory_space<vmem>> -> memref<128x128xf32, #tpu.memory_space<vmem>>
        %dma_wait3A_147 = arith.constant 0 : i32
        %dma_wait3A_148 = tpu.memref_slice %arg6[%mul3A_77, %run_scoped3A, %dma_wait3A_147] : memref<40x2x128xi32, #tpu.memory_space<vmem>> -> memref<1x1x128xi32, #tpu.memory_space<vmem>>
        %dma_wait3A_149 = tpu.memref_squeeze %dma_wait3A_148 : memref<1x1x128xi32, #tpu.memory_space<vmem>> -> memref<128xi32, #tpu.memory_space<vmem>>
        %dma_wait3A_150 = arith.constant 0 : i32
        %dma_wait3A_151 = arith.constant 0 : i32
        %dma_wait3A_152 = tpu.memref_slice %arg8[%dma_wait3A_150, %dma_wait3A_151] : memref<10112x128xf32, #tpu.memory_space<vmem_shared>> -> memref<10112x128xf32, #tpu.memory_space<vmem_shared>>
        tpu.wait_indirect_dma semaphore(%run_scoped3A_132 : memref<!tpu.dma_semaphore, #tpu.memory_space<semaphore_mem>>) src(%dma_wait3A_146 : memref<128x128xf32, #tpu.memory_space<vmem>>) dst(%dma_wait3A_152 : memref<10112x128xf32, #tpu.memory_space<vmem_shared>>)
        tpu.yield
      }) : () -> ()
      %add3A_102 = arith.constant 1 : i32
      %add3A_103 = arith.addi %mul3A_77, %add3A_102 : i32
      %dma_wait3A_104 = arith.constant 0 : i32
      %dma_wait3A_105 = arith.constant 0 : i32
      %dma_wait3A_106 = arith.constant 0 : i32
      %dma_wait3A_107 = tpu.memref_slice %arg7[%scan3A_51, %dma_wait3A_105, %dma_wait3A_106] : memref<2x128x128xf32, #tpu.memory_space<vmem>> -> memref<1x128x128xf32, #tpu.memory_space<vmem>>
      %dma_wait3A_108 = tpu.memref_squeeze %dma_wait3A_107 : memref<1x128x128xf32, #tpu.memory_space<vmem>> -> memref<128x128xf32, #tpu.memory_space<vmem>>
      %dma_wait3A_109 = arith.constant 0 : i32
      %dma_wait3A_110 = tpu.memref_slice %arg6[%add3A_103, %dma_wait3A_104, %dma_wait3A_109] : memref<40x2x128xi32, #tpu.memory_space<vmem>> -> memref<1x1x128xi32, #tpu.memory_space<vmem>>
      %dma_wait3A_111 = tpu.memref_squeeze %dma_wait3A_110 : memref<1x1x128xi32, #tpu.memory_space<vmem>> -> memref<128xi32, #tpu.memory_space<vmem>>
      %dma_wait3A_112 = arith.constant 0 : i32
      %dma_wait3A_113 = arith.constant 0 : i32
      %dma_wait3A_114 = tpu.memref_slice %arg3[%dma_wait3A_112, %dma_wait3A_113] : memref<10000x128xf32, #tpu.memory_space<hbm>> -> memref<10000x128xf32, #tpu.memory_space<hbm>>
      tpu.wait_indirect_dma semaphore(%arg10 : memref<!tpu.dma_semaphore, #tpu.memory_space<semaphore_mem>>) src(%dma_wait3A_114 : memref<10000x128xf32, #tpu.memory_space<hbm>>) dst(%dma_wait3A_108 : memref<128x128xf32, #tpu.memory_space<vmem>>)
      %add3A_115 = arith.constant 2 : i32
      %add3A_116 = arith.addi %mul3A_77, %add3A_115 : i32
      %rem3A = arith.constant 40 : i32
      %rem3A_117 = arith.remsi %add3A_116, %rem3A : i32
      %dma_start3A_118 = arith.constant 0 : i32
      %dma_start3A_119 = arith.constant 0 : i32
      %dma_start3A_120 = arith.constant 0 : i32
      %dma_start3A_121 = tpu.memref_slice %arg7[%scan3A_50, %dma_start3A_119, %dma_start3A_120] : memref<2x128x128xf32, #tpu.memory_space<vmem>> -> memref<1x128x128xf32, #tpu.memory_space<vmem>>
      %dma_start3A_122 = tpu.memref_squeeze %dma_start3A_121 : memref<1x128x128xf32, #tpu.memory_space<vmem>> -> memref<128x128xf32, #tpu.memory_space<vmem>>
      %dma_start3A_123 = arith.constant 0 : i32
      %dma_start3A_124 = tpu.memref_slice %arg6[%rem3A_117, %dma_start3A_118, %dma_start3A_123] : memref<40x2x128xi32, #tpu.memory_space<vmem>> -> memref<1x1x128xi32, #tpu.memory_space<vmem>>
      %dma_start3A_125 = tpu.memref_squeeze %dma_start3A_124 : memref<1x1x128xi32, #tpu.memory_space<vmem>> -> memref<128xi32, #tpu.memory_space<vmem>>
      %dma_start3A_126 = arith.constant 0 : i32
      %dma_start3A_127 = arith.constant 0 : i32
      %dma_start3A_128 = tpu.memref_slice %arg3[%dma_start3A_126, %dma_start3A_127] : memref<10000x128xf32, #tpu.memory_space<hbm>> -> memref<10000x128xf32, #tpu.memory_space<hbm>>
      tpu.enqueue_indirect_dma source(%dma_start3A_128 : memref<10000x128xf32, #tpu.memory_space<hbm>>) target(%dma_start3A_122 : memref<128x128xf32, #tpu.memory_space<vmem>>) offsets(%dma_start3A_125 : memref<128xi32, #tpu.memory_space<vmem>>) semaphore(%arg9 : memref<!tpu.dma_semaphore, #tpu.memory_space<semaphore_mem>>)
      %add3A_129 = arith.constant 1 : i32
      %add3A_130 = arith.addi %mul3A_77, %add3A_129 : i32
      %run_scoped3A_131 = arith.constant 1 : i32
      "tpu.region"() ({
        %run_scoped3A_132 = tpu.sem_alloc : memref<!tpu.dma_semaphore, #tpu.memory_space<semaphore_mem>>
        %dma_start3A_133 = arith.constant 0 : i32
        %dma_start3A_134 = arith.constant 0 : i32
        %dma_start3A_135 = tpu.memref_slice %arg7[%scan3A_51, %dma_start3A_133, %dma_start3A_134] : memref<2x128x128xf32, #tpu.memory_space<vmem>> -> memref<1x128x128xf32, #tpu.memory_space<vmem>>
        %dma_start3A_136 = tpu.memref_squeeze %dma_start3A_135 : memref<1x128x128xf32, #tpu.memory_space<vmem>> -> memref<128x128xf32, #tpu.memory_space<vmem>>
        %dma_start3A_137 = arith.constant 0 : i32
        %dma_start3A_138 = tpu.memref_slice %arg6[%add3A_130, %run_scoped3A_131, %dma_start3A_137] : memref<40x2x128xi32, #tpu.memory_space<vmem>> -> memref<1x1x128xi32, #tpu.memory_space<vmem>>
        %dma_start3A_139 = tpu.memref_squeeze %dma_start3A_138 : memref<1x1x128xi32, #tpu.memory_space<vmem>> -> memref<128xi32, #tpu.memory_space<vmem>>
        %dma_start3A_140 = arith.constant 0 : i32
        %dma_start3A_141 = arith.constant 0 : i32
        %dma_start3A_142 = tpu.memref_slice %arg8[%dma_start3A_140, %dma_start3A_141] : memref<10112x128xf32, #tpu.memory_space<vmem_shared>> -> memref<10112x128xf32, #tpu.memory_space<vmem_shared>>
        tpu.enqueue_indirect_dma source(%dma_start3A_136 : memref<128x128xf32, #tpu.memory_space<vmem>>) target(%dma_start3A_142 : memref<10112x128xf32, #tpu.memory_space<vmem_shared>>) offsets(%dma_start3A_139 : memref<128xi32, #tpu.memory_space<vmem>>) semaphore(%run_scoped3A_132 : memref<!tpu.dma_semaphore, #tpu.memory_space<semaphore_mem>>) {add = true}
        %dma_wait3A_143 = arith.constant 0 : i32
        %dma_wait3A_144 = arith.constant 0 : i32
        %dma_wait3A_145 = tpu.memref_slice %arg7[%scan3A_51, %dma_wait3A_143, %dma_wait3A_144] : memref<2x128x128xf32, #tpu.memory_space<vmem>> -> memref<1x128x128xf32, #tpu.memory_space<vmem>>
        %dma_wait3A_146 = tpu.memref_squeeze %dma_wait3A_145 : memref<1x128x128xf32, #tpu.memory_space<vmem>> -> memref<128x128xf32, #tpu.memory_space<vmem>>
        %dma_wait3A_147 = arith.constant 0 : i32
        %dma_wait3A_148 = tpu.memref_slice %arg6[%add3A_130, %run_scoped3A_131, %dma_wait3A_147] : memref<40x2x128xi32, #tpu.memory_space<vmem>> -> memref<1x1x128xi32, #tpu.memory_space<vmem>>
        %dma_wait3A_149 = tpu.memref_squeeze %dma_wait3A_148 : memref<1x1x128xi32, #tpu.memory_space<vmem>> -> memref<128xi32, #tpu.memory_space<vmem>>
        %dma_wait3A_150 = arith.constant 0 : i32
        %dma_wait3A_151 = arith.constant 0 : i32
        %dma_wait3A_152 = tpu.memref_slice %arg8[%dma_wait3A_150, %dma_wait3A_151] : memref<10112x128xf32, #tpu.memory_space<vmem_shared>> -> memref<10112x128xf32, #tpu.memory_space<vmem_shared>>
        tpu.wait_indirect_dma semaphore(%run_scoped3A_132 : memref<!tpu.dma_semaphore, #tpu.memory_space<semaphore_mem>>) src(%dma_wait3A_146 : memref<128x128xf32, #tpu.memory_space<vmem>>) dst(%dma_wait3A_152 : memref<10112x128xf32, #tpu.memory_space<vmem_shared>>)
        tpu.yield
      }) : () -> ()
    }
    %scan3A_56 = arith.constant 20 : i32
    %dma_wait3A_57 = arith.constant 0 : i32
    %dma_wait3A_58 = arith.constant 0 : i32
    %dma_wait3A_59 = arith.constant 0 : i32
    %dma_wait3A_60 = arith.constant 0 : i32
    %dma_wait3A_61 = arith.constant 0 : i32
    %dma_wait3A_62 = tpu.memref_slice %arg7[%dma_wait3A_59, %dma_wait3A_60, %dma_wait3A_61] : memref<2x128x128xf32, #tpu.memory_space<vmem>> -> memref<1x128x128xf32, #tpu.memory_space<vmem>>
    %dma_wait3A_63 = tpu.memref_squeeze %dma_wait3A_62 : memref<1x128x128xf32, #tpu.memory_space<vmem>> -> memref<128x128xf32, #tpu.memory_space<vmem>>
    %dma_wait3A_64 = arith.constant 0 : i32
    %dma_wait3A_65 = tpu.memref_slice %arg6[%dma_wait3A_57, %dma_wait3A_58, %dma_wait3A_64] : memref<40x2x128xi32, #tpu.memory_space<vmem>> -> memref<1x1x128xi32, #tpu.memory_space<vmem>>
    %dma_wait3A_66 = tpu.memref_squeeze %dma_wait3A_65 : memref<1x1x128xi32, #tpu.memory_space<vmem>> -> memref<128xi32, #tpu.memory_space<vmem>>
    %dma_wait3A_67 = arith.constant 0 : i32
    %dma_wait3A_68 = arith.constant 0 : i32
    %dma_wait3A_69 = tpu.memref_slice %arg3[%dma_wait3A_67, %dma_wait3A_68] : memref<10000x128xf32, #tpu.memory_space<hbm>> -> memref<10000x128xf32, #tpu.memory_space<hbm>>
    tpu.wait_indirect_dma semaphore(%arg9 : memref<!tpu.dma_semaphore, #tpu.memory_space<semaphore_mem>>) src(%dma_wait3A_69 : memref<10000x128xf32, #tpu.memory_space<hbm>>) dst(%dma_wait3A_63 : memref<128x128xf32, #tpu.memory_space<vmem>>)
    %barrier3A_70 = arith.constant 0 : index
    tpu.barrier barrier_id(%barrier3A_70)
    %mul3A_71 = arith.constant 632 : i32
    %mul3A_72 = arith.muli %arg1, %mul3A_71 : i32
    %mul3A_73 = arith.constant 632 : i32
    %mul3A_74 = arith.muli %arg1, %mul3A_73 : i32
    "tpu.region"() ({
      %run_scoped3A = tpu.sem_alloc : memref<!tpu.dma_semaphore, #tpu.memory_space<semaphore_mem>>
      %dma_start3A_75 = arith.constant 0 : i32
      %dma_start3A_76 = tpu.memref_slice %arg5[%arg0, %mul3A_74, %dma_start3A_75] : memref<2x10112x128xf32, #tpu.memory_space<hbm>> -> memref<1x632x128xf32, #tpu.memory_space<hbm>>
      %dma_start3A_77 = tpu.memref_squeeze %dma_start3A_76 : memref<1x632x128xf32, #tpu.memory_space<hbm>> -> memref<632x128xf32, #tpu.memory_space<hbm>>
      %dma_start3A_78 = arith.constant 0 : i32
      %dma_start3A_79 = tpu.memref_slice %arg8[%mul3A_72, %dma_start3A_78] : memref<10112x128xf32, #tpu.memory_space<vmem_shared>> -> memref<632x128xf32, #tpu.memory_space<vmem_shared>>
      tpu.enqueue_dma source(%dma_start3A_79 : memref<632x128xf32, #tpu.memory_space<vmem_shared>>) target(%dma_start3A_77 : memref<632x128xf32, #tpu.memory_space<hbm>>) target_semaphore(%run_scoped3A : memref<!tpu.dma_semaphore, #tpu.memory_space<semaphore_mem>>)
      %dma_wait3A_80 = arith.constant 0 : i32
      %dma_wait3A_81 = tpu.memref_slice %arg5[%arg0, %mul3A_74, %dma_wait3A_80] : memref<2x10112x128xf32, #tpu.memory_space<hbm>> -> memref<1x632x128xf32, #tpu.memory_space<hbm>>
      %dma_wait3A_82 = tpu.memref_squeeze %dma_wait3A_81 : memref<1x632x128xf32, #tpu.memory_space<hbm>> -> memref<632x128xf32, #tpu.memory_space<hbm>>
      %dma_wait3A_83 = arith.constant 0 : i32
      %dma_wait3A_84 = tpu.memref_slice %arg8[%mul3A_72, %dma_wait3A_83] : memref<10112x128xf32, #tpu.memory_space<vmem_shared>> -> memref<632x128xf32, #tpu.memory_space<vmem_shared>>
      tpu.wait_dma2 semaphore(%run_scoped3A : memref<!tpu.dma_semaphore, #tpu.memory_space<semaphore_mem>>) src(%dma_wait3A_84 : memref<632x128xf32, #tpu.memory_space<vmem_shared>>) dst(%dma_wait3A_82 : memref<632x128xf32, #tpu.memory_space<hbm>>)
      tpu.yield
    }) : () -> ()
    return
  }
}

#map = affine_map<(d0, d1) -> (0, 0, 0)>
#map1 = affine_map<(d0, d1) -> (0, 0)>
module attributes {stable_mosaic.version = 14 : i64} {
  func.func @_deg_body(%arg0: i32, %arg1: i32, %arg2: memref<32x80x128xi32, #tpu.memory_space<hbm>>, %arg3: memref<128x128xf32, #tpu.memory_space<hbm>>, %arg4: memref<10112x128xf32, #tpu.memory_space<hbm>>, %arg5: memref<2x10112x128xf32, #tpu.memory_space<hbm>>, %arg6: memref<80x128xi32, #tpu.memory_space<vmem>>, %arg7: memref<128x128xf32, #tpu.memory_space<vmem>>, %arg8: memref<10112x128xf32, #tpu.memory_space<vmem_shared>>) attributes {dimension_semantics = [#tpu.dimension_semantics<core_parallel>, #tpu.dimension_semantics<subcore_parallel>], iteration_bounds = array<i64: 2, 16>, scalar_prefetch = 0 : i64, scratch_operands = 3 : i64, tpu.core_type = #tpu.core_type<sc_vector_subcore>, window_params = [{transform_indices = #map}, {transform_indices = #map1}, {transform_indices = #map1}, {transform_indices = #map}]} {
    %mul3A = arith.constant 2 : i32
    %mul3A_0 = arith.muli %arg1, %mul3A : i32
    %add3A = arith.addi %mul3A_0, %arg0 : i32
    %mul3A_1 = arith.constant 632 : i32
    %mul3A_2 = arith.muli %arg1, %mul3A_1 : i32
    %mul3A_3 = arith.constant 632 : i32
    %mul3A_4 = arith.muli %arg1, %mul3A_3 : i32
    "tpu.region"() ({
      %run_scoped3A = tpu.sem_alloc : memref<!tpu.dma_semaphore, #tpu.memory_space<semaphore_mem>>
      %dma_start3A = arith.constant 0 : i32
      %dma_start3A_15 = tpu.memref_slice %arg8[%mul3A_4, %dma_start3A] : memref<10112x128xf32, #tpu.memory_space<vmem_shared>> -> memref<632x128xf32, #tpu.memory_space<vmem_shared>>
      %dma_start3A_16 = arith.constant 0 : i32
      %dma_start3A_17 = tpu.memref_slice %arg4[%mul3A_2, %dma_start3A_16] : memref<10112x128xf32, #tpu.memory_space<hbm>> -> memref<632x128xf32, #tpu.memory_space<hbm>>
      tpu.enqueue_dma source(%dma_start3A_17 : memref<632x128xf32, #tpu.memory_space<hbm>>) target(%dma_start3A_15 : memref<632x128xf32, #tpu.memory_space<vmem_shared>>) target_semaphore(%run_scoped3A : memref<!tpu.dma_semaphore, #tpu.memory_space<semaphore_mem>>)
      %dma_wait3A = arith.constant 0 : i32
      %dma_wait3A_18 = tpu.memref_slice %arg8[%mul3A_4, %dma_wait3A] : memref<10112x128xf32, #tpu.memory_space<vmem_shared>> -> memref<632x128xf32, #tpu.memory_space<vmem_shared>>
      %dma_wait3A_19 = arith.constant 0 : i32
      %dma_wait3A_20 = tpu.memref_slice %arg4[%mul3A_2, %dma_wait3A_19] : memref<10112x128xf32, #tpu.memory_space<hbm>> -> memref<632x128xf32, #tpu.memory_space<hbm>>
      tpu.wait_dma2 semaphore(%run_scoped3A : memref<!tpu.dma_semaphore, #tpu.memory_space<semaphore_mem>>) src(%dma_wait3A_20 : memref<632x128xf32, #tpu.memory_space<hbm>>) dst(%dma_wait3A_18 : memref<632x128xf32, #tpu.memory_space<vmem_shared>>)
      tpu.yield
    }) : () -> ()
    "tpu.region"() ({
      %run_scoped3A = tpu.sem_alloc : memref<!tpu.dma_semaphore, #tpu.memory_space<semaphore_mem>>
      tpu.enqueue_dma source(%arg3 : memref<128x128xf32, #tpu.memory_space<hbm>>) target(%arg7 : memref<128x128xf32, #tpu.memory_space<vmem>>) target_semaphore(%run_scoped3A : memref<!tpu.dma_semaphore, #tpu.memory_space<semaphore_mem>>)
      tpu.wait_dma2 semaphore(%run_scoped3A : memref<!tpu.dma_semaphore, #tpu.memory_space<semaphore_mem>>) src(%arg3 : memref<128x128xf32, #tpu.memory_space<hbm>>) dst(%arg7 : memref<128x128xf32, #tpu.memory_space<vmem>>)
      tpu.yield
    }) : () -> ()
    "tpu.region"() ({
      %run_scoped3A = tpu.sem_alloc : memref<!tpu.dma_semaphore, #tpu.memory_space<semaphore_mem>>
      %dma_start3A = arith.constant 0 : i32
      %dma_start3A_15 = arith.constant 0 : i32
      %dma_start3A_16 = tpu.memref_slice %arg2[%add3A, %dma_start3A, %dma_start3A_15] : memref<32x80x128xi32, #tpu.memory_space<hbm>> -> memref<1x80x128xi32, #tpu.memory_space<hbm>>
      %dma_start3A_17 = tpu.memref_squeeze %dma_start3A_16 : memref<1x80x128xi32, #tpu.memory_space<hbm>> -> memref<80x128xi32, #tpu.memory_space<hbm>>
      %dma_start3A_18 = arith.constant 0 : i32
      %dma_start3A_19 = arith.constant 0 : i32
      %dma_start3A_20 = tpu.memref_slice %arg2[%add3A, %dma_start3A_18, %dma_start3A_19] : memref<32x80x128xi32, #tpu.memory_space<hbm>> -> memref<1x80x128xi32, #tpu.memory_space<hbm>>
      %dma_start3A_21 = tpu.memref_squeeze %dma_start3A_20 : memref<1x80x128xi32, #tpu.memory_space<hbm>> -> memref<80x128xi32, #tpu.memory_space<hbm>>
      tpu.enqueue_dma source(%dma_start3A_21 : memref<80x128xi32, #tpu.memory_space<hbm>>) target(%arg6 : memref<80x128xi32, #tpu.memory_space<vmem>>) target_semaphore(%run_scoped3A : memref<!tpu.dma_semaphore, #tpu.memory_space<semaphore_mem>>)
      %dma_wait3A = arith.constant 0 : i32
      %dma_wait3A_22 = arith.constant 0 : i32
      %dma_wait3A_23 = tpu.memref_slice %arg2[%add3A, %dma_wait3A, %dma_wait3A_22] : memref<32x80x128xi32, #tpu.memory_space<hbm>> -> memref<1x80x128xi32, #tpu.memory_space<hbm>>
      %dma_wait3A_24 = tpu.memref_squeeze %dma_wait3A_23 : memref<1x80x128xi32, #tpu.memory_space<hbm>> -> memref<80x128xi32, #tpu.memory_space<hbm>>
      %dma_wait3A_25 = arith.constant 0 : i32
      %dma_wait3A_26 = arith.constant 0 : i32
      %dma_wait3A_27 = tpu.memref_slice %arg2[%add3A, %dma_wait3A_25, %dma_wait3A_26] : memref<32x80x128xi32, #tpu.memory_space<hbm>> -> memref<1x80x128xi32, #tpu.memory_space<hbm>>
      %dma_wait3A_28 = tpu.memref_squeeze %dma_wait3A_27 : memref<1x80x128xi32, #tpu.memory_space<hbm>> -> memref<80x128xi32, #tpu.memory_space<hbm>>
      tpu.wait_dma2 semaphore(%run_scoped3A : memref<!tpu.dma_semaphore, #tpu.memory_space<semaphore_mem>>) src(%dma_wait3A_28 : memref<80x128xi32, #tpu.memory_space<hbm>>) dst(%arg6 : memref<80x128xi32, #tpu.memory_space<vmem>>)
      tpu.yield
    }) : () -> ()
    %barrier3A = arith.constant 0 : index
    tpu.barrier barrier_id(%barrier3A)
    %scan3A = arith.constant 0 : i32
    %scan3A_5 = arith.constant 0 : i32
    %scan3A_6 = arith.constant 80 : i32
    %scan3A_7 = arith.addi %scan3A_5, %scan3A_6 : i32
    %scan3A_8 = arith.constant 1 : i32
    scf.for %scan3A_15 = %scan3A_5 to %scan3A_7 step %scan3A_8  : i32 {
      "tpu.region"() ({
        %run_scoped3A = tpu.sem_alloc : memref<!tpu.dma_semaphore, #tpu.memory_space<semaphore_mem>>
        %dma_start3A = arith.constant 0 : i32
        %dma_start3A_16 = tpu.memref_slice %arg6[%scan3A_15, %dma_start3A] : memref<80x128xi32, #tpu.memory_space<vmem>> -> memref<1x128xi32, #tpu.memory_space<vmem>>
        %dma_start3A_17 = tpu.memref_squeeze %dma_start3A_16 : memref<1x128xi32, #tpu.memory_space<vmem>> -> memref<128xi32, #tpu.memory_space<vmem>>
        %dma_start3A_18 = arith.constant 0 : i32
        %dma_start3A_19 = arith.constant 0 : i32
        %dma_start3A_20 = tpu.memref_slice %arg8[%dma_start3A_18, %dma_start3A_19] : memref<10112x128xf32, #tpu.memory_space<vmem_shared>> -> memref<10112x128xf32, #tpu.memory_space<vmem_shared>>
        tpu.enqueue_indirect_dma source(%arg7 : memref<128x128xf32, #tpu.memory_space<vmem>>) target(%dma_start3A_20 : memref<10112x128xf32, #tpu.memory_space<vmem_shared>>) offsets(%dma_start3A_17 : memref<128xi32, #tpu.memory_space<vmem>>) semaphore(%run_scoped3A : memref<!tpu.dma_semaphore, #tpu.memory_space<semaphore_mem>>) {add = true}
        %dma_wait3A = arith.constant 0 : i32
        %dma_wait3A_21 = tpu.memref_slice %arg6[%scan3A_15, %dma_wait3A] : memref<80x128xi32, #tpu.memory_space<vmem>> -> memref<1x128xi32, #tpu.memory_space<vmem>>
        %dma_wait3A_22 = tpu.memref_squeeze %dma_wait3A_21 : memref<1x128xi32, #tpu.memory_space<vmem>> -> memref<128xi32, #tpu.memory_space<vmem>>
        %dma_wait3A_23 = arith.constant 0 : i32
        %dma_wait3A_24 = arith.constant 0 : i32
        %dma_wait3A_25 = tpu.memref_slice %arg8[%dma_wait3A_23, %dma_wait3A_24] : memref<10112x128xf32, #tpu.memory_space<vmem_shared>> -> memref<10112x128xf32, #tpu.memory_space<vmem_shared>>
        tpu.wait_indirect_dma semaphore(%run_scoped3A : memref<!tpu.dma_semaphore, #tpu.memory_space<semaphore_mem>>) src(%arg7 : memref<128x128xf32, #tpu.memory_space<vmem>>) dst(%dma_wait3A_25 : memref<10112x128xf32, #tpu.memory_space<vmem_shared>>)
        tpu.yield
      }) : () -> ()
    }
    %scan3A_9 = arith.constant 80 : i32
    %barrier3A_10 = arith.constant 0 : index
    tpu.barrier barrier_id(%barrier3A_10)
    %mul3A_11 = arith.constant 632 : i32
    %mul3A_12 = arith.muli %arg1, %mul3A_11 : i32
    %mul3A_13 = arith.constant 632 : i32
    %mul3A_14 = arith.muli %arg1, %mul3A_13 : i32
    "tpu.region"() ({
      %run_scoped3A = tpu.sem_alloc : memref<!tpu.dma_semaphore, #tpu.memory_space<semaphore_mem>>
      %dma_start3A = arith.constant 0 : i32
      %dma_start3A_15 = tpu.memref_slice %arg5[%arg0, %mul3A_14, %dma_start3A] : memref<2x10112x128xf32, #tpu.memory_space<hbm>> -> memref<1x632x128xf32, #tpu.memory_space<hbm>>
      %dma_start3A_16 = tpu.memref_squeeze %dma_start3A_15 : memref<1x632x128xf32, #tpu.memory_space<hbm>> -> memref<632x128xf32, #tpu.memory_space<hbm>>
      %dma_start3A_17 = arith.constant 0 : i32
      %dma_start3A_18 = tpu.memref_slice %arg8[%mul3A_12, %dma_start3A_17] : memref<10112x128xf32, #tpu.memory_space<vmem_shared>> -> memref<632x128xf32, #tpu.memory_space<vmem_shared>>
      tpu.enqueue_dma source(%dma_start3A_18 : memref<632x128xf32, #tpu.memory_space<vmem_shared>>) target(%dma_start3A_16 : memref<632x128xf32, #tpu.memory_space<hbm>>) target_semaphore(%run_scoped3A : memref<!tpu.dma_semaphore, #tpu.memory_space<semaphore_mem>>)
      %dma_wait3A = arith.constant 0 : i32
      %dma_wait3A_19 = tpu.memref_slice %arg5[%arg0, %mul3A_14, %dma_wait3A] : memref<2x10112x128xf32, #tpu.memory_space<hbm>> -> memref<1x632x128xf32, #tpu.memory_space<hbm>>
      %dma_wait3A_20 = tpu.memref_squeeze %dma_wait3A_19 : memref<1x632x128xf32, #tpu.memory_space<hbm>> -> memref<632x128xf32, #tpu.memory_space<hbm>>
      %dma_wait3A_21 = arith.constant 0 : i32
      %dma_wait3A_22 = tpu.memref_slice %arg8[%mul3A_12, %dma_wait3A_21] : memref<10112x128xf32, #tpu.memory_space<vmem_shared>> -> memref<632x128xf32, #tpu.memory_space<vmem_shared>>
      tpu.wait_dma2 semaphore(%run_scoped3A : memref<!tpu.dma_semaphore, #tpu.memory_space<semaphore_mem>>) src(%dma_wait3A_22 : memref<632x128xf32, #tpu.memory_space<vmem_shared>>) dst(%dma_wait3A_20 : memref<632x128xf32, #tpu.memory_space<hbm>>)
      tpu.yield
    }) : () -> ()
    return
  }
}

#map = affine_map<(d0, d1) -> (0, 0, 0, 0)>
#map1 = affine_map<(d0, d1) -> (0, 0)>
#map2 = affine_map<(d0, d1) -> (0, 0, 0)>
module attributes {stable_mosaic.version = 14 : i64} {
  func.func @_edge_body(%arg0: i32, %arg1: i32, %arg2: memref<32x80x2x128xi32, #tpu.memory_space<hbm>>, %arg3: memref<10000x128xf32, #tpu.memory_space<hbm>>, %arg4: memref<10112x128xf32, #tpu.memory_space<hbm>>, %arg5: memref<2x10112x128xf32, #tpu.memory_space<hbm>>, %arg6: memref<40x2x128xi32, #tpu.memory_space<vmem>>, %arg7: memref<2x128x128xf32, #tpu.memory_space<vmem>>, %arg8: memref<10112x128xf32, #tpu.memory_space<vmem_shared>>, %arg9: memref<!tpu.dma_semaphore, #tpu.memory_space<semaphore_mem>>, %arg10: memref<!tpu.dma_semaphore, #tpu.memory_space<semaphore_mem>>) attributes {dimension_semantics = [#tpu.dimension_semantics<core_parallel>, #tpu.dimension_semantics<subcore_parallel>], iteration_bounds = array<i64: 2, 16>, scalar_prefetch = 0 : i64, scratch_operands = 5 : i64, tpu.core_type = #tpu.core_type<sc_vector_subcore>, window_params = [{transform_indices = #map}, {transform_indices = #map1}, {transform_indices = #map1}, {transform_indices = #map2}]} {
    %mul3A = arith.constant 2 : i32
    %mul3A_0 = arith.muli %arg1, %mul3A : i32
    %add3A = arith.addi %mul3A_0, %arg0 : i32
    %mul3A_1 = arith.constant 632 : i32
    %mul3A_2 = arith.muli %arg1, %mul3A_1 : i32
    %mul3A_3 = arith.constant 632 : i32
    %mul3A_4 = arith.muli %arg1, %mul3A_3 : i32
    "tpu.region"() ({
      %run_scoped3A = tpu.sem_alloc : memref<!tpu.dma_semaphore, #tpu.memory_space<semaphore_mem>>
      %dma_start3A_75 = arith.constant 0 : i32
      %dma_start3A_76 = tpu.memref_slice %arg8[%mul3A_4, %dma_start3A_75] : memref<10112x128xf32, #tpu.memory_space<vmem_shared>> -> memref<632x128xf32, #tpu.memory_space<vmem_shared>>
      %dma_start3A_77 = arith.constant 0 : i32
      %dma_start3A_78 = tpu.memref_slice %arg4[%mul3A_2, %dma_start3A_77] : memref<10112x128xf32, #tpu.memory_space<hbm>> -> memref<632x128xf32, #tpu.memory_space<hbm>>
      tpu.enqueue_dma source(%dma_start3A_78 : memref<632x128xf32, #tpu.memory_space<hbm>>) target(%dma_start3A_76 : memref<632x128xf32, #tpu.memory_space<vmem_shared>>) target_semaphore(%run_scoped3A : memref<!tpu.dma_semaphore, #tpu.memory_space<semaphore_mem>>)
      %dma_wait3A_79 = arith.constant 0 : i32
      %dma_wait3A_80 = tpu.memref_slice %arg8[%mul3A_4, %dma_wait3A_79] : memref<10112x128xf32, #tpu.memory_space<vmem_shared>> -> memref<632x128xf32, #tpu.memory_space<vmem_shared>>
      %dma_wait3A_81 = arith.constant 0 : i32
      %dma_wait3A_82 = tpu.memref_slice %arg4[%mul3A_2, %dma_wait3A_81] : memref<10112x128xf32, #tpu.memory_space<hbm>> -> memref<632x128xf32, #tpu.memory_space<hbm>>
      tpu.wait_dma2 semaphore(%run_scoped3A : memref<!tpu.dma_semaphore, #tpu.memory_space<semaphore_mem>>) src(%dma_wait3A_82 : memref<632x128xf32, #tpu.memory_space<hbm>>) dst(%dma_wait3A_80 : memref<632x128xf32, #tpu.memory_space<vmem_shared>>)
      tpu.yield
    }) : () -> ()
    %barrier3A = arith.constant 0 : index
    tpu.barrier barrier_id(%barrier3A)
    "tpu.region"() ({
      %run_scoped3A = tpu.sem_alloc : memref<!tpu.dma_semaphore, #tpu.memory_space<semaphore_mem>>
      %dma_start3A_75 = arith.constant 0 : i32
      %dma_start3A_76 = arith.constant 0 : i32
      %dma_start3A_77 = arith.constant 0 : i32
      %dma_start3A_78 = tpu.memref_slice %arg2[%add3A, %dma_start3A_75, %dma_start3A_76, %dma_start3A_77] : memref<32x80x2x128xi32, #tpu.memory_space<hbm>> -> memref<1x40x2x128xi32, #tpu.memory_space<hbm>>
      %dma_start3A_79 = tpu.memref_squeeze %dma_start3A_78 : memref<1x40x2x128xi32, #tpu.memory_space<hbm>> -> memref<40x2x128xi32, #tpu.memory_space<hbm>>
      %dma_start3A_80 = arith.constant 0 : i32
      %dma_start3A_81 = arith.constant 0 : i32
      %dma_start3A_82 = arith.constant 0 : i32
      %dma_start3A_83 = tpu.memref_slice %arg2[%add3A, %dma_start3A_80, %dma_start3A_81, %dma_start3A_82] : memref<32x80x2x128xi32, #tpu.memory_space<hbm>> -> memref<1x40x2x128xi32, #tpu.memory_space<hbm>>
      %dma_start3A_84 = tpu.memref_squeeze %dma_start3A_83 : memref<1x40x2x128xi32, #tpu.memory_space<hbm>> -> memref<40x2x128xi32, #tpu.memory_space<hbm>>
      tpu.enqueue_dma source(%dma_start3A_84 : memref<40x2x128xi32, #tpu.memory_space<hbm>>) target(%arg6 : memref<40x2x128xi32, #tpu.memory_space<vmem>>) target_semaphore(%run_scoped3A : memref<!tpu.dma_semaphore, #tpu.memory_space<semaphore_mem>>)
      %dma_wait3A_85 = arith.constant 0 : i32
      %dma_wait3A_86 = arith.constant 0 : i32
      %dma_wait3A_87 = arith.constant 0 : i32
      %dma_wait3A_88 = tpu.memref_slice %arg2[%add3A, %dma_wait3A_85, %dma_wait3A_86, %dma_wait3A_87] : memref<32x80x2x128xi32, #tpu.memory_space<hbm>> -> memref<1x40x2x128xi32, #tpu.memory_space<hbm>>
      %dma_wait3A_89 = tpu.memref_squeeze %dma_wait3A_88 : memref<1x40x2x128xi32, #tpu.memory_space<hbm>> -> memref<40x2x128xi32, #tpu.memory_space<hbm>>
      %dma_wait3A_90 = arith.constant 0 : i32
      %dma_wait3A_91 = arith.constant 0 : i32
      %dma_wait3A_92 = arith.constant 0 : i32
      %dma_wait3A_93 = tpu.memref_slice %arg2[%add3A, %dma_wait3A_90, %dma_wait3A_91, %dma_wait3A_92] : memref<32x80x2x128xi32, #tpu.memory_space<hbm>> -> memref<1x40x2x128xi32, #tpu.memory_space<hbm>>
      %dma_wait3A_94 = tpu.memref_squeeze %dma_wait3A_93 : memref<1x40x2x128xi32, #tpu.memory_space<hbm>> -> memref<40x2x128xi32, #tpu.memory_space<hbm>>
      tpu.wait_dma2 semaphore(%run_scoped3A : memref<!tpu.dma_semaphore, #tpu.memory_space<semaphore_mem>>) src(%dma_wait3A_94 : memref<40x2x128xi32, #tpu.memory_space<hbm>>) dst(%arg6 : memref<40x2x128xi32, #tpu.memory_space<vmem>>)
      tpu.yield
    }) : () -> ()
    %dma_start3A = arith.constant 0 : i32
    %dma_start3A_5 = arith.constant 0 : i32
    %dma_start3A_6 = arith.constant 0 : i32
    %dma_start3A_7 = arith.constant 0 : i32
    %dma_start3A_8 = arith.constant 0 : i32
    %dma_start3A_9 = tpu.memref_slice %arg7[%dma_start3A_6, %dma_start3A_7, %dma_start3A_8] : memref<2x128x128xf32, #tpu.memory_space<vmem>> -> memref<1x128x128xf32, #tpu.memory_space<vmem>>
    %dma_start3A_10 = tpu.memref_squeeze %dma_start3A_9 : memref<1x128x128xf32, #tpu.memory_space<vmem>> -> memref<128x128xf32, #tpu.memory_space<vmem>>
    %dma_start3A_11 = arith.constant 0 : i32
    %dma_start3A_12 = tpu.memref_slice %arg6[%dma_start3A, %dma_start3A_5, %dma_start3A_11] : memref<40x2x128xi32, #tpu.memory_space<vmem>> -> memref<1x1x128xi32, #tpu.memory_space<vmem>>
    %dma_start3A_13 = tpu.memref_squeeze %dma_start3A_12 : memref<1x1x128xi32, #tpu.memory_space<vmem>> -> memref<128xi32, #tpu.memory_space<vmem>>
    %dma_start3A_14 = arith.constant 0 : i32
    %dma_start3A_15 = arith.constant 0 : i32
    %dma_start3A_16 = tpu.memref_slice %arg3[%dma_start3A_14, %dma_start3A_15] : memref<10000x128xf32, #tpu.memory_space<hbm>> -> memref<10000x128xf32, #tpu.memory_space<hbm>>
    tpu.enqueue_indirect_dma source(%dma_start3A_16 : memref<10000x128xf32, #tpu.memory_space<hbm>>) target(%dma_start3A_10 : memref<128x128xf32, #tpu.memory_space<vmem>>) offsets(%dma_start3A_13 : memref<128xi32, #tpu.memory_space<vmem>>) semaphore(%arg9 : memref<!tpu.dma_semaphore, #tpu.memory_space<semaphore_mem>>)
    %scan3A = arith.constant 0 : i32
    %scan3A_17 = arith.constant 0 : i32
    %scan3A_18 = arith.constant 1 : i32
    %scan3A_19 = arith.constant 0 : i32
    %scan3A_20 = arith.constant 20 : i32
    %scan3A_21 = arith.addi %scan3A_19, %scan3A_20 : i32
    %scan3A_22 = arith.constant 1 : i32
    scf.for %scan3A_75 = %scan3A_19 to %scan3A_21 step %scan3A_22  : i32 {
      %mul3A_76 = arith.constant 2 : i32
      %mul3A_77 = arith.muli %mul3A_76, %scan3A_75 : i32
      %dma_wait3A_78 = arith.constant 0 : i32
      %dma_wait3A_79 = arith.constant 0 : i32
      %dma_wait3A_80 = arith.constant 0 : i32
      %dma_wait3A_81 = tpu.memref_slice %arg7[%scan3A_17, %dma_wait3A_79, %dma_wait3A_80] : memref<2x128x128xf32, #tpu.memory_space<vmem>> -> memref<1x128x128xf32, #tpu.memory_space<vmem>>
      %dma_wait3A_82 = tpu.memref_squeeze %dma_wait3A_81 : memref<1x128x128xf32, #tpu.memory_space<vmem>> -> memref<128x128xf32, #tpu.memory_space<vmem>>
      %dma_wait3A_83 = arith.constant 0 : i32
      %dma_wait3A_84 = tpu.memref_slice %arg6[%mul3A_77, %dma_wait3A_78, %dma_wait3A_83] : memref<40x2x128xi32, #tpu.memory_space<vmem>> -> memref<1x1x128xi32, #tpu.memory_space<vmem>>
      %dma_wait3A_85 = tpu.memref_squeeze %dma_wait3A_84 : memref<1x1x128xi32, #tpu.memory_space<vmem>> -> memref<128xi32, #tpu.memory_space<vmem>>
      %dma_wait3A_86 = arith.constant 0 : i32
      %dma_wait3A_87 = arith.constant 0 : i32
      %dma_wait3A_88 = tpu.memref_slice %arg3[%dma_wait3A_86, %dma_wait3A_87] : memref<10000x128xf32, #tpu.memory_space<hbm>> -> memref<10000x128xf32, #tpu.memory_space<hbm>>
      tpu.wait_indirect_dma semaphore(%arg9 : memref<!tpu.dma_semaphore, #tpu.memory_space<semaphore_mem>>) src(%dma_wait3A_88 : memref<10000x128xf32, #tpu.memory_space<hbm>>) dst(%dma_wait3A_82 : memref<128x128xf32, #tpu.memory_space<vmem>>)
      %add3A_89 = arith.constant 1 : i32
      %add3A_90 = arith.addi %mul3A_77, %add3A_89 : i32
      %dma_start3A_91 = arith.constant 0 : i32
      %dma_start3A_92 = arith.constant 0 : i32
      %dma_start3A_93 = arith.constant 0 : i32
      %dma_start3A_94 = tpu.memref_slice %arg7[%scan3A_18, %dma_start3A_92, %dma_start3A_93] : memref<2x128x128xf32, #tpu.memory_space<vmem>> -> memref<1x128x128xf32, #tpu.memory_space<vmem>>
      %dma_start3A_95 = tpu.memref_squeeze %dma_start3A_94 : memref<1x128x128xf32, #tpu.memory_space<vmem>> -> memref<128x128xf32, #tpu.memory_space<vmem>>
      %dma_start3A_96 = arith.constant 0 : i32
      %dma_start3A_97 = tpu.memref_slice %arg6[%add3A_90, %dma_start3A_91, %dma_start3A_96] : memref<40x2x128xi32, #tpu.memory_space<vmem>> -> memref<1x1x128xi32, #tpu.memory_space<vmem>>
      %dma_start3A_98 = tpu.memref_squeeze %dma_start3A_97 : memref<1x1x128xi32, #tpu.memory_space<vmem>> -> memref<128xi32, #tpu.memory_space<vmem>>
      %dma_start3A_99 = arith.constant 0 : i32
      %dma_start3A_100 = arith.constant 0 : i32
      %dma_start3A_101 = tpu.memref_slice %arg3[%dma_start3A_99, %dma_start3A_100] : memref<10000x128xf32, #tpu.memory_space<hbm>> -> memref<10000x128xf32, #tpu.memory_space<hbm>>
      tpu.enqueue_indirect_dma source(%dma_start3A_101 : memref<10000x128xf32, #tpu.memory_space<hbm>>) target(%dma_start3A_95 : memref<128x128xf32, #tpu.memory_space<vmem>>) offsets(%dma_start3A_98 : memref<128xi32, #tpu.memory_space<vmem>>) semaphore(%arg10 : memref<!tpu.dma_semaphore, #tpu.memory_space<semaphore_mem>>)
      %run_scoped3A = arith.constant 1 : i32
      "tpu.region"() ({
        %run_scoped3A_132 = tpu.sem_alloc : memref<!tpu.dma_semaphore, #tpu.memory_space<semaphore_mem>>
        %dma_start3A_133 = arith.constant 0 : i32
        %dma_start3A_134 = arith.constant 0 : i32
        %dma_start3A_135 = tpu.memref_slice %arg7[%scan3A_17, %dma_start3A_133, %dma_start3A_134] : memref<2x128x128xf32, #tpu.memory_space<vmem>> -> memref<1x128x128xf32, #tpu.memory_space<vmem>>
        %dma_start3A_136 = tpu.memref_squeeze %dma_start3A_135 : memref<1x128x128xf32, #tpu.memory_space<vmem>> -> memref<128x128xf32, #tpu.memory_space<vmem>>
        %dma_start3A_137 = arith.constant 0 : i32
        %dma_start3A_138 = tpu.memref_slice %arg6[%mul3A_77, %run_scoped3A, %dma_start3A_137] : memref<40x2x128xi32, #tpu.memory_space<vmem>> -> memref<1x1x128xi32, #tpu.memory_space<vmem>>
        %dma_start3A_139 = tpu.memref_squeeze %dma_start3A_138 : memref<1x1x128xi32, #tpu.memory_space<vmem>> -> memref<128xi32, #tpu.memory_space<vmem>>
        %dma_start3A_140 = arith.constant 0 : i32
        %dma_start3A_141 = arith.constant 0 : i32
        %dma_start3A_142 = tpu.memref_slice %arg8[%dma_start3A_140, %dma_start3A_141] : memref<10112x128xf32, #tpu.memory_space<vmem_shared>> -> memref<10112x128xf32, #tpu.memory_space<vmem_shared>>
        tpu.enqueue_indirect_dma source(%dma_start3A_136 : memref<128x128xf32, #tpu.memory_space<vmem>>) target(%dma_start3A_142 : memref<10112x128xf32, #tpu.memory_space<vmem_shared>>) offsets(%dma_start3A_139 : memref<128xi32, #tpu.memory_space<vmem>>) semaphore(%run_scoped3A_132 : memref<!tpu.dma_semaphore, #tpu.memory_space<semaphore_mem>>) {add = true}
        %dma_wait3A_143 = arith.constant 0 : i32
        %dma_wait3A_144 = arith.constant 0 : i32
        %dma_wait3A_145 = tpu.memref_slice %arg7[%scan3A_17, %dma_wait3A_143, %dma_wait3A_144] : memref<2x128x128xf32, #tpu.memory_space<vmem>> -> memref<1x128x128xf32, #tpu.memory_space<vmem>>
        %dma_wait3A_146 = tpu.memref_squeeze %dma_wait3A_145 : memref<1x128x128xf32, #tpu.memory_space<vmem>> -> memref<128x128xf32, #tpu.memory_space<vmem>>
        %dma_wait3A_147 = arith.constant 0 : i32
        %dma_wait3A_148 = tpu.memref_slice %arg6[%mul3A_77, %run_scoped3A, %dma_wait3A_147] : memref<40x2x128xi32, #tpu.memory_space<vmem>> -> memref<1x1x128xi32, #tpu.memory_space<vmem>>
        %dma_wait3A_149 = tpu.memref_squeeze %dma_wait3A_148 : memref<1x1x128xi32, #tpu.memory_space<vmem>> -> memref<128xi32, #tpu.memory_space<vmem>>
        %dma_wait3A_150 = arith.constant 0 : i32
        %dma_wait3A_151 = arith.constant 0 : i32
        %dma_wait3A_152 = tpu.memref_slice %arg8[%dma_wait3A_150, %dma_wait3A_151] : memref<10112x128xf32, #tpu.memory_space<vmem_shared>> -> memref<10112x128xf32, #tpu.memory_space<vmem_shared>>
        tpu.wait_indirect_dma semaphore(%run_scoped3A_132 : memref<!tpu.dma_semaphore, #tpu.memory_space<semaphore_mem>>) src(%dma_wait3A_146 : memref<128x128xf32, #tpu.memory_space<vmem>>) dst(%dma_wait3A_152 : memref<10112x128xf32, #tpu.memory_space<vmem_shared>>)
        tpu.yield
      }) : () -> ()
      %add3A_102 = arith.constant 1 : i32
      %add3A_103 = arith.addi %mul3A_77, %add3A_102 : i32
      %dma_wait3A_104 = arith.constant 0 : i32
      %dma_wait3A_105 = arith.constant 0 : i32
      %dma_wait3A_106 = arith.constant 0 : i32
      %dma_wait3A_107 = tpu.memref_slice %arg7[%scan3A_18, %dma_wait3A_105, %dma_wait3A_106] : memref<2x128x128xf32, #tpu.memory_space<vmem>> -> memref<1x128x128xf32, #tpu.memory_space<vmem>>
      %dma_wait3A_108 = tpu.memref_squeeze %dma_wait3A_107 : memref<1x128x128xf32, #tpu.memory_space<vmem>> -> memref<128x128xf32, #tpu.memory_space<vmem>>
      %dma_wait3A_109 = arith.constant 0 : i32
      %dma_wait3A_110 = tpu.memref_slice %arg6[%add3A_103, %dma_wait3A_104, %dma_wait3A_109] : memref<40x2x128xi32, #tpu.memory_space<vmem>> -> memref<1x1x128xi32, #tpu.memory_space<vmem>>
      %dma_wait3A_111 = tpu.memref_squeeze %dma_wait3A_110 : memref<1x1x128xi32, #tpu.memory_space<vmem>> -> memref<128xi32, #tpu.memory_space<vmem>>
      %dma_wait3A_112 = arith.constant 0 : i32
      %dma_wait3A_113 = arith.constant 0 : i32
      %dma_wait3A_114 = tpu.memref_slice %arg3[%dma_wait3A_112, %dma_wait3A_113] : memref<10000x128xf32, #tpu.memory_space<hbm>> -> memref<10000x128xf32, #tpu.memory_space<hbm>>
      tpu.wait_indirect_dma semaphore(%arg10 : memref<!tpu.dma_semaphore, #tpu.memory_space<semaphore_mem>>) src(%dma_wait3A_114 : memref<10000x128xf32, #tpu.memory_space<hbm>>) dst(%dma_wait3A_108 : memref<128x128xf32, #tpu.memory_space<vmem>>)
      %add3A_115 = arith.constant 2 : i32
      %add3A_116 = arith.addi %mul3A_77, %add3A_115 : i32
      %rem3A = arith.constant 40 : i32
      %rem3A_117 = arith.remsi %add3A_116, %rem3A : i32
      %dma_start3A_118 = arith.constant 0 : i32
      %dma_start3A_119 = arith.constant 0 : i32
      %dma_start3A_120 = arith.constant 0 : i32
      %dma_start3A_121 = tpu.memref_slice %arg7[%scan3A_17, %dma_start3A_119, %dma_start3A_120] : memref<2x128x128xf32, #tpu.memory_space<vmem>> -> memref<1x128x128xf32, #tpu.memory_space<vmem>>
      %dma_start3A_122 = tpu.memref_squeeze %dma_start3A_121 : memref<1x128x128xf32, #tpu.memory_space<vmem>> -> memref<128x128xf32, #tpu.memory_space<vmem>>
      %dma_start3A_123 = arith.constant 0 : i32
      %dma_start3A_124 = tpu.memref_slice %arg6[%rem3A_117, %dma_start3A_118, %dma_start3A_123] : memref<40x2x128xi32, #tpu.memory_space<vmem>> -> memref<1x1x128xi32, #tpu.memory_space<vmem>>
      %dma_start3A_125 = tpu.memref_squeeze %dma_start3A_124 : memref<1x1x128xi32, #tpu.memory_space<vmem>> -> memref<128xi32, #tpu.memory_space<vmem>>
      %dma_start3A_126 = arith.constant 0 : i32
      %dma_start3A_127 = arith.constant 0 : i32
      %dma_start3A_128 = tpu.memref_slice %arg3[%dma_start3A_126, %dma_start3A_127] : memref<10000x128xf32, #tpu.memory_space<hbm>> -> memref<10000x128xf32, #tpu.memory_space<hbm>>
      tpu.enqueue_indirect_dma source(%dma_start3A_128 : memref<10000x128xf32, #tpu.memory_space<hbm>>) target(%dma_start3A_122 : memref<128x128xf32, #tpu.memory_space<vmem>>) offsets(%dma_start3A_125 : memref<128xi32, #tpu.memory_space<vmem>>) semaphore(%arg9 : memref<!tpu.dma_semaphore, #tpu.memory_space<semaphore_mem>>)
      %add3A_129 = arith.constant 1 : i32
      %add3A_130 = arith.addi %mul3A_77, %add3A_129 : i32
      %run_scoped3A_131 = arith.constant 1 : i32
      "tpu.region"() ({
        %run_scoped3A_132 = tpu.sem_alloc : memref<!tpu.dma_semaphore, #tpu.memory_space<semaphore_mem>>
        %dma_start3A_133 = arith.constant 0 : i32
        %dma_start3A_134 = arith.constant 0 : i32
        %dma_start3A_135 = tpu.memref_slice %arg7[%scan3A_18, %dma_start3A_133, %dma_start3A_134] : memref<2x128x128xf32, #tpu.memory_space<vmem>> -> memref<1x128x128xf32, #tpu.memory_space<vmem>>
        %dma_start3A_136 = tpu.memref_squeeze %dma_start3A_135 : memref<1x128x128xf32, #tpu.memory_space<vmem>> -> memref<128x128xf32, #tpu.memory_space<vmem>>
        %dma_start3A_137 = arith.constant 0 : i32
        %dma_start3A_138 = tpu.memref_slice %arg6[%add3A_130, %run_scoped3A_131, %dma_start3A_137] : memref<40x2x128xi32, #tpu.memory_space<vmem>> -> memref<1x1x128xi32, #tpu.memory_space<vmem>>
        %dma_start3A_139 = tpu.memref_squeeze %dma_start3A_138 : memref<1x1x128xi32, #tpu.memory_space<vmem>> -> memref<128xi32, #tpu.memory_space<vmem>>
        %dma_start3A_140 = arith.constant 0 : i32
        %dma_start3A_141 = arith.constant 0 : i32
        %dma_start3A_142 = tpu.memref_slice %arg8[%dma_start3A_140, %dma_start3A_141] : memref<10112x128xf32, #tpu.memory_space<vmem_shared>> -> memref<10112x128xf32, #tpu.memory_space<vmem_shared>>
        tpu.enqueue_indirect_dma source(%dma_start3A_136 : memref<128x128xf32, #tpu.memory_space<vmem>>) target(%dma_start3A_142 : memref<10112x128xf32, #tpu.memory_space<vmem_shared>>) offsets(%dma_start3A_139 : memref<128xi32, #tpu.memory_space<vmem>>) semaphore(%run_scoped3A_132 : memref<!tpu.dma_semaphore, #tpu.memory_space<semaphore_mem>>) {add = true}
        %dma_wait3A_143 = arith.constant 0 : i32
        %dma_wait3A_144 = arith.constant 0 : i32
        %dma_wait3A_145 = tpu.memref_slice %arg7[%scan3A_18, %dma_wait3A_143, %dma_wait3A_144] : memref<2x128x128xf32, #tpu.memory_space<vmem>> -> memref<1x128x128xf32, #tpu.memory_space<vmem>>
        %dma_wait3A_146 = tpu.memref_squeeze %dma_wait3A_145 : memref<1x128x128xf32, #tpu.memory_space<vmem>> -> memref<128x128xf32, #tpu.memory_space<vmem>>
        %dma_wait3A_147 = arith.constant 0 : i32
        %dma_wait3A_148 = tpu.memref_slice %arg6[%add3A_130, %run_scoped3A_131, %dma_wait3A_147] : memref<40x2x128xi32, #tpu.memory_space<vmem>> -> memref<1x1x128xi32, #tpu.memory_space<vmem>>
        %dma_wait3A_149 = tpu.memref_squeeze %dma_wait3A_148 : memref<1x1x128xi32, #tpu.memory_space<vmem>> -> memref<128xi32, #tpu.memory_space<vmem>>
        %dma_wait3A_150 = arith.constant 0 : i32
        %dma_wait3A_151 = arith.constant 0 : i32
        %dma_wait3A_152 = tpu.memref_slice %arg8[%dma_wait3A_150, %dma_wait3A_151] : memref<10112x128xf32, #tpu.memory_space<vmem_shared>> -> memref<10112x128xf32, #tpu.memory_space<vmem_shared>>
        tpu.wait_indirect_dma semaphore(%run_scoped3A_132 : memref<!tpu.dma_semaphore, #tpu.memory_space<semaphore_mem>>) src(%dma_wait3A_146 : memref<128x128xf32, #tpu.memory_space<vmem>>) dst(%dma_wait3A_152 : memref<10112x128xf32, #tpu.memory_space<vmem_shared>>)
        tpu.yield
      }) : () -> ()
    }
    %scan3A_23 = arith.constant 20 : i32
    %dma_wait3A = arith.constant 0 : i32
    %dma_wait3A_24 = arith.constant 0 : i32
    %dma_wait3A_25 = arith.constant 0 : i32
    %dma_wait3A_26 = arith.constant 0 : i32
    %dma_wait3A_27 = arith.constant 0 : i32
    %dma_wait3A_28 = tpu.memref_slice %arg7[%dma_wait3A_25, %dma_wait3A_26, %dma_wait3A_27] : memref<2x128x128xf32, #tpu.memory_space<vmem>> -> memref<1x128x128xf32, #tpu.memory_space<vmem>>
    %dma_wait3A_29 = tpu.memref_squeeze %dma_wait3A_28 : memref<1x128x128xf32, #tpu.memory_space<vmem>> -> memref<128x128xf32, #tpu.memory_space<vmem>>
    %dma_wait3A_30 = arith.constant 0 : i32
    %dma_wait3A_31 = tpu.memref_slice %arg6[%dma_wait3A, %dma_wait3A_24, %dma_wait3A_30] : memref<40x2x128xi32, #tpu.memory_space<vmem>> -> memref<1x1x128xi32, #tpu.memory_space<vmem>>
    %dma_wait3A_32 = tpu.memref_squeeze %dma_wait3A_31 : memref<1x1x128xi32, #tpu.memory_space<vmem>> -> memref<128xi32, #tpu.memory_space<vmem>>
    %dma_wait3A_33 = arith.constant 0 : i32
    %dma_wait3A_34 = arith.constant 0 : i32
    %dma_wait3A_35 = tpu.memref_slice %arg3[%dma_wait3A_33, %dma_wait3A_34] : memref<10000x128xf32, #tpu.memory_space<hbm>> -> memref<10000x128xf32, #tpu.memory_space<hbm>>
    tpu.wait_indirect_dma semaphore(%arg9 : memref<!tpu.dma_semaphore, #tpu.memory_space<semaphore_mem>>) src(%dma_wait3A_35 : memref<10000x128xf32, #tpu.memory_space<hbm>>) dst(%dma_wait3A_29 : memref<128x128xf32, #tpu.memory_space<vmem>>)
    "tpu.region"() ({
      %run_scoped3A = tpu.sem_alloc : memref<!tpu.dma_semaphore, #tpu.memory_space<semaphore_mem>>
      %dma_start3A_75 = arith.constant 40 : i32
      %dma_start3A_76 = arith.constant 0 : i32
      %dma_start3A_77 = arith.constant 0 : i32
      %dma_start3A_78 = tpu.memref_slice %arg2[%add3A, %dma_start3A_75, %dma_start3A_76, %dma_start3A_77] : memref<32x80x2x128xi32, #tpu.memory_space<hbm>> -> memref<1x40x2x128xi32, #tpu.memory_space<hbm>>
      %dma_start3A_79 = tpu.memref_squeeze %dma_start3A_78 : memref<1x40x2x128xi32, #tpu.memory_space<hbm>> -> memref<40x2x128xi32, #tpu.memory_space<hbm>>
      %dma_start3A_80 = arith.constant 40 : i32
      %dma_start3A_81 = arith.constant 0 : i32
      %dma_start3A_82 = arith.constant 0 : i32
      %dma_start3A_83 = tpu.memref_slice %arg2[%add3A, %dma_start3A_80, %dma_start3A_81, %dma_start3A_82] : memref<32x80x2x128xi32, #tpu.memory_space<hbm>> -> memref<1x40x2x128xi32, #tpu.memory_space<hbm>>
      %dma_start3A_84 = tpu.memref_squeeze %dma_start3A_83 : memref<1x40x2x128xi32, #tpu.memory_space<hbm>> -> memref<40x2x128xi32, #tpu.memory_space<hbm>>
      tpu.enqueue_dma source(%dma_start3A_84 : memref<40x2x128xi32, #tpu.memory_space<hbm>>) target(%arg6 : memref<40x2x128xi32, #tpu.memory_space<vmem>>) target_semaphore(%run_scoped3A : memref<!tpu.dma_semaphore, #tpu.memory_space<semaphore_mem>>)
      %dma_wait3A_85 = arith.constant 40 : i32
      %dma_wait3A_86 = arith.constant 0 : i32
      %dma_wait3A_87 = arith.constant 0 : i32
      %dma_wait3A_88 = tpu.memref_slice %arg2[%add3A, %dma_wait3A_85, %dma_wait3A_86, %dma_wait3A_87] : memref<32x80x2x128xi32, #tpu.memory_space<hbm>> -> memref<1x40x2x128xi32, #tpu.memory_space<hbm>>
      %dma_wait3A_89 = tpu.memref_squeeze %dma_wait3A_88 : memref<1x40x2x128xi32, #tpu.memory_space<hbm>> -> memref<40x2x128xi32, #tpu.memory_space<hbm>>
      %dma_wait3A_90 = arith.constant 40 : i32
      %dma_wait3A_91 = arith.constant 0 : i32
      %dma_wait3A_92 = arith.constant 0 : i32
      %dma_wait3A_93 = tpu.memref_slice %arg2[%add3A, %dma_wait3A_90, %dma_wait3A_91, %dma_wait3A_92] : memref<32x80x2x128xi32, #tpu.memory_space<hbm>> -> memref<1x40x2x128xi32, #tpu.memory_space<hbm>>
      %dma_wait3A_94 = tpu.memref_squeeze %dma_wait3A_93 : memref<1x40x2x128xi32, #tpu.memory_space<hbm>> -> memref<40x2x128xi32, #tpu.memory_space<hbm>>
      tpu.wait_dma2 semaphore(%run_scoped3A : memref<!tpu.dma_semaphore, #tpu.memory_space<semaphore_mem>>) src(%dma_wait3A_94 : memref<40x2x128xi32, #tpu.memory_space<hbm>>) dst(%arg6 : memref<40x2x128xi32, #tpu.memory_space<vmem>>)
      tpu.yield
    }) : () -> ()
    %dma_start3A_36 = arith.constant 0 : i32
    %dma_start3A_37 = arith.constant 0 : i32
    %dma_start3A_38 = arith.constant 0 : i32
    %dma_start3A_39 = arith.constant 0 : i32
    %dma_start3A_40 = arith.constant 0 : i32
    %dma_start3A_41 = tpu.memref_slice %arg7[%dma_start3A_38, %dma_start3A_39, %dma_start3A_40] : memref<2x128x128xf32, #tpu.memory_space<vmem>> -> memref<1x128x128xf32, #tpu.memory_space<vmem>>
    %dma_start3A_42 = tpu.memref_squeeze %dma_start3A_41 : memref<1x128x128xf32, #tpu.memory_space<vmem>> -> memref<128x128xf32, #tpu.memory_space<vmem>>
    %dma_start3A_43 = arith.constant 0 : i32
    %dma_start3A_44 = tpu.memref_slice %arg6[%dma_start3A_36, %dma_start3A_37, %dma_start3A_43] : memref<40x2x128xi32, #tpu.memory_space<vmem>> -> memref<1x1x128xi32, #tpu.memory_space<vmem>>
    %dma_start3A_45 = tpu.memref_squeeze %dma_start3A_44 : memref<1x1x128xi32, #tpu.memory_space<vmem>> -> memref<128xi32, #tpu.memory_space<vmem>>
    %dma_start3A_46 = arith.constant 0 : i32
    %dma_start3A_47 = arith.constant 0 : i32
    %dma_start3A_48 = tpu.memref_slice %arg3[%dma_start3A_46, %dma_start3A_47] : memref<10000x128xf32, #tpu.memory_space<hbm>> -> memref<10000x128xf32, #tpu.memory_space<hbm>>
    tpu.enqueue_indirect_dma source(%dma_start3A_48 : memref<10000x128xf32, #tpu.memory_space<hbm>>) target(%dma_start3A_42 : memref<128x128xf32, #tpu.memory_space<vmem>>) offsets(%dma_start3A_45 : memref<128xi32, #tpu.memory_space<vmem>>) semaphore(%arg9 : memref<!tpu.dma_semaphore, #tpu.memory_space<semaphore_mem>>)
    %scan3A_49 = arith.constant 0 : i32
    %scan3A_50 = arith.constant 0 : i32
    %scan3A_51 = arith.constant 1 : i32
    %scan3A_52 = arith.constant 0 : i32
    %scan3A_53 = arith.constant 20 : i32
    %scan3A_54 = arith.addi %scan3A_52, %scan3A_53 : i32
    %scan3A_55 = arith.constant 1 : i32
    scf.for %scan3A_75 = %scan3A_52 to %scan3A_54 step %scan3A_55  : i32 {
      %mul3A_76 = arith.constant 2 : i32
      %mul3A_77 = arith.muli %mul3A_76, %scan3A_75 : i32
      %dma_wait3A_78 = arith.constant 0 : i32
      %dma_wait3A_79 = arith.constant 0 : i32
      %dma_wait3A_80 = arith.constant 0 : i32
      %dma_wait3A_81 = tpu.memref_slice %arg7[%scan3A_50, %dma_wait3A_79, %dma_wait3A_80] : memref<2x128x128xf32, #tpu.memory_space<vmem>> -> memref<1x128x128xf32, #tpu.memory_space<vmem>>
      %dma_wait3A_82 = tpu.memref_squeeze %dma_wait3A_81 : memref<1x128x128xf32, #tpu.memory_space<vmem>> -> memref<128x128xf32, #tpu.memory_space<vmem>>
      %dma_wait3A_83 = arith.constant 0 : i32
      %dma_wait3A_84 = tpu.memref_slice %arg6[%mul3A_77, %dma_wait3A_78, %dma_wait3A_83] : memref<40x2x128xi32, #tpu.memory_space<vmem>> -> memref<1x1x128xi32, #tpu.memory_space<vmem>>
      %dma_wait3A_85 = tpu.memref_squeeze %dma_wait3A_84 : memref<1x1x128xi32, #tpu.memory_space<vmem>> -> memref<128xi32, #tpu.memory_space<vmem>>
      %dma_wait3A_86 = arith.constant 0 : i32
      %dma_wait3A_87 = arith.constant 0 : i32
      %dma_wait3A_88 = tpu.memref_slice %arg3[%dma_wait3A_86, %dma_wait3A_87] : memref<10000x128xf32, #tpu.memory_space<hbm>> -> memref<10000x128xf32, #tpu.memory_space<hbm>>
      tpu.wait_indirect_dma semaphore(%arg9 : memref<!tpu.dma_semaphore, #tpu.memory_space<semaphore_mem>>) src(%dma_wait3A_88 : memref<10000x128xf32, #tpu.memory_space<hbm>>) dst(%dma_wait3A_82 : memref<128x128xf32, #tpu.memory_space<vmem>>)
      %add3A_89 = arith.constant 1 : i32
      %add3A_90 = arith.addi %mul3A_77, %add3A_89 : i32
      %dma_start3A_91 = arith.constant 0 : i32
      %dma_start3A_92 = arith.constant 0 : i32
      %dma_start3A_93 = arith.constant 0 : i32
      %dma_start3A_94 = tpu.memref_slice %arg7[%scan3A_51, %dma_start3A_92, %dma_start3A_93] : memref<2x128x128xf32, #tpu.memory_space<vmem>> -> memref<1x128x128xf32, #tpu.memory_space<vmem>>
      %dma_start3A_95 = tpu.memref_squeeze %dma_start3A_94 : memref<1x128x128xf32, #tpu.memory_space<vmem>> -> memref<128x128xf32, #tpu.memory_space<vmem>>
      %dma_start3A_96 = arith.constant 0 : i32
      %dma_start3A_97 = tpu.memref_slice %arg6[%add3A_90, %dma_start3A_91, %dma_start3A_96] : memref<40x2x128xi32, #tpu.memory_space<vmem>> -> memref<1x1x128xi32, #tpu.memory_space<vmem>>
      %dma_start3A_98 = tpu.memref_squeeze %dma_start3A_97 : memref<1x1x128xi32, #tpu.memory_space<vmem>> -> memref<128xi32, #tpu.memory_space<vmem>>
      %dma_start3A_99 = arith.constant 0 : i32
      %dma_start3A_100 = arith.constant 0 : i32
      %dma_start3A_101 = tpu.memref_slice %arg3[%dma_start3A_99, %dma_start3A_100] : memref<10000x128xf32, #tpu.memory_space<hbm>> -> memref<10000x128xf32, #tpu.memory_space<hbm>>
      tpu.enqueue_indirect_dma source(%dma_start3A_101 : memref<10000x128xf32, #tpu.memory_space<hbm>>) target(%dma_start3A_95 : memref<128x128xf32, #tpu.memory_space<vmem>>) offsets(%dma_start3A_98 : memref<128xi32, #tpu.memory_space<vmem>>) semaphore(%arg10 : memref<!tpu.dma_semaphore, #tpu.memory_space<semaphore_mem>>)
      %run_scoped3A = arith.constant 1 : i32
      "tpu.region"() ({
        %run_scoped3A_132 = tpu.sem_alloc : memref<!tpu.dma_semaphore, #tpu.memory_space<semaphore_mem>>
        %dma_start3A_133 = arith.constant 0 : i32
        %dma_start3A_134 = arith.constant 0 : i32
        %dma_start3A_135 = tpu.memref_slice %arg7[%scan3A_50, %dma_start3A_133, %dma_start3A_134] : memref<2x128x128xf32, #tpu.memory_space<vmem>> -> memref<1x128x128xf32, #tpu.memory_space<vmem>>
        %dma_start3A_136 = tpu.memref_squeeze %dma_start3A_135 : memref<1x128x128xf32, #tpu.memory_space<vmem>> -> memref<128x128xf32, #tpu.memory_space<vmem>>
        %dma_start3A_137 = arith.constant 0 : i32
        %dma_start3A_138 = tpu.memref_slice %arg6[%mul3A_77, %run_scoped3A, %dma_start3A_137] : memref<40x2x128xi32, #tpu.memory_space<vmem>> -> memref<1x1x128xi32, #tpu.memory_space<vmem>>
        %dma_start3A_139 = tpu.memref_squeeze %dma_start3A_138 : memref<1x1x128xi32, #tpu.memory_space<vmem>> -> memref<128xi32, #tpu.memory_space<vmem>>
        %dma_start3A_140 = arith.constant 0 : i32
        %dma_start3A_141 = arith.constant 0 : i32
        %dma_start3A_142 = tpu.memref_slice %arg8[%dma_start3A_140, %dma_start3A_141] : memref<10112x128xf32, #tpu.memory_space<vmem_shared>> -> memref<10112x128xf32, #tpu.memory_space<vmem_shared>>
        tpu.enqueue_indirect_dma source(%dma_start3A_136 : memref<128x128xf32, #tpu.memory_space<vmem>>) target(%dma_start3A_142 : memref<10112x128xf32, #tpu.memory_space<vmem_shared>>) offsets(%dma_start3A_139 : memref<128xi32, #tpu.memory_space<vmem>>) semaphore(%run_scoped3A_132 : memref<!tpu.dma_semaphore, #tpu.memory_space<semaphore_mem>>) {add = true}
        %dma_wait3A_143 = arith.constant 0 : i32
        %dma_wait3A_144 = arith.constant 0 : i32
        %dma_wait3A_145 = tpu.memref_slice %arg7[%scan3A_50, %dma_wait3A_143, %dma_wait3A_144] : memref<2x128x128xf32, #tpu.memory_space<vmem>> -> memref<1x128x128xf32, #tpu.memory_space<vmem>>
        %dma_wait3A_146 = tpu.memref_squeeze %dma_wait3A_145 : memref<1x128x128xf32, #tpu.memory_space<vmem>> -> memref<128x128xf32, #tpu.memory_space<vmem>>
        %dma_wait3A_147 = arith.constant 0 : i32
        %dma_wait3A_148 = tpu.memref_slice %arg6[%mul3A_77, %run_scoped3A, %dma_wait3A_147] : memref<40x2x128xi32, #tpu.memory_space<vmem>> -> memref<1x1x128xi32, #tpu.memory_space<vmem>>
        %dma_wait3A_149 = tpu.memref_squeeze %dma_wait3A_148 : memref<1x1x128xi32, #tpu.memory_space<vmem>> -> memref<128xi32, #tpu.memory_space<vmem>>
        %dma_wait3A_150 = arith.constant 0 : i32
        %dma_wait3A_151 = arith.constant 0 : i32
        %dma_wait3A_152 = tpu.memref_slice %arg8[%dma_wait3A_150, %dma_wait3A_151] : memref<10112x128xf32, #tpu.memory_space<vmem_shared>> -> memref<10112x128xf32, #tpu.memory_space<vmem_shared>>
        tpu.wait_indirect_dma semaphore(%run_scoped3A_132 : memref<!tpu.dma_semaphore, #tpu.memory_space<semaphore_mem>>) src(%dma_wait3A_146 : memref<128x128xf32, #tpu.memory_space<vmem>>) dst(%dma_wait3A_152 : memref<10112x128xf32, #tpu.memory_space<vmem_shared>>)
        tpu.yield
      }) : () -> ()
      %add3A_102 = arith.constant 1 : i32
      %add3A_103 = arith.addi %mul3A_77, %add3A_102 : i32
      %dma_wait3A_104 = arith.constant 0 : i32
      %dma_wait3A_105 = arith.constant 0 : i32
      %dma_wait3A_106 = arith.constant 0 : i32
      %dma_wait3A_107 = tpu.memref_slice %arg7[%scan3A_51, %dma_wait3A_105, %dma_wait3A_106] : memref<2x128x128xf32, #tpu.memory_space<vmem>> -> memref<1x128x128xf32, #tpu.memory_space<vmem>>
      %dma_wait3A_108 = tpu.memref_squeeze %dma_wait3A_107 : memref<1x128x128xf32, #tpu.memory_space<vmem>> -> memref<128x128xf32, #tpu.memory_space<vmem>>
      %dma_wait3A_109 = arith.constant 0 : i32
      %dma_wait3A_110 = tpu.memref_slice %arg6[%add3A_103, %dma_wait3A_104, %dma_wait3A_109] : memref<40x2x128xi32, #tpu.memory_space<vmem>> -> memref<1x1x128xi32, #tpu.memory_space<vmem>>
      %dma_wait3A_111 = tpu.memref_squeeze %dma_wait3A_110 : memref<1x1x128xi32, #tpu.memory_space<vmem>> -> memref<128xi32, #tpu.memory_space<vmem>>
      %dma_wait3A_112 = arith.constant 0 : i32
      %dma_wait3A_113 = arith.constant 0 : i32
      %dma_wait3A_114 = tpu.memref_slice %arg3[%dma_wait3A_112, %dma_wait3A_113] : memref<10000x128xf32, #tpu.memory_space<hbm>> -> memref<10000x128xf32, #tpu.memory_space<hbm>>
      tpu.wait_indirect_dma semaphore(%arg10 : memref<!tpu.dma_semaphore, #tpu.memory_space<semaphore_mem>>) src(%dma_wait3A_114 : memref<10000x128xf32, #tpu.memory_space<hbm>>) dst(%dma_wait3A_108 : memref<128x128xf32, #tpu.memory_space<vmem>>)
      %add3A_115 = arith.constant 2 : i32
      %add3A_116 = arith.addi %mul3A_77, %add3A_115 : i32
      %rem3A = arith.constant 40 : i32
      %rem3A_117 = arith.remsi %add3A_116, %rem3A : i32
      %dma_start3A_118 = arith.constant 0 : i32
      %dma_start3A_119 = arith.constant 0 : i32
      %dma_start3A_120 = arith.constant 0 : i32
      %dma_start3A_121 = tpu.memref_slice %arg7[%scan3A_50, %dma_start3A_119, %dma_start3A_120] : memref<2x128x128xf32, #tpu.memory_space<vmem>> -> memref<1x128x128xf32, #tpu.memory_space<vmem>>
      %dma_start3A_122 = tpu.memref_squeeze %dma_start3A_121 : memref<1x128x128xf32, #tpu.memory_space<vmem>> -> memref<128x128xf32, #tpu.memory_space<vmem>>
      %dma_start3A_123 = arith.constant 0 : i32
      %dma_start3A_124 = tpu.memref_slice %arg6[%rem3A_117, %dma_start3A_118, %dma_start3A_123] : memref<40x2x128xi32, #tpu.memory_space<vmem>> -> memref<1x1x128xi32, #tpu.memory_space<vmem>>
      %dma_start3A_125 = tpu.memref_squeeze %dma_start3A_124 : memref<1x1x128xi32, #tpu.memory_space<vmem>> -> memref<128xi32, #tpu.memory_space<vmem>>
      %dma_start3A_126 = arith.constant 0 : i32
      %dma_start3A_127 = arith.constant 0 : i32
      %dma_start3A_128 = tpu.memref_slice %arg3[%dma_start3A_126, %dma_start3A_127] : memref<10000x128xf32, #tpu.memory_space<hbm>> -> memref<10000x128xf32, #tpu.memory_space<hbm>>
      tpu.enqueue_indirect_dma source(%dma_start3A_128 : memref<10000x128xf32, #tpu.memory_space<hbm>>) target(%dma_start3A_122 : memref<128x128xf32, #tpu.memory_space<vmem>>) offsets(%dma_start3A_125 : memref<128xi32, #tpu.memory_space<vmem>>) semaphore(%arg9 : memref<!tpu.dma_semaphore, #tpu.memory_space<semaphore_mem>>)
      %add3A_129 = arith.constant 1 : i32
      %add3A_130 = arith.addi %mul3A_77, %add3A_129 : i32
      %run_scoped3A_131 = arith.constant 1 : i32
      "tpu.region"() ({
        %run_scoped3A_132 = tpu.sem_alloc : memref<!tpu.dma_semaphore, #tpu.memory_space<semaphore_mem>>
        %dma_start3A_133 = arith.constant 0 : i32
        %dma_start3A_134 = arith.constant 0 : i32
        %dma_start3A_135 = tpu.memref_slice %arg7[%scan3A_51, %dma_start3A_133, %dma_start3A_134] : memref<2x128x128xf32, #tpu.memory_space<vmem>> -> memref<1x128x128xf32, #tpu.memory_space<vmem>>
        %dma_start3A_136 = tpu.memref_squeeze %dma_start3A_135 : memref<1x128x128xf32, #tpu.memory_space<vmem>> -> memref<128x128xf32, #tpu.memory_space<vmem>>
        %dma_start3A_137 = arith.constant 0 : i32
        %dma_start3A_138 = tpu.memref_slice %arg6[%add3A_130, %run_scoped3A_131, %dma_start3A_137] : memref<40x2x128xi32, #tpu.memory_space<vmem>> -> memref<1x1x128xi32, #tpu.memory_space<vmem>>
        %dma_start3A_139 = tpu.memref_squeeze %dma_start3A_138 : memref<1x1x128xi32, #tpu.memory_space<vmem>> -> memref<128xi32, #tpu.memory_space<vmem>>
        %dma_start3A_140 = arith.constant 0 : i32
        %dma_start3A_141 = arith.constant 0 : i32
        %dma_start3A_142 = tpu.memref_slice %arg8[%dma_start3A_140, %dma_start3A_141] : memref<10112x128xf32, #tpu.memory_space<vmem_shared>> -> memref<10112x128xf32, #tpu.memory_space<vmem_shared>>
        tpu.enqueue_indirect_dma source(%dma_start3A_136 : memref<128x128xf32, #tpu.memory_space<vmem>>) target(%dma_start3A_142 : memref<10112x128xf32, #tpu.memory_space<vmem_shared>>) offsets(%dma_start3A_139 : memref<128xi32, #tpu.memory_space<vmem>>) semaphore(%run_scoped3A_132 : memref<!tpu.dma_semaphore, #tpu.memory_space<semaphore_mem>>) {add = true}
        %dma_wait3A_143 = arith.constant 0 : i32
        %dma_wait3A_144 = arith.constant 0 : i32
        %dma_wait3A_145 = tpu.memref_slice %arg7[%scan3A_51, %dma_wait3A_143, %dma_wait3A_144] : memref<2x128x128xf32, #tpu.memory_space<vmem>> -> memref<1x128x128xf32, #tpu.memory_space<vmem>>
        %dma_wait3A_146 = tpu.memref_squeeze %dma_wait3A_145 : memref<1x128x128xf32, #tpu.memory_space<vmem>> -> memref<128x128xf32, #tpu.memory_space<vmem>>
        %dma_wait3A_147 = arith.constant 0 : i32
        %dma_wait3A_148 = tpu.memref_slice %arg6[%add3A_130, %run_scoped3A_131, %dma_wait3A_147] : memref<40x2x128xi32, #tpu.memory_space<vmem>> -> memref<1x1x128xi32, #tpu.memory_space<vmem>>
        %dma_wait3A_149 = tpu.memref_squeeze %dma_wait3A_148 : memref<1x1x128xi32, #tpu.memory_space<vmem>> -> memref<128xi32, #tpu.memory_space<vmem>>
        %dma_wait3A_150 = arith.constant 0 : i32
        %dma_wait3A_151 = arith.constant 0 : i32
        %dma_wait3A_152 = tpu.memref_slice %arg8[%dma_wait3A_150, %dma_wait3A_151] : memref<10112x128xf32, #tpu.memory_space<vmem_shared>> -> memref<10112x128xf32, #tpu.memory_space<vmem_shared>>
        tpu.wait_indirect_dma semaphore(%run_scoped3A_132 : memref<!tpu.dma_semaphore, #tpu.memory_space<semaphore_mem>>) src(%dma_wait3A_146 : memref<128x128xf32, #tpu.memory_space<vmem>>) dst(%dma_wait3A_152 : memref<10112x128xf32, #tpu.memory_space<vmem_shared>>)
        tpu.yield
      }) : () -> ()
    }
    %scan3A_56 = arith.constant 20 : i32
    %dma_wait3A_57 = arith.constant 0 : i32
    %dma_wait3A_58 = arith.constant 0 : i32
    %dma_wait3A_59 = arith.constant 0 : i32
    %dma_wait3A_60 = arith.constant 0 : i32
    %dma_wait3A_61 = arith.constant 0 : i32
    %dma_wait3A_62 = tpu.memref_slice %arg7[%dma_wait3A_59, %dma_wait3A_60, %dma_wait3A_61] : memref<2x128x128xf32, #tpu.memory_space<vmem>> -> memref<1x128x128xf32, #tpu.memory_space<vmem>>
    %dma_wait3A_63 = tpu.memref_squeeze %dma_wait3A_62 : memref<1x128x128xf32, #tpu.memory_space<vmem>> -> memref<128x128xf32, #tpu.memory_space<vmem>>
    %dma_wait3A_64 = arith.constant 0 : i32
    %dma_wait3A_65 = tpu.memref_slice %arg6[%dma_wait3A_57, %dma_wait3A_58, %dma_wait3A_64] : memref<40x2x128xi32, #tpu.memory_space<vmem>> -> memref<1x1x128xi32, #tpu.memory_space<vmem>>
    %dma_wait3A_66 = tpu.memref_squeeze %dma_wait3A_65 : memref<1x1x128xi32, #tpu.memory_space<vmem>> -> memref<128xi32, #tpu.memory_space<vmem>>
    %dma_wait3A_67 = arith.constant 0 : i32
    %dma_wait3A_68 = arith.constant 0 : i32
    %dma_wait3A_69 = tpu.memref_slice %arg3[%dma_wait3A_67, %dma_wait3A_68] : memref<10000x128xf32, #tpu.memory_space<hbm>> -> memref<10000x128xf32, #tpu.memory_space<hbm>>
    tpu.wait_indirect_dma semaphore(%arg9 : memref<!tpu.dma_semaphore, #tpu.memory_space<semaphore_mem>>) src(%dma_wait3A_69 : memref<10000x128xf32, #tpu.memory_space<hbm>>) dst(%dma_wait3A_63 : memref<128x128xf32, #tpu.memory_space<vmem>>)
    %barrier3A_70 = arith.constant 0 : index
    tpu.barrier barrier_id(%barrier3A_70)
    %mul3A_71 = arith.constant 632 : i32
    %mul3A_72 = arith.muli %arg1, %mul3A_71 : i32
    %mul3A_73 = arith.constant 632 : i32
    %mul3A_74 = arith.muli %arg1, %mul3A_73 : i32
    "tpu.region"() ({
      %run_scoped3A = tpu.sem_alloc : memref<!tpu.dma_semaphore, #tpu.memory_space<semaphore_mem>>
      %dma_start3A_75 = arith.constant 0 : i32
      %dma_start3A_76 = tpu.memref_slice %arg5[%arg0, %mul3A_74, %dma_start3A_75] : memref<2x10112x128xf32, #tpu.memory_space<hbm>> -> memref<1x632x128xf32, #tpu.memory_space<hbm>>
      %dma_start3A_77 = tpu.memref_squeeze %dma_start3A_76 : memref<1x632x128xf32, #tpu.memory_space<hbm>> -> memref<632x128xf32, #tpu.memory_space<hbm>>
      %dma_start3A_78 = arith.constant 0 : i32
      %dma_start3A_79 = tpu.memref_slice %arg8[%mul3A_72, %dma_start3A_78] : memref<10112x128xf32, #tpu.memory_space<vmem_shared>> -> memref<632x128xf32, #tpu.memory_space<vmem_shared>>
      tpu.enqueue_dma source(%dma_start3A_79 : memref<632x128xf32, #tpu.memory_space<vmem_shared>>) target(%dma_start3A_77 : memref<632x128xf32, #tpu.memory_space<hbm>>) target_semaphore(%run_scoped3A : memref<!tpu.dma_semaphore, #tpu.memory_space<semaphore_mem>>)
      %dma_wait3A_80 = arith.constant 0 : i32
      %dma_wait3A_81 = tpu.memref_slice %arg5[%arg0, %mul3A_74, %dma_wait3A_80] : memref<2x10112x128xf32, #tpu.memory_space<hbm>> -> memref<1x632x128xf32, #tpu.memory_space<hbm>>
      %dma_wait3A_82 = tpu.memref_squeeze %dma_wait3A_81 : memref<1x632x128xf32, #tpu.memory_space<hbm>> -> memref<632x128xf32, #tpu.memory_space<hbm>>
      %dma_wait3A_83 = arith.constant 0 : i32
      %dma_wait3A_84 = tpu.memref_slice %arg8[%mul3A_72, %dma_wait3A_83] : memref<10112x128xf32, #tpu.memory_space<vmem_shared>> -> memref<632x128xf32, #tpu.memory_space<vmem_shared>>
      tpu.wait_dma2 semaphore(%run_scoped3A : memref<!tpu.dma_semaphore, #tpu.memory_space<semaphore_mem>>) src(%dma_wait3A_84 : memref<632x128xf32, #tpu.memory_space<vmem_shared>>) dst(%dma_wait3A_82 : memref<632x128xf32, #tpu.memory_space<hbm>>)
      tpu.yield
    }) : () -> ()
    return
  }
}

module attributes {stable_mosaic.version = 14 : i64} {
  func.func @_proj_body(%arg0: i32, %arg1: memref<2000x128xf32, #tpu.memory_space<vmem>>, %arg2: memref<128x128xf32, #tpu.memory_space<vmem>>, %arg3: memref<1x128xf32, #tpu.memory_space<vmem>>, %arg4: memref<1x128xf32, #tpu.memory_space<vmem>>, %arg5: memref<1x128xf32, #tpu.memory_space<vmem>>, %arg6: memref<2000x128xf32, #tpu.memory_space<vmem>>, %arg7: memref<2000x128xf32, #tpu.memory_space<vmem>>) attributes {dimension_semantics = [#tpu.dimension_semantics<arbitrary>], iteration_bounds = array<i64: 5>, scalar_prefetch = 0 : i64, scratch_operands = 0 : i64, tpu.core_type = #tpu.core_type<tc>, window_params = [{transform_indices = @transform_0, window_bounds = array<i64: 2000, 128>}, {pipeline_mode = #tpu.pipeline_mode<synchronous>, transform_indices = @transform_1, window_bounds = array<i64: 128, 128>}, {pipeline_mode = #tpu.pipeline_mode<synchronous>, transform_indices = @transform_2, window_bounds = array<i64: 1, 128>}, {pipeline_mode = #tpu.pipeline_mode<synchronous>, transform_indices = @transform_3, window_bounds = array<i64: 1, 128>}, {pipeline_mode = #tpu.pipeline_mode<synchronous>, transform_indices = @transform_4, window_bounds = array<i64: 1, 128>}, {transform_indices = @transform_5, window_bounds = array<i64: 2000, 128>}, {transform_indices = @transform_6, window_bounds = array<i64: 2000, 128>}]} {
    %get3A = arith.constant 0 : index
    %get3A_0 = arith.constant 0 : index
    %get3A_1 = vector.load %arg1[%get3A, %get3A_0] : memref<2000x128xf32, #tpu.memory_space<vmem>>, vector<2000x128xf32>
    %get3A_2 = arith.constant 0 : index
    %get3A_3 = arith.constant 0 : index
    %get3A_4 = vector.load %arg2[%get3A_2, %get3A_3] : memref<128x128xf32, #tpu.memory_space<vmem>>, vector<128x128xf32>
    %dot_general3A = arith.constant dense<0.000000e+00> : vector<2000x128xf32>
    %dot_general3A_5 = tpu.matmul %get3A_1, %get3A_4, %dot_general3A {dimension_numbers = #tpu.dot_dimension_numbers<[1], [0], [0], [1], [0, 0, 1, 1], [], []>, transpose_lhs_hint = false} : vector<2000x128xf32>, vector<128x128xf32>, vector<2000x128xf32> -> vector<2000x128xf32>
    %get3A_6 = arith.constant 0 : index
    %get3A_7 = arith.constant 0 : index
    %get3A_8 = vector.load %arg3[%get3A_6, %get3A_7] : memref<1x128xf32, #tpu.memory_space<vmem>>, vector<1x128xf32>
    %add3A = vector.broadcast %get3A_8 : vector<1x128xf32> to vector<2000x128xf32>
    %add3A_9 = arith.addf %dot_general3A_5, %add3A : vector<2000x128xf32>
    %swap3A = arith.constant 0 : index
    %swap3A_10 = arith.constant 0 : index
    %swap3A_11 = vector.load %arg6[%swap3A, %swap3A_10] : memref<2000x128xf32, #tpu.memory_space<vmem>>, vector<2000x128xf32>
    tpu.vector_store %arg6[%swap3A, %swap3A_10], %add3A_9 {strides = array<i32>} : memref<2000x128xf32, #tpu.memory_space<vmem>>, vector<2000x128xf32>,
    %get3A_12 = arith.constant 0 : index
    %get3A_13 = arith.constant 0 : index
    %get3A_14 = vector.load %arg4[%get3A_12, %get3A_13] : memref<1x128xf32, #tpu.memory_space<vmem>>, vector<1x128xf32>
    %get3A_15 = arith.constant 0 : index
    %get3A_16 = arith.constant 0 : index
    %get3A_17 = vector.load %arg5[%get3A_15, %get3A_16] : memref<1x128xf32, #tpu.memory_space<vmem>>, vector<1x128xf32>
    %reduce_sum3A = arith.constant dense<0.000000e+00> : vector<2000xf32>
    %reduce_sum3A_18 = vector.multi_reduction <add>, %add3A_9, %reduce_sum3A [1] : vector<2000x128xf32> to vector<2000xf32>
    %broadcast_in_dim3A = vector.shape_cast %reduce_sum3A_18 : vector<2000xf32> to vector<2000x1xf32>
    %div3A = arith.constant 1.280000e+02 : f32
    %div3A_19 = vector.broadcast %div3A : f32 to vector<2000x1xf32>
    %div3A_20 = arith.divf %broadcast_in_dim3A, %div3A_19 : vector<2000x1xf32>
    %sub3A = vector.broadcast %div3A_20 : vector<2000x1xf32> to vector<2000x128xf32>
    %sub3A_21 = arith.subf %add3A_9, %sub3A : vector<2000x128xf32>
    %integer_pow3A = arith.mulf %sub3A_21, %sub3A_21 : vector<2000x128xf32>
    %reduce_sum3A_22 = arith.constant dense<0.000000e+00> : vector<2000xf32>
    %reduce_sum3A_23 = vector.multi_reduction <add>, %integer_pow3A, %reduce_sum3A_22 [1] : vector<2000x128xf32> to vector<2000xf32>
    %broadcast_in_dim3A_24 = vector.shape_cast %reduce_sum3A_23 : vector<2000xf32> to vector<2000x1xf32>
    %div3A_25 = arith.constant 1.280000e+02 : f32
    %div3A_26 = vector.broadcast %div3A_25 : f32 to vector<2000x1xf32>
    %div3A_27 = arith.divf %broadcast_in_dim3A_24, %div3A_26 : vector<2000x1xf32>
    %sub3A_28 = vector.broadcast %div3A_20 : vector<2000x1xf32> to vector<2000x128xf32>
    %sub3A_29 = arith.subf %add3A_9, %sub3A_28 : vector<2000x128xf32>
    %add3A_30 = arith.constant 9.99999974E-6 : f32
    %add3A_31 = vector.broadcast %add3A_30 : f32 to vector<2000x1xf32>
    %add3A_32 = arith.addf %div3A_27, %add3A_31 : vector<2000x1xf32>
    %rsqrt3A = math.rsqrt %add3A_32 : vector<2000x1xf32>
    %mul3A = vector.broadcast %rsqrt3A : vector<2000x1xf32> to vector<2000x128xf32>
    %mul3A_33 = arith.mulf %sub3A_29, %mul3A : vector<2000x128xf32>
    %mul3A_34 = vector.broadcast %get3A_14 : vector<1x128xf32> to vector<2000x128xf32>
    %mul3A_35 = arith.mulf %mul3A_33, %mul3A_34 : vector<2000x128xf32>
    %add3A_36 = vector.broadcast %get3A_17 : vector<1x128xf32> to vector<2000x128xf32>
    %add3A_37 = arith.addf %mul3A_35, %add3A_36 : vector<2000x128xf32>
    %swap3A_38 = arith.constant 0 : index
    %swap3A_39 = arith.constant 0 : index
    %swap3A_40 = vector.load %arg7[%swap3A_38, %swap3A_39] : memref<2000x128xf32, #tpu.memory_space<vmem>>, vector<2000x128xf32>
    tpu.vector_store %arg7[%swap3A_38, %swap3A_39], %add3A_37 {strides = array<i32>} : memref<2000x128xf32, #tpu.memory_space<vmem>>, vector<2000x128xf32>,
    return
  }
  func.func @transform_0(%arg0: i32) -> (i32, i32) {
    %c0_i32 = arith.constant 0 : i32
    %c0_i32_0 = arith.constant 0 : i32
    return %arg0, %c0_i32 : i32, i32
  }
  func.func @transform_1(%arg0: i32) -> (i32, i32) {
    %c0_i32 = arith.constant 0 : i32
    %c0_i32_0 = arith.constant 0 : i32
    %c0_i32_1 = arith.constant 0 : i32
    return %c0_i32, %c0_i32_0 : i32, i32
  }
  func.func @transform_2(%arg0: i32) -> (i32, i32) {
    %c0_i32 = arith.constant 0 : i32
    %c0_i32_0 = arith.constant 0 : i32
    %c0_i32_1 = arith.constant 0 : i32
    return %c0_i32, %c0_i32_0 : i32, i32
  }
  func.func @transform_3(%arg0: i32) -> (i32, i32) {
    %c0_i32 = arith.constant 0 : i32
    %c0_i32_0 = arith.constant 0 : i32
    %c0_i32_1 = arith.constant 0 : i32
    return %c0_i32, %c0_i32_0 : i32, i32
  }
  func.func @transform_4(%arg0: i32) -> (i32, i32) {
    %c0_i32 = arith.constant 0 : i32
    %c0_i32_0 = arith.constant 0 : i32
    %c0_i32_1 = arith.constant 0 : i32
    return %c0_i32, %c0_i32_0 : i32, i32
  }
  func.func @transform_5(%arg0: i32) -> (i32, i32) {
    %c0_i32 = arith.constant 0 : i32
    %c0_i32_0 = arith.constant 0 : i32
    return %arg0, %c0_i32 : i32, i32
  }
  func.func @transform_6(%arg0: i32) -> (i32, i32) {
    %c0_i32 = arith.constant 0 : i32
    %c0_i32_0 = arith.constant 0 : i32
    return %arg0, %c0_i32 : i32, i32
  }
}

module attributes {stable_mosaic.version = 14 : i64} {
  func.func @_mid_body(%arg0: i32, %arg1: memref<2000x128xf32, #tpu.memory_space<vmem>>, %arg2: memref<2000x128xf32, #tpu.memory_space<vmem>>, %arg3: memref<2x2000x128xf32, #tpu.memory_space<vmem>>, %arg4: memref<2x2000x128xf32, #tpu.memory_space<vmem>>, %arg5: memref<128x128xf32, #tpu.memory_space<vmem>>, %arg6: memref<128x128xf32, #tpu.memory_space<vmem>>, %arg7: memref<1x128xf32, #tpu.memory_space<vmem>>, %arg8: memref<1x128xf32, #tpu.memory_space<vmem>>, %arg9: memref<1x128xf32, #tpu.memory_space<vmem>>, %arg10: memref<2000x128xf32, #tpu.memory_space<vmem>>, %arg11: memref<2000x128xf32, #tpu.memory_space<vmem>>) attributes {dimension_semantics = [#tpu.dimension_semantics<arbitrary>], iteration_bounds = array<i64: 5>, scalar_prefetch = 0 : i64, scratch_operands = 0 : i64, tpu.core_type = #tpu.core_type<tc>, window_params = [{transform_indices = @transform_0, window_bounds = array<i64: 2000, 128>}, {transform_indices = @transform_1, window_bounds = array<i64: 2000, 128>}, {transform_indices = @transform_2, window_bounds = array<i64: 2, 2000, 128>}, {transform_indices = @transform_3, window_bounds = array<i64: 2, 2000, 128>}, {pipeline_mode = #tpu.pipeline_mode<synchronous>, transform_indices = @transform_4, window_bounds = array<i64: 128, 128>}, {pipeline_mode = #tpu.pipeline_mode<synchronous>, transform_indices = @transform_5, window_bounds = array<i64: 128, 128>}, {pipeline_mode = #tpu.pipeline_mode<synchronous>, transform_indices = @transform_6, window_bounds = array<i64: 1, 128>}, {pipeline_mode = #tpu.pipeline_mode<synchronous>, transform_indices = @transform_7, window_bounds = array<i64: 1, 128>}, {pipeline_mode = #tpu.pipeline_mode<synchronous>, transform_indices = @transform_8, window_bounds = array<i64: 1, 128>}, {transform_indices = @transform_9, window_bounds = array<i64: 2000, 128>}, {transform_indices = @transform_10, window_bounds = array<i64: 2000, 128>}]} {
    %get3A = arith.constant 0 : index
    %get3A_0 = arith.constant 0 : index
    %get3A_1 = arith.constant 0 : index
    %get3A_2 = vector.load %arg4[%get3A, %get3A_0, %get3A_1] : memref<2x2000x128xf32, #tpu.memory_space<vmem>>, vector<1x2000x1xf32>
    %get3A_3 = vector.shape_cast %get3A_2 : vector<1x2000x1xf32> to vector<2000x1xf32>
    %get3A_4 = arith.constant 1 : index
    %get3A_5 = arith.constant 0 : index
    %get3A_6 = arith.constant 0 : index
    %get3A_7 = vector.load %arg4[%get3A_4, %get3A_5, %get3A_6] : memref<2x2000x128xf32, #tpu.memory_space<vmem>>, vector<1x2000x1xf32>
    %get3A_8 = vector.shape_cast %get3A_7 : vector<1x2000x1xf32> to vector<2000x1xf32>
    %add3A = arith.addf %get3A_3, %get3A_8 : vector<2000x1xf32>
    %max3A = arith.constant 1.000000e+00 : f32
    %max3A_9 = vector.broadcast %max3A : f32 to vector<2000x1xf32>
    %max3A_10 = arith.maximumf %add3A, %max3A_9 : vector<2000x1xf32>
    %get3A_11 = arith.constant 0 : index
    %get3A_12 = arith.constant 0 : index
    %get3A_13 = arith.constant 0 : index
    %get3A_14 = vector.load %arg3[%get3A_11, %get3A_12, %get3A_13] : memref<2x2000x128xf32, #tpu.memory_space<vmem>>, vector<1x2000x128xf32>
    %get3A_15 = vector.shape_cast %get3A_14 : vector<1x2000x128xf32> to vector<2000x128xf32>
    %get3A_16 = arith.constant 1 : index
    %get3A_17 = arith.constant 0 : index
    %get3A_18 = arith.constant 0 : index
    %get3A_19 = vector.load %arg3[%get3A_16, %get3A_17, %get3A_18] : memref<2x2000x128xf32, #tpu.memory_space<vmem>>, vector<1x2000x128xf32>
    %get3A_20 = vector.shape_cast %get3A_19 : vector<1x2000x128xf32> to vector<2000x128xf32>
    %add3A_21 = arith.addf %get3A_15, %get3A_20 : vector<2000x128xf32>
    %div3A = vector.broadcast %max3A_10 : vector<2000x1xf32> to vector<2000x128xf32>
    %div3A_22 = arith.divf %add3A_21, %div3A : vector<2000x128xf32>
    %get3A_23 = arith.constant 0 : index
    %get3A_24 = arith.constant 0 : index
    %get3A_25 = vector.load %arg5[%get3A_23, %get3A_24] : memref<128x128xf32, #tpu.memory_space<vmem>>, vector<128x128xf32>
    %dot_general3A = arith.constant dense<0.000000e+00> : vector<2000x128xf32>
    %dot_general3A_26 = tpu.matmul %div3A_22, %get3A_25, %dot_general3A {dimension_numbers = #tpu.dot_dimension_numbers<[1], [0], [0], [1], [0, 0, 1, 1], [], []>, transpose_lhs_hint = false} : vector<2000x128xf32>, vector<128x128xf32>, vector<2000x128xf32> -> vector<2000x128xf32>
    %get3A_27 = arith.constant 0 : index
    %get3A_28 = arith.constant 0 : index
    %get3A_29 = vector.load %arg2[%get3A_27, %get3A_28] : memref<2000x128xf32, #tpu.memory_space<vmem>>, vector<2000x128xf32>
    %get3A_30 = arith.constant 0 : index
    %get3A_31 = arith.constant 0 : index
    %get3A_32 = vector.load %arg6[%get3A_30, %get3A_31] : memref<128x128xf32, #tpu.memory_space<vmem>>, vector<128x128xf32>
    %dot_general3A_33 = arith.constant dense<0.000000e+00> : vector<2000x128xf32>
    %dot_general3A_34 = tpu.matmul %get3A_29, %get3A_32, %dot_general3A_33 {dimension_numbers = #tpu.dot_dimension_numbers<[1], [0], [0], [1], [0, 0, 1, 1], [], []>, transpose_lhs_hint = false} : vector<2000x128xf32>, vector<128x128xf32>, vector<2000x128xf32> -> vector<2000x128xf32>
    %add3A_35 = arith.addf %dot_general3A_26, %dot_general3A_34 : vector<2000x128xf32>
    %get3A_36 = arith.constant 0 : index
    %get3A_37 = arith.constant 0 : index
    %get3A_38 = vector.load %arg7[%get3A_36, %get3A_37] : memref<1x128xf32, #tpu.memory_space<vmem>>, vector<1x128xf32>
    %add3A_39 = vector.broadcast %get3A_38 : vector<1x128xf32> to vector<2000x128xf32>
    %add3A_40 = arith.addf %add3A_35, %add3A_39 : vector<2000x128xf32>
    %get3A_41 = arith.constant 0 : index
    %get3A_42 = arith.constant 0 : index
    %get3A_43 = vector.load %arg1[%get3A_41, %get3A_42] : memref<2000x128xf32, #tpu.memory_space<vmem>>, vector<2000x128xf32>
    %add3A_44 = arith.addf %get3A_43, %add3A_40 : vector<2000x128xf32>
    %max3A_45 = arith.constant 0.000000e+00 : f32
    %max3A_46 = vector.broadcast %max3A_45 : f32 to vector<2000x128xf32>
    %max3A_47 = arith.maximumf %add3A_44, %max3A_46 : vector<2000x128xf32>
    %swap3A = arith.constant 0 : index
    %swap3A_48 = arith.constant 0 : index
    %swap3A_49 = vector.load %arg10[%swap3A, %swap3A_48] : memref<2000x128xf32, #tpu.memory_space<vmem>>, vector<2000x128xf32>
    tpu.vector_store %arg10[%swap3A, %swap3A_48], %max3A_47 {strides = array<i32>} : memref<2000x128xf32, #tpu.memory_space<vmem>>, vector<2000x128xf32>,
    %get3A_50 = arith.constant 0 : index
    %get3A_51 = arith.constant 0 : index
    %get3A_52 = vector.load %arg8[%get3A_50, %get3A_51] : memref<1x128xf32, #tpu.memory_space<vmem>>, vector<1x128xf32>
    %get3A_53 = arith.constant 0 : index
    %get3A_54 = arith.constant 0 : index
    %get3A_55 = vector.load %arg9[%get3A_53, %get3A_54] : memref<1x128xf32, #tpu.memory_space<vmem>>, vector<1x128xf32>
    %reduce_sum3A = arith.constant dense<0.000000e+00> : vector<2000xf32>
    %reduce_sum3A_56 = vector.multi_reduction <add>, %max3A_47, %reduce_sum3A [1] : vector<2000x128xf32> to vector<2000xf32>
    %broadcast_in_dim3A = vector.shape_cast %reduce_sum3A_56 : vector<2000xf32> to vector<2000x1xf32>
    %div3A_57 = arith.constant 1.280000e+02 : f32
    %div3A_58 = vector.broadcast %div3A_57 : f32 to vector<2000x1xf32>
    %div3A_59 = arith.divf %broadcast_in_dim3A, %div3A_58 : vector<2000x1xf32>
    %sub3A = vector.broadcast %div3A_59 : vector<2000x1xf32> to vector<2000x128xf32>
    %sub3A_60 = arith.subf %max3A_47, %sub3A : vector<2000x128xf32>
    %integer_pow3A = arith.mulf %sub3A_60, %sub3A_60 : vector<2000x128xf32>
    %reduce_sum3A_61 = arith.constant dense<0.000000e+00> : vector<2000xf32>
    %reduce_sum3A_62 = vector.multi_reduction <add>, %integer_pow3A, %reduce_sum3A_61 [1] : vector<2000x128xf32> to vector<2000xf32>
    %broadcast_in_dim3A_63 = vector.shape_cast %reduce_sum3A_62 : vector<2000xf32> to vector<2000x1xf32>
    %div3A_64 = arith.constant 1.280000e+02 : f32
    %div3A_65 = vector.broadcast %div3A_64 : f32 to vector<2000x1xf32>
    %div3A_66 = arith.divf %broadcast_in_dim3A_63, %div3A_65 : vector<2000x1xf32>
    %sub3A_67 = vector.broadcast %div3A_59 : vector<2000x1xf32> to vector<2000x128xf32>
    %sub3A_68 = arith.subf %max3A_47, %sub3A_67 : vector<2000x128xf32>
    %add3A_69 = arith.constant 9.99999974E-6 : f32
    %add3A_70 = vector.broadcast %add3A_69 : f32 to vector<2000x1xf32>
    %add3A_71 = arith.addf %div3A_66, %add3A_70 : vector<2000x1xf32>
    %rsqrt3A = math.rsqrt %add3A_71 : vector<2000x1xf32>
    %mul3A = vector.broadcast %rsqrt3A : vector<2000x1xf32> to vector<2000x128xf32>
    %mul3A_72 = arith.mulf %sub3A_68, %mul3A : vector<2000x128xf32>
    %mul3A_73 = vector.broadcast %get3A_52 : vector<1x128xf32> to vector<2000x128xf32>
    %mul3A_74 = arith.mulf %mul3A_72, %mul3A_73 : vector<2000x128xf32>
    %add3A_75 = vector.broadcast %get3A_55 : vector<1x128xf32> to vector<2000x128xf32>
    %add3A_76 = arith.addf %mul3A_74, %add3A_75 : vector<2000x128xf32>
    %swap3A_77 = arith.constant 0 : index
    %swap3A_78 = arith.constant 0 : index
    %swap3A_79 = vector.load %arg11[%swap3A_77, %swap3A_78] : memref<2000x128xf32, #tpu.memory_space<vmem>>, vector<2000x128xf32>
    tpu.vector_store %arg11[%swap3A_77, %swap3A_78], %add3A_76 {strides = array<i32>} : memref<2000x128xf32, #tpu.memory_space<vmem>>, vector<2000x128xf32>,
    return
  }
  func.func @transform_0(%arg0: i32) -> (i32, i32) {
    %c0_i32 = arith.constant 0 : i32
    %c0_i32_0 = arith.constant 0 : i32
    return %arg0, %c0_i32 : i32, i32
  }
  func.func @transform_1(%arg0: i32) -> (i32, i32) {
    %c0_i32 = arith.constant 0 : i32
    %c0_i32_0 = arith.constant 0 : i32
    return %arg0, %c0_i32 : i32, i32
  }
  func.func @transform_2(%arg0: i32) -> (i32, i32, i32) {
    %c0_i32 = arith.constant 0 : i32
    %c0_i32_0 = arith.constant 0 : i32
    %c0_i32_1 = arith.constant 0 : i32
    return %c0_i32, %arg0, %c0_i32_0 : i32, i32, i32
  }
  func.func @transform_3(%arg0: i32) -> (i32, i32, i32) {
    %c0_i32 = arith.constant 0 : i32
    %c0_i32_0 = arith.constant 0 : i32
    %c0_i32_1 = arith.constant 0 : i32
    return %c0_i32, %arg0, %c0_i32_0 : i32, i32, i32
  }
  func.func @transform_4(%arg0: i32) -> (i32, i32) {
    %c0_i32 = arith.constant 0 : i32
    %c0_i32_0 = arith.constant 0 : i32
    %c0_i32_1 = arith.constant 0 : i32
    return %c0_i32, %c0_i32_0 : i32, i32
  }
  func.func @transform_5(%arg0: i32) -> (i32, i32) {
    %c0_i32 = arith.constant 0 : i32
    %c0_i32_0 = arith.constant 0 : i32
    %c0_i32_1 = arith.constant 0 : i32
    return %c0_i32, %c0_i32_0 : i32, i32
  }
  func.func @transform_6(%arg0: i32) -> (i32, i32) {
    %c0_i32 = arith.constant 0 : i32
    %c0_i32_0 = arith.constant 0 : i32
    %c0_i32_1 = arith.constant 0 : i32
    return %c0_i32, %c0_i32_0 : i32, i32
  }
  func.func @transform_7(%arg0: i32) -> (i32, i32) {
    %c0_i32 = arith.constant 0 : i32
    %c0_i32_0 = arith.constant 0 : i32
    %c0_i32_1 = arith.constant 0 : i32
    return %c0_i32, %c0_i32_0 : i32, i32
  }
  func.func @transform_8(%arg0: i32) -> (i32, i32) {
    %c0_i32 = arith.constant 0 : i32
    %c0_i32_0 = arith.constant 0 : i32
    %c0_i32_1 = arith.constant 0 : i32
    return %c0_i32, %c0_i32_0 : i32, i32
  }
  func.func @transform_9(%arg0: i32) -> (i32, i32) {
    %c0_i32 = arith.constant 0 : i32
    %c0_i32_0 = arith.constant 0 : i32
    return %arg0, %c0_i32 : i32, i32
  }
  func.func @transform_10(%arg0: i32) -> (i32, i32) {
    %c0_i32 = arith.constant 0 : i32
    %c0_i32_0 = arith.constant 0 : i32
    return %arg0, %c0_i32 : i32, i32
  }
}

module attributes {stable_mosaic.version = 14 : i64} {
  func.func @_last_body(%arg0: i32, %arg1: memref<2000x128xf32, #tpu.memory_space<vmem>>, %arg2: memref<2000x128xf32, #tpu.memory_space<vmem>>, %arg3: memref<2x2000x128xf32, #tpu.memory_space<vmem>>, %arg4: memref<2x2000x128xf32, #tpu.memory_space<vmem>>, %arg5: memref<128x128xf32, #tpu.memory_space<vmem>>, %arg6: memref<128x128xf32, #tpu.memory_space<vmem>>, %arg7: memref<1x128xf32, #tpu.memory_space<vmem>>, %arg8: memref<128x64xf32, #tpu.memory_space<vmem>>, %arg9: memref<1x64xf32, #tpu.memory_space<vmem>>, %arg10: memref<2000x64xf32, #tpu.memory_space<vmem>>) attributes {dimension_semantics = [#tpu.dimension_semantics<arbitrary>], iteration_bounds = array<i64: 5>, scalar_prefetch = 0 : i64, scratch_operands = 0 : i64, tpu.core_type = #tpu.core_type<tc>, window_params = [{transform_indices = @transform_0, window_bounds = array<i64: 2000, 128>}, {transform_indices = @transform_1, window_bounds = array<i64: 2000, 128>}, {transform_indices = @transform_2, window_bounds = array<i64: 2, 2000, 128>}, {transform_indices = @transform_3, window_bounds = array<i64: 2, 2000, 128>}, {pipeline_mode = #tpu.pipeline_mode<synchronous>, transform_indices = @transform_4, window_bounds = array<i64: 128, 128>}, {pipeline_mode = #tpu.pipeline_mode<synchronous>, transform_indices = @transform_5, window_bounds = array<i64: 128, 128>}, {pipeline_mode = #tpu.pipeline_mode<synchronous>, transform_indices = @transform_6, window_bounds = array<i64: 1, 128>}, {pipeline_mode = #tpu.pipeline_mode<synchronous>, transform_indices = @transform_7, window_bounds = array<i64: 128, 64>}, {pipeline_mode = #tpu.pipeline_mode<synchronous>, transform_indices = @transform_8, window_bounds = array<i64: 1, 64>}, {transform_indices = @transform_9, window_bounds = array<i64: 2000, 64>}]} {
    %get3A = arith.constant 0 : index
    %get3A_0 = arith.constant 0 : index
    %get3A_1 = arith.constant 0 : index
    %get3A_2 = vector.load %arg4[%get3A, %get3A_0, %get3A_1] : memref<2x2000x128xf32, #tpu.memory_space<vmem>>, vector<1x2000x1xf32>
    %get3A_3 = vector.shape_cast %get3A_2 : vector<1x2000x1xf32> to vector<2000x1xf32>
    %get3A_4 = arith.constant 1 : index
    %get3A_5 = arith.constant 0 : index
    %get3A_6 = arith.constant 0 : index
    %get3A_7 = vector.load %arg4[%get3A_4, %get3A_5, %get3A_6] : memref<2x2000x128xf32, #tpu.memory_space<vmem>>, vector<1x2000x1xf32>
    %get3A_8 = vector.shape_cast %get3A_7 : vector<1x2000x1xf32> to vector<2000x1xf32>
    %add3A = arith.addf %get3A_3, %get3A_8 : vector<2000x1xf32>
    %max3A = arith.constant 1.000000e+00 : f32
    %max3A_9 = vector.broadcast %max3A : f32 to vector<2000x1xf32>
    %max3A_10 = arith.maximumf %add3A, %max3A_9 : vector<2000x1xf32>
    %get3A_11 = arith.constant 0 : index
    %get3A_12 = arith.constant 0 : index
    %get3A_13 = arith.constant 0 : index
    %get3A_14 = vector.load %arg3[%get3A_11, %get3A_12, %get3A_13] : memref<2x2000x128xf32, #tpu.memory_space<vmem>>, vector<1x2000x128xf32>
    %get3A_15 = vector.shape_cast %get3A_14 : vector<1x2000x128xf32> to vector<2000x128xf32>
    %get3A_16 = arith.constant 1 : index
    %get3A_17 = arith.constant 0 : index
    %get3A_18 = arith.constant 0 : index
    %get3A_19 = vector.load %arg3[%get3A_16, %get3A_17, %get3A_18] : memref<2x2000x128xf32, #tpu.memory_space<vmem>>, vector<1x2000x128xf32>
    %get3A_20 = vector.shape_cast %get3A_19 : vector<1x2000x128xf32> to vector<2000x128xf32>
    %add3A_21 = arith.addf %get3A_15, %get3A_20 : vector<2000x128xf32>
    %div3A = vector.broadcast %max3A_10 : vector<2000x1xf32> to vector<2000x128xf32>
    %div3A_22 = arith.divf %add3A_21, %div3A : vector<2000x128xf32>
    %get3A_23 = arith.constant 0 : index
    %get3A_24 = arith.constant 0 : index
    %get3A_25 = vector.load %arg5[%get3A_23, %get3A_24] : memref<128x128xf32, #tpu.memory_space<vmem>>, vector<128x128xf32>
    %dot_general3A = arith.constant dense<0.000000e+00> : vector<2000x128xf32>
    %dot_general3A_26 = tpu.matmul %div3A_22, %get3A_25, %dot_general3A {dimension_numbers = #tpu.dot_dimension_numbers<[1], [0], [0], [1], [0, 0, 1, 1], [], []>, transpose_lhs_hint = false} : vector<2000x128xf32>, vector<128x128xf32>, vector<2000x128xf32> -> vector<2000x128xf32>
    %get3A_27 = arith.constant 0 : index
    %get3A_28 = arith.constant 0 : index
    %get3A_29 = vector.load %arg2[%get3A_27, %get3A_28] : memref<2000x128xf32, #tpu.memory_space<vmem>>, vector<2000x128xf32>
    %get3A_30 = arith.constant 0 : index
    %get3A_31 = arith.constant 0 : index
    %get3A_32 = vector.load %arg6[%get3A_30, %get3A_31] : memref<128x128xf32, #tpu.memory_space<vmem>>, vector<128x128xf32>
    %dot_general3A_33 = arith.constant dense<0.000000e+00> : vector<2000x128xf32>
    %dot_general3A_34 = tpu.matmul %get3A_29, %get3A_32, %dot_general3A_33 {dimension_numbers = #tpu.dot_dimension_numbers<[1], [0], [0], [1], [0, 0, 1, 1], [], []>, transpose_lhs_hint = false} : vector<2000x128xf32>, vector<128x128xf32>, vector<2000x128xf32> -> vector<2000x128xf32>
    %add3A_35 = arith.addf %dot_general3A_26, %dot_general3A_34 : vector<2000x128xf32>
    %get3A_36 = arith.constant 0 : index
    %get3A_37 = arith.constant 0 : index
    %get3A_38 = vector.load %arg7[%get3A_36, %get3A_37] : memref<1x128xf32, #tpu.memory_space<vmem>>, vector<1x128xf32>
    %add3A_39 = vector.broadcast %get3A_38 : vector<1x128xf32> to vector<2000x128xf32>
    %add3A_40 = arith.addf %add3A_35, %add3A_39 : vector<2000x128xf32>
    %get3A_41 = arith.constant 0 : index
    %get3A_42 = arith.constant 0 : index
    %get3A_43 = vector.load %arg1[%get3A_41, %get3A_42] : memref<2000x128xf32, #tpu.memory_space<vmem>>, vector<2000x128xf32>
    %add3A_44 = arith.addf %get3A_43, %add3A_40 : vector<2000x128xf32>
    %max3A_45 = arith.constant 0.000000e+00 : f32
    %max3A_46 = vector.broadcast %max3A_45 : f32 to vector<2000x128xf32>
    %max3A_47 = arith.maximumf %add3A_44, %max3A_46 : vector<2000x128xf32>
    %get3A_48 = arith.constant 0 : index
    %get3A_49 = arith.constant 0 : index
    %get3A_50 = vector.load %arg8[%get3A_48, %get3A_49] : memref<128x64xf32, #tpu.memory_space<vmem>>, vector<128x64xf32>
    %dot_general3A_51 = arith.constant dense<0.000000e+00> : vector<2000x64xf32>
    %dot_general3A_52 = tpu.matmul %max3A_47, %get3A_50, %dot_general3A_51 {dimension_numbers = #tpu.dot_dimension_numbers<[1], [0], [0], [1], [0, 0, 1, 1], [], []>, transpose_lhs_hint = false} : vector<2000x128xf32>, vector<128x64xf32>, vector<2000x64xf32> -> vector<2000x64xf32>
    %get3A_53 = arith.constant 0 : index
    %get3A_54 = arith.constant 0 : index
    %get3A_55 = vector.load %arg9[%get3A_53, %get3A_54] : memref<1x64xf32, #tpu.memory_space<vmem>>, vector<1x64xf32>
    %add3A_56 = vector.broadcast %get3A_55 : vector<1x64xf32> to vector<2000x64xf32>
    %add3A_57 = arith.addf %dot_general3A_52, %add3A_56 : vector<2000x64xf32>
    %swap3A = arith.constant 0 : index
    %swap3A_58 = arith.constant 0 : index
    %swap3A_59 = vector.load %arg10[%swap3A, %swap3A_58] : memref<2000x64xf32, #tpu.memory_space<vmem>>, vector<2000x64xf32>
    tpu.vector_store %arg10[%swap3A, %swap3A_58], %add3A_57 {strides = array<i32>} : memref<2000x64xf32, #tpu.memory_space<vmem>>, vector<2000x64xf32>,
    return
  }
  func.func @transform_0(%arg0: i32) -> (i32, i32) {
    %c0_i32 = arith.constant 0 : i32
    %c0_i32_0 = arith.constant 0 : i32
    return %arg0, %c0_i32 : i32, i32
  }
  func.func @transform_1(%arg0: i32) -> (i32, i32) {
    %c0_i32 = arith.constant 0 : i32
    %c0_i32_0 = arith.constant 0 : i32
    return %arg0, %c0_i32 : i32, i32
  }
  func.func @transform_2(%arg0: i32) -> (i32, i32, i32) {
    %c0_i32 = arith.constant 0 : i32
    %c0_i32_0 = arith.constant 0 : i32
    %c0_i32_1 = arith.constant 0 : i32
    return %c0_i32, %arg0, %c0_i32_0 : i32, i32, i32
  }
  func.func @transform_3(%arg0: i32) -> (i32, i32, i32) {
    %c0_i32 = arith.constant 0 : i32
    %c0_i32_0 = arith.constant 0 : i32
    %c0_i32_1 = arith.constant 0 : i32
    return %c0_i32, %arg0, %c0_i32_0 : i32, i32, i32
  }
  func.func @transform_4(%arg0: i32) -> (i32, i32) {
    %c0_i32 = arith.constant 0 : i32
    %c0_i32_0 = arith.constant 0 : i32
    %c0_i32_1 = arith.constant 0 : i32
    return %c0_i32, %c0_i32_0 : i32, i32
  }
  func.func @transform_5(%arg0: i32) -> (i32, i32) {
    %c0_i32 = arith.constant 0 : i32
    %c0_i32_0 = arith.constant 0 : i32
    %c0_i32_1 = arith.constant 0 : i32
    return %c0_i32, %c0_i32_0 : i32, i32
  }
  func.func @transform_6(%arg0: i32) -> (i32, i32) {
    %c0_i32 = arith.constant 0 : i32
    %c0_i32_0 = arith.constant 0 : i32
    %c0_i32_1 = arith.constant 0 : i32
    return %c0_i32, %c0_i32_0 : i32, i32
  }
  func.func @transform_7(%arg0: i32) -> (i32, i32) {
    %c0_i32 = arith.constant 0 : i32
    %c0_i32_0 = arith.constant 0 : i32
    %c0_i32_1 = arith.constant 0 : i32
    return %c0_i32, %c0_i32_0 : i32, i32
  }
  func.func @transform_8(%arg0: i32) -> (i32, i32) {
    %c0_i32 = arith.constant 0 : i32
    %c0_i32_0 = arith.constant 0 : i32
    %c0_i32_1 = arith.constant 0 : i32
    return %c0_i32, %c0_i32_0 : i32, i32
  }
  func.func @transform_9(%arg0: i32) -> (i32, i32) {
    %c0_i32 = arith.constant 0 : i32
    %c0_i32_0 = arith.constant 0 : i32
    return %arg0, %c0_i32 : i32, i32
  }
}

</mosaic_0001>

<sc_bundles>
// kernel: kernel.10.cloned.1.call-start
scs
__scs_entry_jumppad:
0x0: {  	(pc) =	sbr.rel $0x88, $3  }
0x1: {  	(tag) =	ssettag $0x0;
	lr =	simm.s32 $0x1  }
0x2: {  	[smem:$0x3F96] =	sst lr;
	_ =	strace $0xD0000000  }
0x3: {  	_ = 	snop  }
0x4: {  	_ = 	snop  }
0x5: {  	_ = 	snop  }
0x6: {  	_ = 	snop  }
0x7: {  	_ = 	snop  }
__scs_overlays_trampoline_lowered:
0x8: {  	[smem:$0x3FA5] =	sst s0  }
0x9: {  	[smem:$0x3FA6] =	sst s1  }
0xa: {  	[smem:$0x3FA7] =	sst s2  }
0xb: {  	[smem:$0x3FA8] =	sst s3  }
0xc: {  	[smem:$0x3FA9] =	sst s4  }
0xd: {  	[smem:$0x3FAA] =	sst s5  }
0xe: {  	[smem:$0x3FAB] =	sst s6  }
0xf: {  	[smem:$0x3FAC] =	sst s7  }
0x10: {  	[smem:$0x3FAD] =	sst s8  }
0x11: {  	[smem:$0x3FAE] =	sst s9;
	s0 =	simm.s32 @!p0 $0x0  }
0x12: {  	s1 =	sld [smem:$0x3F94];
	s0 =	simm.s32 @p0 $0x1  }
0x13: {  	[smem:$0x3FAF] =	sst s0;
	s0 =	simm.s32 @!p1 $0x0  }
0x14: {  	s2 =	sld [smem:$0x3F93];
	s0 =	simm.s32 @p1 $0x1  }
0x15: {  	[smem:$0x3FB0] =	sst s0;
	s0 =	simm.s32 @!p2 $0x0  }
0x16: {  	s3 =	sld [smem:$0x3FDB];
	s0 =	simm.s32 @p2 $0x1  }
0x17: {  	s4 =	simm.s32 $0x1BF5;
	[smem:$0x3FB2] =	sst s0  }
0x18: {  	s0 =	sld [smem:$0x3F95];
	_ =	swait.ge [sflag:s4], $0x0  }
0x19: {  	s7 =	sld [smem:$0x3F96]  }
0x1a: {  	s8 =	sadd.s32 $0xFFFFE003, lr  }
0x1b: {  	s9 =	sadd.s32 $0xFFFFFEF7, lr;
	s5 =	simm.s32 $0xFFFFFFFF;
	p2 =	slt.u32 s8, $0xFFFFF086  }
0x1c: {  	p1 =	slt.u32 s9, $0xF7A;
	s5 =	simm.s32 @!p2 $0x0  }
0x1d: {  	s5 =	simm.s32 @p1 $0x1;
	p0 =	seq.s32 s7, s2  }
0x1e: {  	s7 =	smul.u32 @!p0 $0xF7A, s2;
	p2 =	seq.s32 @!p0 s5, $0x0  }
0x1f: {  	s9 =	smul.u32 $0xF7A, s1;
	s8 =	simm.s32 @!p0 $0x1BF5;
	p2 =	por !p2, p0  }
0x20: {  	[sflag:s8] =	ssyncset.s32 @!p0 $0xFFFFF086;
	s6 =	sadd.s32 @!p0 s3, s7;
	s7 =	simm.s32 @!p0 $0x108  }
0x21: {  	s3 =	sadd.s32 s3, s9;
	s6 =	sadd.s32 @!p0 $0x88, s6;
	s7 =	simm.s32 @p2 $0x1082  }
0x22: {  	[simem:s7], [sflag:s8] =	dma.local @!p0 [hbm:s6], $0xF7A  }
0x23: {  	s9 =	sor.u32 $0xD0000000, s2;
	s6 =	simm.s32 $0x108;
	_ =	swait.ge @!p0 [sflag:s8], $0x0  }
0x24: {  	s3 =	sadd.s32 $0x88, s3;
	s6 =	simm.s32 @!p1 $0x1082;
	[sflag:s4] =	ssyncset.s32 $0xFFFFF086  }
0x25: {  	[simem:s6], [sflag:s4] =	dma.local [hbm:s3], $0xF7A  }
0x26: {  	[smem:$0x3F96] =	sst s1;
	(tag) =	ssettag s2;
	_ =	strace s9  }
0x27: {  	s1 =	sld [smem:$0x3FA6]  }
0x28: {  	s2 =	sld [smem:$0x3FA7]  }
0x29: {  	s4 =	sld [smem:$0x3FA9]  }
0x2a: {  	p0 =	seq.s32 s5, $0x0;
	s5 =	sld [smem:$0x3FAA]  }
0x2b: {  	s6 =	sld [smem:$0x3FAB]  }
0x2c: {  	s7 =	sld [smem:$0x3FAC]  }
0x2d: {  	s3 =	simm.s32 $0x108;
	s8 =	sld [smem:$0x3FAD]  }
0x2e: {  	s3 =	simm.s32 @!p0 $0x1082;
	s9 =	sld [smem:$0x3FAE]  }
0x2f: {  	lr =	sadd.s32 s0, s3;
	s0 =	sld [smem:$0x3FA5]  }
0x30: {  	s3 =	sld [smem:$0x3FA8]  }
0x31: {  	[smem:$0x3FB1] =	sst s10  }
0x32: {  	s10 =	sld [smem:$0x3FAF];
	_ =	sdelay $0x3  }
0x33: {  	p0 =	seq.s32 s10, $0x1;
	s10 =	sld [smem:$0x3FB1];
	_ =	sdelay $0x3  }
0x34: {  	[smem:$0x3FB1] =	sst s10  }
0x35: {  	s10 =	sld [smem:$0x3FB0];
	_ =	sdelay $0x3  }
0x36: {  	p1 =	seq.s32 s10, $0x1;
	s10 =	sld [smem:$0x3FB1];
	_ =	sdelay $0x3  }
0x37: {  	[smem:$0x3FB1] =	sst s10  }
0x38: {  	s10 =	sld [smem:$0x3FB2]  }
0x39: {  	_ = 	snop;
	(pc) =	sbr.ind lr, $3  }
0x3a: {  	_ = 	snop  }
0x3b: {  	_ = 	snop  }
0x3c: {  	p2 =	seq.s32 s10, $0x1;
	s10 =	sld [smem:$0x3FB1]  }
0x3d: {  	_ =	shalt  }
0x3e: {  	_ =	shalt  }
0x3f: {  	_ =	shalt  }
0x40: {  	_ =	shalt  }
0x41: {  	_ =	shalt  }
0x42: {  	_ =	shalt  }
0x43: {  	_ =	shalt  }
0x44: {  	_ =	shalt  }
0x45: {  	_ =	shalt  }
0x46: {  	_ =	shalt  }
0x47: {  	_ =	shalt  }
0x48: {  	_ =	shalt  }
0x49: {  	_ =	shalt  }
0x4a: {  	_ =	shalt  }
0x4b: {  	_ =	shalt  }
0x4c: {  	_ =	shalt  }
0x4d: {  	_ =	shalt  }
0x4e: {  	_ =	shalt  }
0x4f: {  	_ =	shalt  }
0x50: {  	_ =	shalt  }
0x51: {  	_ =	shalt  }
0x52: {  	_ =	shalt  }
0x53: {  	_ =	shalt  }
0x54: {  	_ =	shalt  }
0x55: {  	_ =	shalt  }
0x56: {  	_ =	shalt  }
0x57: {  	_ =	shalt  }
0x58: {  	_ =	shalt  }
0x59: {  	_ =	shalt  }
0x5a: {  	_ =	shalt  }
0x5b: {  	_ =	shalt  }
0x5c: {  	_ =	shalt  }
0x5d: {  	_ =	shalt  }
0x5e: {  	_ =	shalt  }
0x5f: {  	_ =	shalt  }
0x60: {  	_ =	shalt  }
0x61: {  	_ =	shalt  }
0x62: {  	_ =	shalt  }
0x63: {  	_ =	shalt  }
0x64: {  	_ =	shalt  }
0x65: {  	_ =	shalt  }
0x66: {  	_ =	shalt  }
0x67: {  	_ =	shalt  }
0x68: {  	_ =	shalt  }
0x69: {  	_ =	shalt  }
0x6a: {  	_ =	shalt  }
0x6b: {  	_ =	shalt  }
0x6c: {  	_ =	shalt  }
0x6d: {  	_ =	shalt  }
0x6e: {  	_ =	shalt  }
0x6f: {  	_ =	shalt  }
0x70: {  	_ =	shalt  }
0x71: {  	_ =	shalt  }
0x72: {  	_ =	shalt  }
0x73: {  	_ =	shalt  }
0x74: {  	_ =	shalt  }
0x75: {  	_ =	shalt  }
0x76: {  	_ =	shalt  }
0x77: {  	_ =	shalt  }
0x78: {  	_ =	shalt  }
0x79: {  	_ =	shalt  }
0x7a: {  	_ =	shalt  }
0x7b: {  	_ =	shalt  }
0x7c: {  	_ =	shalt  }
0x7d: {  	_ =	shalt  }
0x7e: {  	_ =	shalt  }
0x7f: {  	_ =	shalt  }
0x80: {  	_ =	shalt  }
0x81: {  	_ =	shalt  }
0x82: {  	_ =	shalt  }
0x83: {  	_ =	shalt  }
0x84: {  	_ =	shalt  }
0x85: {  	_ =	shalt  }
0x86: {  	_ =	shalt  }
0x87: {  	_ =	shalt  }
.Lfunc_end0:
.L_simem_size_0:
called_computation_lowered:
.L_overlay_start_0:
0x88: {  	s2 =	sld [smem:$0x3FD9]  }
0x89: {  	s3 =	sld [smem:$0x3FFE];
	_ =	sdelay $0x1  }
0x8a: {  	s1 =	srdreg.scid  }
0x8b: {  	s0 =	sand.u32 $0x1, s1  }
0x8c: {  	s17 =	sshll.u32 s0, $0xA;
	s2 =	sadd.s32 s3, s2  }
0x8d: {  	s2 =	sadd.s32 s2, s17  }
0x8e: {  	[smem:$0x3FBD] =	sst s2  }
0x8f: {  	_ = 	snop  }
0x90: {  	s18 =	sld [smem:$0x3FD0];
	(tm) =	ssettm $0x1  }
0x91: {  	s19 =	sld [smem:$0x3FFB];
	_ =	sdelay $0x3  }
0x92: {  	_ =	strace s19  }
0x93: {  	s2 =	sld [smem:$0x3FFC];
	_ =	sdelay $0x3  }
0x94: {  	_ =	strace s2  }
0x95: {  	s2 =	sld [smem:$0x3FFD];
	_ =	sdelay $0x3  }
0x96: {  	_ =	strace s2  }
0x97: {  	_ =	strace $0x8FFFFFFF  }
0x98: {  	s20 =	sld [smem:$0x3FDB];
	_ =	sdelay $0x1  }
0x99: {  	s4 =	simm.s32 $_scs_section_size  }
0x9a: {  	s5 =	simm.s32 $_size__tile_overlayer_lowered;
	s6 =	simm.s32 $_tile_overlayer_lowered  }
0x9b: {  	s7 =	simm.s32 $0x1BFF;
	s21 =	sshll.u32 s6, $0x1;
	s4 =	sadd.s32 s4, s20  }
0x9c: {  	s22 =	simm.s32 $0x0;
	s5 =	sshll.u32 s5, $0x1;
	s6 =	sadd.s32 s21, s4  }
0x9d: {  	[timem:s22], [sflag:s7] =	dma.local [hbm:s6], s5  }
0x9e: {  	_ =	swait.ge [sflag:s7], s5  }
0x9f: {  	s5 =	ssub.s32 $0x0, s5;
	[sflag:s7] =	ssyncset.done $0x0  }
0xa0: {  	[sflag:s7] =	ssyncadd.s32 s5;
	_ =	sdelay $0x1  }
0xa1: {  	s23 =	simm.s32 $0x1B8B  }
0xa2: {  	_ =	swait.ge [sflag:s23], $0x1  }
0xa3: {  	[sflag:s23] =	ssyncset.done $0x0  }
0xa4: {  	[sflag:s23] =	ssyncadd.s32 $0xFFFFFFFF  }
0xa5: {  	s5 =	sld [smem:$0x0]  }
0xa6: {  	s6 =	sand.u32 $0xFFFFFFFE, s1  }
0xa7: {  	p0 =	sne.s32 s1, s6  }
0xa8: {  	s6 =	sshll.u32 @p0 s6, $0xE  }
0xa9: {  	s6 =	sadd.s32 @p0 $0x11B8D, s6;
	s7 =	sshll.u32 @p0 s5, $0x11  }
0xaa: {  	s6 =	sor.u32 @p0 s7, s6  }
0xab: {  	[sflag:s6] =	ssyncadd.remote.s32 @p0 $0x1;
	_ =	sdelay $0x1  }
0xac: {  	s6 =	simm.s32 @p0 $0x1B8D  }
0xad: {  	_ =	swait.eq @p0 [sflag:s6], $0x1  }
0xae: {  	[sflag:s6] =	ssyncadd.s32 @p0 $0xFFFFFFFF  }
0xaf: {  	s7 =	sshll.u32 @!p0 s1, $0xE  }
0xb0: {  	s7 =	sor.u32 @!p0 $0x4000, s7;
	s6 =	simm.s32 @!p0 $0x1B8D  }
0xb1: {  	s5 =	sshll.u32 @!p0 s5, $0x11;
	s7 =	sadd.s32 @!p0 $0x11B8D, s7;
	_ =	swait.eq @!p0 [sflag:s6], $0x1  }
0xb2: {  	s5 =	sor.u32 @!p0 s5, s7;
	[sflag:s6] =	ssyncadd.s32 @!p0 $0xFFFFFFFF  }
0xb3: {  	s25 =	simm.s32 $0x1B8E;
	s24 =	sld [smem:$0x3FFE];
	[sflag:s5] =	ssyncadd.remote.s32 @!p0 $0x1  }
0xb4: {  	s26 =	simm.s32 $execute0_lowered;
	[smem:$0x3FD2] =	sst s25  }
0xb5: {  	s6 =	sshll.u32 s26, $0x1;
	_ =	strace $0x80000049;
	[dreg:$0x1] =	wrdreg $0xFFFFFFFF  }
0xb6: {  	s28 =	simm.s32 $_size_execute0_lowered;
	s4 =	sadd.s32 s4, s6;
	[dreg:$0x0] =	wrdreg $0x0  }
0xb7: {  	s6 =	sshll.u32 s28, $0x1;
	[dreg:$0x2] =	wrdreg s4  }
0xb8: {  	[dreg:$0x3] =	wrdreg s6  }
0xb9: {  	[dreg:$0x4] =	wrdreg $0xC0  }
0xba: {  	_ =	task [dreg:s22], $0x5FFFF  }
0xbb: {  	[dreg:$0x1] =	wrdreg $0xFFFFFFFF  }
0xbc: {  	[dreg:$0x0] =	wrdreg $0x60  }
0xbd: {  	[dreg:$0x2] =	wrdreg s18  }
0xbe: {  	[dreg:$0x3] =	wrdreg s24  }
0xbf: {  	[dreg:$0x4] =	wrdreg $0x68000  }
0xc0: {  	[dreg:$0x5] =	wrdreg $0x9  }
0xc1: {  	_ =	task.clear_ibuf [dreg:s22], $0x6FFFF;
	_ =	strace $0x90000049  }
0xc2: {  	s29 =	simm.s32 $0x9;
	_ =	strace $0x8000004B  }
0xc3: {  	_ =	swait.ge [sflag:s29], $0x1  }
0xc4: {  	[sflag:s29] =	ssyncadd.s32 $0xFFFFFFFF  }
0xc5: {  	_ =	strace $0x9000004B  }
0xc6: {  	_ =	sfence  }
0xc7: {  	s30 =	sld [smem:$0x0];
	_ =	sdelay $0x2  }
0xc8: {  	s31 =	sshll.u32 s1, $0xD;
	s1 =	sshrl.u32 s1, $0x2  }
0xc9: {  	s4 =	sand.u32 $0x4000, s31;
	s1 =	sadd.s32 s1, s30  }
0xca: {  	s0 =	sor.u32 s4, s0;
	s1 =	sshll.u32 s1, $0x11  }
0xcb: {  	s0 =	sor.u32 s1, s0  }
0xcc: {  	s0 =	sadd.s32 $0x8F2B, s0  }
0xcd: {  	[sflag:s0] =	ssyncadd.remote.s32 $0x1  }
0xce: {  	_ =	sfence.sel $0xFFFF  }
0xcf: {  	[dreg:$0x0] =	wrdreg $0xFFFFFFFF;
	(pc) =	sbr.abs _section_cstart, $3  }
0xd0: {  	[dreg:$0x1] =	wrdreg $0xFFFFFFFF  }
0xd1: {  	_ =	task.clear_ibuf [dreg:s22], $0x2FFFF;
	_ =	strace $0x9FFFFFFF  }
0xd2: {  	(tm) =	ssettm $0x7FFFFFFF  }
0xd3: {  	_ =	shalt  }
tec
execute0_lowered:
.L_overlay_start_1:
0x0: {  	(tag) =	ssettag $0x1  }
0x1: {  	s7 =	rddreg [dreg:$0x0]  }
0x2: {  	s5 =	rddreg [dreg:$0x1];
	s0 =	stileid.u32  }
0x3: {  	s1 =	srdreg.scid;
	s2 =	rddreg [dreg:$0x2]  }
0x4: {  	s3 =	simm.s32 $0x0;
	s13 =	simm.s32 $0x80;
	s14 =	simm.s32 $0x0  }
0x5: {  	s4 =	smul.u32 $0x13C00, s0;
	s6 =	sand.u32 $0x1, s1;
	s1 =	rddreg [dreg:$0x3]  }
0x6: {  	[smem:$0x7FF] =	sst s3;
	s11 =	smul.u32 $0x4F000, s0;
	s12 =	sshll.u32 s0, $0x1  }
0x7: {  	s31 =	sshll.u32 s0, $0x6;
	s8 =	smul.u32 $0x13C000, s6;
	_ =	strace $0x8000004A  }
0x8: {  	s10 =	ssub.s32 $0x2, s6;
	s6 =	sor.u32 s6, s12;
	s12 =	simm.s32 $0x2800  }
0x9: {  	s9 =	sshrl.u32 s4, $0x3;
	s26 =	sshrl.u32 s10, $0x1;
	s28 =	sshrl.u32 s11, $0x2  }
0xa: {  	s29 =	smul.u32 $0x500, s6;
	s6 =	sor.u32 $0x1C01, s31;
	s11 =	simm.s32 $0x1  }
0xb: {  	s8 =	sadd.s32 s4, s8;
	s4 =	sadd.s32 $0xB6A00, s5;
	s9 =	sadd.s32 s9, s5  }
0xc: {  	s10 =	ssub.s32 s10, s26;
	s30 =	sadd.s32 s28, s2;
	s8 =	sshrl.u32 s8, $0x3  }
0xd: {  	s7 =	sadd.s32 s7, s29;
	s8 =	sadd.s32 s8, s5;
	s5 =	sadd.s32 $0x40200, s9  }
0xe: {  	s9 =	smax.u32 s10, $0x1;
	s10 =	sshrl.u32 s30, $0x3;
	s8 =	sadd.s32 $0xB7200, s8  }
.LBB2_1:
0xf: {  	[spmem:s10], [sflag:s6] =	dma.local [hbm:s5], $0x2780  }
0x10: {  	_ =	swait.ge [sflag:s11], $0x2780  }
0x11: {  	[sflag:s11] =	ssyncset.done $0x0  }
0x12: {  	[sflag:s11] =	ssyncadd.s32 $0xFFFFD880  }
0x13: {  	[tilespmem:s12], [sflag:$0x1] =	stream.linear.gather [hbm4b:s4+s3], $0x4000, $0x38;
	[tilespmem:$0x1A400] =	vst v63  }
0x14: {  	_ =	swait.ge [sflag:s11], $0x4000  }
0x15: {  	[sflag:s11] =	ssyncset.done $0x0  }
0x16: {  	[sflag:s11] =	ssyncadd.s32 $0xFFFFC000  }
0x17: {  	[tilespmem:s3], [sflag:$0x1] =	stream.linear.gather [hbm4b:s7+s3], $0x2800, $0x38;
	[tilespmem:$0x1A400] =	vst v63  }
0x18: {  	_ =	swait.ge [sflag:s11], $0x2800  }
0x19: {  	[sflag:s11] =	ssyncset.done $0x0  }
0x1a: {  	[sflag:s11] =	ssyncadd.s32 $0xFFFFD800  }
0x1b: {  	s15 =	simm.s32 $0x0;
	[bflag:$0x0] =	sbarrier.arrive $0xFFFF  }
0x1c: {  	[spmem:s2] =	stream.indirect.scatter.add.f32 [tilespmem:s12], [sflag:$0x1], $0x80, s15, s13, $0xb8;
	[tilespmem:$0x1A400] =	vst v63  }
0x1d: {  	_ =	swait.ge [sflag:s11], $0x4000  }
0x1e: {  	s15 =	simm.s32 $0x200;
	[sflag:s11] =	ssyncset.done $0x0  }
.LBB2_2:
0x1f: {  	s16 =	sshra.s32 s15, $0x2;
	[sflag:s11] =	ssyncadd.s32 $0xFFFFC000;
	p0 =	sne.s32 s15, $0x9E00  }
0x20: {  	[spmem:s2] =	stream.indirect.scatter.add.f32 [tilespmem:s12], [sflag:$0x1], $0x80, s16, s13, $0xb8;
	[tilespmem:$0x1A400] =	vst v63  }
.Ltmp0:
0x21: {  	_ = 	snop;
	(pc) =	sbr.rel @p0 .LBB2_2-.Ltmp0, $4  }
0x22: {  	_ = 	snop  }
0x23: {  	s15 =	sadd.s32 $0x200, s15  }
0x24: {  	_ =	swait.ge [sflag:s11], $0x4000  }
0x25: {  	[sflag:s11] =	ssyncset.done $0x0  }
0x26: {  	s14 =	sadd.s32 $0x1, s14  }
0x27: {  	[sflag:s11] =	ssyncadd.s32 $0xFFFFC000;
	p0 =	sne.s32 s14, s9  }
.Ltmp1:
0x28: {  	[bflag:$0x0] =	sbarrier.arrive $0xFFFF;
	(pc) =	sbr.rel @p0 .LBB2_1-.Ltmp1, $4  }
0x29: {  	[hbm:s8], [sflag:s6] =	dma.local [spmem:s10], $0x2780  }
0x2a: {  	_ =	swait.ge [sflag:s11], $0x2780  }
0x2b: {  	[sflag:s11] =	ssyncset.done $0x0  }
0x2c: {  	[sflag:s11] =	ssyncadd.s32 $0xFFFFD880  }
0x2d: {  	_ =	sfence.sel $0x180000  }
0x2e: {  	[bflag:$0x0] =	sbarrier.arrive $0xFFFF  }
0x2f: {  	p0 =	sne.s32 s0, $0x0;
	_ =	strace $0x9000004A  }
0x30: {  	s0 =	sadd.s32 @!p0 $0x100000, s1;
	[bflag:$0x2] =	sbarrier.arrive $0xFFFF  }
0x31: {  	[sflag:s0] =	ssyncadd.tile.s32 @!p0 $0x1;
	_ =	shalt  }
.Lfunc_end2:
_tile_overlayer_lowered:
.L_overlay_start_2:
0x32: {  	(tag) =	ssettag $0x2  }
0x33: {  	s0 =	rddreg [dreg:$0x0];
	s2 =	stileid.u32  }
0x34: {  	s1 =	rddreg [dreg:$0x1];
	p0 =	sne.s32 s2, $0x0  }
0x35: {  	s3 =	rddreg [dreg:$0x2];
	[bflag:$0x3] =	sbarrier.arrive $0xFFFF;
	s2 =	simm.s32 @!p0 $0x1C01  }
0x36: {  	[timem:s3], [sflag:s2] =	dma.local @!p0 [hbm:s0], s1  }
0x37: {  	s0 =	simm.s32 @!p0 $0x1  }
0x38: {  	_ =	swait.ge @!p0 [sflag:s0], s1  }
0x39: {  	s1 =	ssub.s32 @!p0 $0x0, s1;
	[sflag:s0] =	ssyncset.done @!p0 $0x0  }
0x3a: {  	[sflag:s0] =	ssyncadd.s32 @!p0 s1  }
0x3b: {  	[bflag:$0x3] =	sbarrier.arrive $0xFFFF  }
0x3c: {  	_ =	shalt  }

// kernel: kernel.13.cloned.1.call-start
scs
__scs_entry_jumppad:
0x0: {  	(pc) =	sbr.rel $0x88, $3  }
0x1: {  	(tag) =	ssettag $0x0;
	lr =	simm.s32 $0x1  }
0x2: {  	[smem:$0x3F96] =	sst lr;
	_ =	strace $0xD0000000  }
0x3: {  	_ = 	snop  }
0x4: {  	_ = 	snop  }
0x5: {  	_ = 	snop  }
0x6: {  	_ = 	snop  }
0x7: {  	_ = 	snop  }
__scs_overlays_trampoline_lowered:
0x8: {  	[smem:$0x3FA5] =	sst s0  }
0x9: {  	[smem:$0x3FA6] =	sst s1  }
0xa: {  	[smem:$0x3FA7] =	sst s2  }
0xb: {  	[smem:$0x3FA8] =	sst s3  }
0xc: {  	[smem:$0x3FA9] =	sst s4  }
0xd: {  	[smem:$0x3FAA] =	sst s5  }
0xe: {  	[smem:$0x3FAB] =	sst s6  }
0xf: {  	[smem:$0x3FAC] =	sst s7  }
0x10: {  	[smem:$0x3FAD] =	sst s8  }
0x11: {  	[smem:$0x3FAE] =	sst s9;
	s0 =	simm.s32 @!p0 $0x0  }
0x12: {  	s1 =	sld [smem:$0x3F94];
	s0 =	simm.s32 @p0 $0x1  }
0x13: {  	[smem:$0x3FAF] =	sst s0;
	s0 =	simm.s32 @!p1 $0x0  }
0x14: {  	s2 =	sld [smem:$0x3F93];
	s0 =	simm.s32 @p1 $0x1  }
0x15: {  	[smem:$0x3FB0] =	sst s0;
	s0 =	simm.s32 @!p2 $0x0  }
0x16: {  	s3 =	sld [smem:$0x3FDB];
	s0 =	simm.s32 @p2 $0x1  }
0x17: {  	s4 =	simm.s32 $0x1BF5;
	[smem:$0x3FB2] =	sst s0  }
0x18: {  	s0 =	sld [smem:$0x3F95];
	_ =	swait.ge [sflag:s4], $0x0  }
0x19: {  	s7 =	sld [smem:$0x3F96]  }
0x1a: {  	s8 =	sadd.s32 $0xFFFFE003, lr  }
0x1b: {  	s9 =	sadd.s32 $0xFFFFFEF7, lr;
	s5 =	simm.s32 $0xFFFFFFFF;
	p2 =	slt.u32 s8, $0xFFFFF086  }
0x1c: {  	p1 =	slt.u32 s9, $0xF7A;
	s5 =	simm.s32 @!p2 $0x0  }
0x1d: {  	s5 =	simm.s32 @p1 $0x1;
	p0 =	seq.s32 s7, s2  }
0x1e: {  	s7 =	smul.u32 @!p0 $0xF7A, s2;
	p2 =	seq.s32 @!p0 s5, $0x0  }
0x1f: {  	s9 =	smul.u32 $0xF7A, s1;
	s8 =	simm.s32 @!p0 $0x1BF5;
	p2 =	por !p2, p0  }
0x20: {  	[sflag:s8] =	ssyncset.s32 @!p0 $0xFFFFF086;
	s6 =	sadd.s32 @!p0 s3, s7;
	s7 =	simm.s32 @!p0 $0x108  }
0x21: {  	s3 =	sadd.s32 s3, s9;
	s6 =	sadd.s32 @!p0 $0x88, s6;
	s7 =	simm.s32 @p2 $0x1082  }
0x22: {  	[simem:s7], [sflag:s8] =	dma.local @!p0 [hbm:s6], $0xF7A  }
0x23: {  	s9 =	sor.u32 $0xD0000000, s2;
	s6 =	simm.s32 $0x108;
	_ =	swait.ge @!p0 [sflag:s8], $0x0  }
0x24: {  	s3 =	sadd.s32 $0x88, s3;
	s6 =	simm.s32 @!p1 $0x1082;
	[sflag:s4] =	ssyncset.s32 $0xFFFFF086  }
0x25: {  	[simem:s6], [sflag:s4] =	dma.local [hbm:s3], $0xF7A  }
0x26: {  	[smem:$0x3F96] =	sst s1;
	(tag) =	ssettag s2;
	_ =	strace s9  }
0x27: {  	s1 =	sld [smem:$0x3FA6]  }
0x28: {  	s2 =	sld [smem:$0x3FA7]  }
0x29: {  	s4 =	sld [smem:$0x3FA9]  }
0x2a: {  	p0 =	seq.s32 s5, $0x0;
	s5 =	sld [smem:$0x3FAA]  }
0x2b: {  	s6 =	sld [smem:$0x3FAB]  }
0x2c: {  	s7 =	sld [smem:$0x3FAC]  }
0x2d: {  	s3 =	simm.s32 $0x108;
	s8 =	sld [smem:$0x3FAD]  }
0x2e: {  	s3 =	simm.s32 @!p0 $0x1082;
	s9 =	sld [smem:$0x3FAE]  }
0x2f: {  	lr =	sadd.s32 s0, s3;
	s0 =	sld [smem:$0x3FA5]  }
0x30: {  	s3 =	sld [smem:$0x3FA8]  }
0x31: {  	[smem:$0x3FB1] =	sst s10  }
0x32: {  	s10 =	sld [smem:$0x3FAF];
	_ =	sdelay $0x3  }
0x33: {  	p0 =	seq.s32 s10, $0x1;
	s10 =	sld [smem:$0x3FB1];
	_ =	sdelay $0x3  }
0x34: {  	[smem:$0x3FB1] =	sst s10  }
0x35: {  	s10 =	sld [smem:$0x3FB0];
	_ =	sdelay $0x3  }
0x36: {  	p1 =	seq.s32 s10, $0x1;
	s10 =	sld [smem:$0x3FB1];
	_ =	sdelay $0x3  }
0x37: {  	[smem:$0x3FB1] =	sst s10  }
0x38: {  	s10 =	sld [smem:$0x3FB2]  }
0x39: {  	_ = 	snop;
	(pc) =	sbr.ind lr, $3  }
0x3a: {  	_ = 	snop  }
0x3b: {  	_ = 	snop  }
0x3c: {  	p2 =	seq.s32 s10, $0x1;
	s10 =	sld [smem:$0x3FB1]  }
0x3d: {  	_ =	shalt  }
0x3e: {  	_ =	shalt  }
0x3f: {  	_ =	shalt  }
0x40: {  	_ =	shalt  }
0x41: {  	_ =	shalt  }
0x42: {  	_ =	shalt  }
0x43: {  	_ =	shalt  }
0x44: {  	_ =	shalt  }
0x45: {  	_ =	shalt  }
0x46: {  	_ =	shalt  }
0x47: {  	_ =	shalt  }
0x48: {  	_ =	shalt  }
0x49: {  	_ =	shalt  }
0x4a: {  	_ =	shalt  }
0x4b: {  	_ =	shalt  }
0x4c: {  	_ =	shalt  }
0x4d: {  	_ =	shalt  }
0x4e: {  	_ =	shalt  }
0x4f: {  	_ =	shalt  }
0x50: {  	_ =	shalt  }
0x51: {  	_ =	shalt  }
0x52: {  	_ =	shalt  }
0x53: {  	_ =	shalt  }
0x54: {  	_ =	shalt  }
0x55: {  	_ =	shalt  }
0x56: {  	_ =	shalt  }
0x57: {  	_ =	shalt  }
0x58: {  	_ =	shalt  }
0x59: {  	_ =	shalt  }
0x5a: {  	_ =	shalt  }
0x5b: {  	_ =	shalt  }
0x5c: {  	_ =	shalt  }
0x5d: {  	_ =	shalt  }
0x5e: {  	_ =	shalt  }
0x5f: {  	_ =	shalt  }
0x60: {  	_ =	shalt  }
0x61: {  	_ =	shalt  }
0x62: {  	_ =	shalt  }
0x63: {  	_ =	shalt  }
0x64: {  	_ =	shalt  }
0x65: {  	_ =	shalt  }
0x66: {  	_ =	shalt  }
0x67: {  	_ =	shalt  }
0x68: {  	_ =	shalt  }
0x69: {  	_ =	shalt  }
0x6a: {  	_ =	shalt  }
0x6b: {  	_ =	shalt  }
0x6c: {  	_ =	shalt  }
0x6d: {  	_ =	shalt  }
0x6e: {  	_ =	shalt  }
0x6f: {  	_ =	shalt  }
0x70: {  	_ =	shalt  }
0x71: {  	_ =	shalt  }
0x72: {  	_ =	shalt  }
0x73: {  	_ =	shalt  }
0x74: {  	_ =	shalt  }
0x75: {  	_ =	shalt  }
0x76: {  	_ =	shalt  }
0x77: {  	_ =	shalt  }
0x78: {  	_ =	shalt  }
0x79: {  	_ =	shalt  }
0x7a: {  	_ =	shalt  }
0x7b: {  	_ =	shalt  }
0x7c: {  	_ =	shalt  }
0x7d: {  	_ =	shalt  }
0x7e: {  	_ =	shalt  }
0x7f: {  	_ =	shalt  }
0x80: {  	_ =	shalt  }
0x81: {  	_ =	shalt  }
0x82: {  	_ =	shalt  }
0x83: {  	_ =	shalt  }
0x84: {  	_ =	shalt  }
0x85: {  	_ =	shalt  }
0x86: {  	_ =	shalt  }
0x87: {  	_ =	shalt  }
.Lfunc_end0:
.L_simem_size_0:
called_computation.1_lowered:
.L_overlay_start_0:
0x88: {  	s2 =	sld [smem:$0x3FD9]  }
0x89: {  	s3 =	sld [smem:$0x3FFE];
	_ =	sdelay $0x1  }
0x8a: {  	s1 =	srdreg.scid  }
0x8b: {  	s0 =	sand.u32 $0x1, s1  }
0x8c: {  	s16 =	sshll.u32 s0, $0xA;
	s2 =	sadd.s32 s3, s2  }
0x8d: {  	s2 =	sadd.s32 s2, s16  }
0x8e: {  	[smem:$0x3FBD] =	sst s2  }
0x8f: {  	_ = 	snop  }
0x90: {  	(tm) =	ssettm $0x1  }
0x91: {  	s17 =	sld [smem:$0x3FFB];
	_ =	sdelay $0x3  }
0x92: {  	_ =	strace s17  }
0x93: {  	s2 =	sld [smem:$0x3FFC];
	_ =	sdelay $0x3  }
0x94: {  	_ =	strace s2  }
0x95: {  	s2 =	sld [smem:$0x3FFD];
	_ =	sdelay $0x3  }
0x96: {  	_ =	strace s2  }
0x97: {  	_ =	strace $0x8FFFFFFF  }
0x98: {  	s18 =	sld [smem:$0x3FDB];
	_ =	sdelay $0x1  }
0x99: {  	s19 =	simm.s32 $_scs_section_size  }
0x9a: {  	s4 =	simm.s32 $_size__tile_overlayer_lowered;
	s5 =	simm.s32 $_tile_overlayer_lowered  }
0x9b: {  	s22 =	simm.s32 $0x1BFF;
	s21 =	sshll.u32 s5, $0x1;
	s2 =	sadd.s32 s19, s18  }
0x9c: {  	s6 =	simm.s32 $0x0;
	s20 =	sshll.u32 s4, $0x1;
	s4 =	sadd.s32 s21, s2  }
0x9d: {  	[timem:s6], [sflag:s22] =	dma.local [hbm:s4], s20  }
0x9e: {  	_ =	swait.ge [sflag:s22], s20  }
0x9f: {  	s3 =	ssub.s32 $0x0, s20;
	[sflag:s22] =	ssyncset.done $0x0  }
0xa0: {  	[sflag:s22] =	ssyncadd.s32 s3;
	_ =	sdelay $0x1  }
0xa1: {  	s23 =	simm.s32 $0x1B8B  }
0xa2: {  	_ =	swait.ge [sflag:s23], $0x1  }
0xa3: {  	[sflag:s23] =	ssyncset.done $0x0  }
0xa4: {  	s25 =	simm.s32 $0x1B8E;
	s24 =	sld [smem:$0x3FFE];
	[sflag:s23] =	ssyncadd.s32 $0xFFFFFFFF  }
0xa5: {  	s26 =	simm.s32 $execute0_lowered;
	[smem:$0x3FD2] =	sst s25  }
0xa6: {  	s4 =	sshll.u32 s26, $0x1;
	_ =	strace $0x80000046;
	[dreg:$0x1] =	wrdreg $0xFFFFFFFF  }
0xa7: {  	s28 =	simm.s32 $_size_execute0_lowered;
	s2 =	sadd.s32 s2, s4;
	[dreg:$0x0] =	wrdreg $0x0  }
0xa8: {  	s4 =	sshll.u32 s28, $0x1;
	[dreg:$0x2] =	wrdreg s2  }
0xa9: {  	[dreg:$0x3] =	wrdreg s4  }
0xaa: {  	[dreg:$0x4] =	wrdreg $0xC0  }
0xab: {  	_ =	task [dreg:s6], $0x5FFFF  }
0xac: {  	[dreg:$0x1] =	wrdreg $0xFFFFFFFF  }
0xad: {  	[dreg:$0x0] =	wrdreg $0x60  }
0xae: {  	[dreg:$0x2] =	wrdreg s24  }
0xaf: {  	[dreg:$0x3] =	wrdreg $0xA8000  }
0xb0: {  	[dreg:$0x4] =	wrdreg $0xA  }
0xb1: {  	_ =	task.clear_ibuf [dreg:s6], $0x5FFFF;
	_ =	strace $0x90000046  }
0xb2: {  	s29 =	simm.s32 $0xA;
	_ =	strace $0x80000048  }
0xb3: {  	_ =	swait.ge [sflag:s29], $0x1  }
0xb4: {  	[sflag:s29] =	ssyncadd.s32 $0xFFFFFFFF  }
0xb5: {  	_ =	strace $0x90000048  }
0xb6: {  	_ =	sfence  }
0xb7: {  	s30 =	sld [smem:$0x0];
	_ =	sdelay $0x2  }
0xb8: {  	s31 =	sshll.u32 s1, $0xD;
	s1 =	sshrl.u32 s1, $0x2  }
0xb9: {  	s3 =	sand.u32 $0x4000, s31;
	s1 =	sadd.s32 s1, s30  }
0xba: {  	s0 =	sor.u32 s3, s0;
	s1 =	sshll.u32 s1, $0x11  }
0xbb: {  	s0 =	sor.u32 s1, s0  }
0xbc: {  	s0 =	sadd.s32 $0x8F2B, s0  }
0xbd: {  	[sflag:s0] =	ssyncadd.remote.s32 $0x1  }
0xbe: {  	_ =	sfence.sel $0xFFFF  }
0xbf: {  	[dreg:$0x0] =	wrdreg $0xFFFFFFFF;
	(pc) =	sbr.abs _section_cstart, $3  }
0xc0: {  	[dreg:$0x1] =	wrdreg $0xFFFFFFFF  }
0xc1: {  	_ =	task.clear_ibuf [dreg:s6], $0x2FFFF;
	_ =	strace $0x9FFFFFFF  }
0xc2: {  	(tm) =	ssettm $0x7FFFFFFF  }
0xc3: {  	_ =	shalt  }
tec
execute0_lowered:
.L_overlay_start_1:
0x0: {  	(tag) =	ssettag $0x1  }
0x1: {  	s1 =	srdreg.scid;
	s6 =	rddreg [dreg:$0x0]  }
0x2: {  	s0 =	stileid.u32;
	s2 =	rddreg [dreg:$0x1]  }
0x3: {  	s3 =	simm.s32 $0x0;
	s14 =	simm.s32 $0x2800;
	s15 =	simm.s32 $0x1  }
0x4: {  	s16 =	simm.s32 $0x6800;
	s17 =	simm.s32 $0x2;
	s18 =	simm.s32 $0x2700  }
0x5: {  	s19 =	simm.s32 $0x2680;
	s20 =	simm.s32 $0x2780;
	s21 =	simm.s32 $0x0  }
0x6: {  	s5 =	sand.u32 $0x1, s1;
	s26 =	sshll.u32 s0, $0x1;
	s7 =	smul.u32 $0x13C00, s0  }
0x7: {  	[smem:$0x7FF] =	sst s3;
	s28 =	smul.u32 $0x4F000, s0;
	s31 =	sshll.u32 s0, $0x6  }
0x8: {  	s1 =	sor.u32 s5, s26;
	s8 =	smul.u32 $0x13C000, s5;
	s5 =	ssub.s32 $0x2, s5  }
0x9: {  	s4 =	smul.u32 $0x5000, s1;
	s1 =	rddreg [dreg:$0x2];
	_ =	strace $0x80000047  }
0xa: {  	s10 =	sshrl.u32 s7, $0x3;
	s29 =	sshrl.u32 s5, $0x1;
	s30 =	sshrl.u32 s28, $0x2  }
0xb: {  	s7 =	sadd.s32 s7, s8;
	s10 =	sadd.s32 s10, s6;
	s12 =	ssub.s32 s5, s29  }
0xc: {  	s13 =	sadd.s32 s30, s2;
	s4 =	sshrl.u32 s4, $0x3;
	s7 =	sshrl.u32 s7, $0x3  }
0xd: {  	s5 =	sadd.s32 $0x40200, s10;
	s10 =	smax.u32 s12, $0x1;
	s12 =	simm.s32 $0x3  }
0xe: {  	s9 =	sadd.s32 s4, s6;
	s4 =	sadd.s32 $0x19000, s6;
	s11 =	sadd.s32 s7, s6  }
0xf: {  	s6 =	sor.u32 $0x1C03, s31;
	s7 =	sadd.s32 $0x5000, s9;
	s8 =	sadd.s32 $0x5500, s9  }
0x10: {  	s9 =	sadd.s32 $0x67A00, s11;
	s11 =	sshrl.u32 s13, $0x3;
	s13 =	simm.s32 $0x80  }
.LBB2_1:
0x11: {  	[spmem:s11], [sflag:s6] =	dma.local [hbm:s5], $0x2780  }
0x12: {  	_ =	swait.ge [sflag:s12], $0x2780  }
0x13: {  	[sflag:s12] =	ssyncset.done $0x0  }
0x14: {  	[sflag:s12] =	ssyncadd.s32 $0xFFFFD880  }
0x15: {  	[bflag:$0x0] =	sbarrier.arrive $0xFFFF  }
0x16: {  	[tilespmem:s3], [sflag:$0x3] =	stream.linear.gather [hbm4b:s7+s3], $0x2800, $0x38;
	[tilespmem:$0x1E400] =	vst v63  }
0x17: {  	_ =	swait.ge [sflag:s12], $0x2800  }
0x18: {  	[sflag:s12] =	ssyncset.done $0x0  }
0x19: {  	[sflag:s12] =	ssyncadd.s32 $0xFFFFD800  }
0x1a: {  	[tilespmem:s14], [sflag:$0x1] =	stream.indirect.gather [hbm4b:s4+s13], $0x80, s3, s13, $0xb8;
	[tilespmem:$0x1E400] =	vst v63  }
0x1b: {  	_ =	swait.ge [sflag:s15], $0x4000  }
0x1c: {  	[sflag:s15] =	ssyncset.done $0x0  }
0x1d: {  	s22 =	simm.s32 $0x100;
	[sflag:s15] =	ssyncadd.s32 $0xFFFFC000  }
0x1e: {  	[tilespmem:s16], [sflag:$0x2] =	stream.indirect.gather [hbm4b:s4+s13], $0x80, s22, s13, $0xb8;
	[tilespmem:$0x1E400] =	vst v63  }
0x1f: {  	s29 =	simm.s32 $0x80  }
0x20: {  	[spmem:s2] =	stream.indirect.scatter.add.f32 [tilespmem:s14], [sflag:$0x3], $0x80, s29, s13, $0xb8;
	[tilespmem:$0x1E400] =	vst v63  }
0x21: {  	_ =	swait.ge [sflag:s12], $0x4000  }
0x22: {  	[sflag:s12] =	ssyncset.done $0x0  }
0x23: {  	[sflag:s12] =	ssyncadd.s32 $0xFFFFC000  }
0x24: {  	_ =	swait.ge [sflag:s17], $0x4000  }
0x25: {  	[sflag:s17] =	ssyncset.done $0x0  }
0x26: {  	s30 =	simm.s32 $0x200;
	[sflag:s17] =	ssyncadd.s32 $0xFFFFC000  }
0x27: {  	[tilespmem:s14], [sflag:$0x1] =	stream.indirect.gather [hbm4b:s4+s13], $0x80, s30, s13, $0xb8;
	[tilespmem:$0x1E400] =	vst v63  }
0x28: {  	s31 =	simm.s32 $0x180  }
0x29: {  	[spmem:s2] =	stream.indirect.scatter.add.f32 [tilespmem:s16], [sflag:$0x3], $0x80, s31, s13, $0xb8;
	[tilespmem:$0x1E400] =	vst v63  }
0x2a: {  	_ =	swait.ge [sflag:s12], $0x4000  }
0x2b: {  	s22 =	simm.s32 $0xFFFF7000;
	[sflag:s12] =	ssyncset.done $0x0  }
.LBB2_2:
0x2c: {  	p0 =	sne.s32 s22, $0xFFFFF800  }
0x2d: {  	[sflag:s12] =	ssyncadd.s32 $0xFFFFC000;
	s23 =	smov.u32 s22;
	s22 =	sadd.s32 $0x800, s22  }
0x2e: {  	_ = 	snop  }
0x2f: {  	_ =	swait.ge [sflag:s15], $0x4000  }
0x30: {  	s23 =	sshra.s32 s23, $0x2;
	[sflag:s15] =	ssyncset.done $0x0  }
0x31: {  	s24 =	sadd.s32 $0x2700, s23;
	[sflag:s15] =	ssyncadd.s32 $0xFFFFC000  }
0x32: {  	[tilespmem:s16], [sflag:$0x2] =	stream.indirect.gather [hbm4b:s4+s13], $0x80, s24, s13, $0xb8;
	[tilespmem:$0x1E400] =	vst v63  }
0x33: {  	s24 =	sadd.s32 $0x2680, s23  }
0x34: {  	[spmem:s2] =	stream.indirect.scatter.add.f32 [tilespmem:s14], [sflag:$0x3], $0x80, s24, s13, $0xb8;
	[tilespmem:$0x1E400] =	vst v63  }
0x35: {  	_ =	swait.ge [sflag:s12], $0x4000  }
0x36: {  	[sflag:s12] =	ssyncset.done $0x0  }
0x37: {  	[sflag:s12] =	ssyncadd.s32 $0xFFFFC000  }
0x38: {  	_ =	swait.ge [sflag:s17], $0x4000  }
0x39: {  	[sflag:s17] =	ssyncset.done $0x0  }
0x3a: {  	s24 =	sadd.s32 $0x2800, s23;
	[sflag:s17] =	ssyncadd.s32 $0xFFFFC000  }
0x3b: {  	[tilespmem:s14], [sflag:$0x1] =	stream.indirect.gather [hbm4b:s4+s13], $0x80, s24, s13, $0xb8;
	[tilespmem:$0x1E400] =	vst v63  }
.Ltmp0:
0x3c: {  	_ = 	snop;
	(pc) =	sbr.rel @p0 .LBB2_2-.Ltmp0, $4  }
0x3d: {  	s23 =	sadd.s32 $0x2780, s23  }
0x3e: {  	[spmem:s2] =	stream.indirect.scatter.add.f32 [tilespmem:s16], [sflag:$0x3], $0x80, s23, s13, $0xb8;
	[tilespmem:$0x1E400] =	vst v63  }
0x3f: {  	_ =	swait.ge [sflag:s12], $0x4000  }
0x40: {  	[sflag:s12] =	ssyncset.done $0x0  }
0x41: {  	[sflag:s12] =	ssyncadd.s32 $0xFFFFC000  }
0x42: {  	_ =	swait.ge [sflag:s15], $0x4000  }
0x43: {  	[sflag:s15] =	ssyncset.done $0x0  }
0x44: {  	[sflag:s15] =	ssyncadd.s32 $0xFFFFC000  }
0x45: {  	[tilespmem:s16], [sflag:$0x2] =	stream.indirect.gather [hbm4b:s4+s13], $0x80, s18, s13, $0xb8;
	[tilespmem:$0x1E400] =	vst v63  }
0x46: {  	_ = 	snop  }
0x47: {  	[spmem:s2] =	stream.indirect.scatter.add.f32 [tilespmem:s14], [sflag:$0x3], $0x80, s19, s13, $0xb8;
	[tilespmem:$0x1E400] =	vst v63  }
0x48: {  	_ =	swait.ge [sflag:s12], $0x4000  }
0x49: {  	[sflag:s12] =	ssyncset.done $0x0  }
0x4a: {  	[sflag:s12] =	ssyncadd.s32 $0xFFFFC000  }
0x4b: {  	_ =	swait.ge [sflag:s17], $0x4000  }
0x4c: {  	[sflag:s17] =	ssyncset.done $0x0  }
0x4d: {  	[sflag:s17] =	ssyncadd.s32 $0xFFFFC000  }
0x4e: {  	[tilespmem:s14], [sflag:$0x1] =	stream.indirect.gather [hbm4b:s4+s13], $0x80, s3, s13, $0xb8;
	[tilespmem:$0x1E400] =	vst v63  }
0x4f: {  	_ = 	snop  }
0x50: {  	[spmem:s2] =	stream.indirect.scatter.add.f32 [tilespmem:s16], [sflag:$0x3], $0x80, s20, s13, $0xb8;
	[tilespmem:$0x1E400] =	vst v63  }
0x51: {  	_ =	swait.ge [sflag:s12], $0x4000  }
0x52: {  	[sflag:s12] =	ssyncset.done $0x0  }
0x53: {  	[sflag:s12] =	ssyncadd.s32 $0xFFFFC000  }
0x54: {  	_ =	swait.ge [sflag:s15], $0x4000  }
0x55: {  	[sflag:s15] =	ssyncset.done $0x0  }
0x56: {  	[sflag:s15] =	ssyncadd.s32 $0xFFFFC000  }
0x57: {  	[tilespmem:s3], [sflag:$0x3] =	stream.linear.gather [hbm4b:s8+s3], $0x2800, $0x38;
	[tilespmem:$0x1E400] =	vst v63  }
0x58: {  	_ =	swait.ge [sflag:s12], $0x2800  }
0x59: {  	[sflag:s12] =	ssyncset.done $0x0  }
0x5a: {  	[sflag:s12] =	ssyncadd.s32 $0xFFFFD800  }
0x5b: {  	[tilespmem:s14], [sflag:$0x1] =	stream.indirect.gather [hbm4b:s4+s13], $0x80, s3, s13, $0xb8;
	[tilespmem:$0x1E400] =	vst v63  }
0x5c: {  	_ =	swait.ge [sflag:s15], $0x4000  }
0x5d: {  	[sflag:s15] =	ssyncset.done $0x0  }
0x5e: {  	s22 =	simm.s32 $0x100;
	[sflag:s15] =	ssyncadd.s32 $0xFFFFC000  }
0x5f: {  	[tilespmem:s16], [sflag:$0x2] =	stream.indirect.gather [hbm4b:s4+s13], $0x80, s22, s13, $0xb8;
	[tilespmem:$0x1E400] =	vst v63  }
0x60: {  	s29 =	simm.s32 $0x80  }
0x61: {  	[spmem:s2] =	stream.indirect.scatter.add.f32 [tilespmem:s14], [sflag:$0x3], $0x80, s29, s13, $0xb8;
	[tilespmem:$0x1E400] =	vst v63  }
0x62: {  	_ =	swait.ge [sflag:s12], $0x4000  }
0x63: {  	[sflag:s12] =	ssyncset.done $0x0  }
0x64: {  	[sflag:s12] =	ssyncadd.s32 $0xFFFFC000  }
0x65: {  	_ =	swait.ge [sflag:s17], $0x4000  }
0x66: {  	[sflag:s17] =	ssyncset.done $0x0  }
0x67: {  	s30 =	simm.s32 $0x200;
	[sflag:s17] =	ssyncadd.s32 $0xFFFFC000  }
0x68: {  	[tilespmem:s14], [sflag:$0x1] =	stream.indirect.gather [hbm4b:s4+s13], $0x80, s30, s13, $0xb8;
	[tilespmem:$0x1E400] =	vst v63  }
0x69: {  	s31 =	simm.s32 $0x180  }
0x6a: {  	[spmem:s2] =	stream.indirect.scatter.add.f32 [tilespmem:s16], [sflag:$0x3], $0x80, s31, s13, $0xb8;
	[tilespmem:$0x1E400] =	vst v63  }
0x6b: {  	_ =	swait.ge [sflag:s12], $0x4000  }
0x6c: {  	s22 =	simm.s32 $0xFFFF7000;
	[sflag:s12] =	ssyncset.done $0x0  }
.LBB2_4:
0x6d: {  	p0 =	sne.s32 s22, $0xFFFFF800  }
0x6e: {  	[sflag:s12] =	ssyncadd.s32 $0xFFFFC000;
	s23 =	smov.u32 s22;
	s22 =	sadd.s32 $0x800, s22  }
0x6f: {  	_ = 	snop  }
0x70: {  	_ =	swait.ge [sflag:s15], $0x4000  }
0x71: {  	s23 =	sshra.s32 s23, $0x2;
	[sflag:s15] =	ssyncset.done $0x0  }
0x72: {  	s24 =	sadd.s32 $0x2700, s23;
	[sflag:s15] =	ssyncadd.s32 $0xFFFFC000  }
0x73: {  	[tilespmem:s16], [sflag:$0x2] =	stream.indirect.gather [hbm4b:s4+s13], $0x80, s24, s13, $0xb8;
	[tilespmem:$0x1E400] =	vst v63  }
0x74: {  	s24 =	sadd.s32 $0x2680, s23  }
0x75: {  	[spmem:s2] =	stream.indirect.scatter.add.f32 [tilespmem:s14], [sflag:$0x3], $0x80, s24, s13, $0xb8;
	[tilespmem:$0x1E400] =	vst v63  }
0x76: {  	_ =	swait.ge [sflag:s12], $0x4000  }
0x77: {  	[sflag:s12] =	ssyncset.done $0x0  }
0x78: {  	[sflag:s12] =	ssyncadd.s32 $0xFFFFC000  }
0x79: {  	_ =	swait.ge [sflag:s17], $0x4000  }
0x7a: {  	[sflag:s17] =	ssyncset.done $0x0  }
0x7b: {  	s24 =	sadd.s32 $0x2800, s23;
	[sflag:s17] =	ssyncadd.s32 $0xFFFFC000  }
0x7c: {  	[tilespmem:s14], [sflag:$0x1] =	stream.indirect.gather [hbm4b:s4+s13], $0x80, s24, s13, $0xb8;
	[tilespmem:$0x1E400] =	vst v63  }
.Ltmp1:
0x7d: {  	_ = 	snop;
	(pc) =	sbr.rel @p0 .LBB2_4-.Ltmp1, $4  }
0x7e: {  	s23 =	sadd.s32 $0x2780, s23  }
0x7f: {  	[spmem:s2] =	stream.indirect.scatter.add.f32 [tilespmem:s16], [sflag:$0x3], $0x80, s23, s13, $0xb8;
	[tilespmem:$0x1E400] =	vst v63  }
0x80: {  	_ =	swait.ge [sflag:s12], $0x4000  }
0x81: {  	[sflag:s12] =	ssyncset.done $0x0  }
0x82: {  	[sflag:s12] =	ssyncadd.s32 $0xFFFFC000  }
0x83: {  	_ =	swait.ge [sflag:s15], $0x4000  }
0x84: {  	[sflag:s15] =	ssyncset.done $0x0  }
0x85: {  	[sflag:s15] =	ssyncadd.s32 $0xFFFFC000  }
0x86: {  	[tilespmem:s16], [sflag:$0x2] =	stream.indirect.gather [hbm4b:s4+s13], $0x80, s18, s13, $0xb8;
	[tilespmem:$0x1E400] =	vst v63  }
0x87: {  	_ = 	snop  }
0x88: {  	[spmem:s2] =	stream.indirect.scatter.add.f32 [tilespmem:s14], [sflag:$0x3], $0x80, s19, s13, $0xb8;
	[tilespmem:$0x1E400] =	vst v63  }
0x89: {  	_ =	swait.ge [sflag:s12], $0x4000  }
0x8a: {  	[sflag:s12] =	ssyncset.done $0x0  }
0x8b: {  	[sflag:s12] =	ssyncadd.s32 $0xFFFFC000  }
0x8c: {  	_ =	swait.ge [sflag:s17], $0x4000  }
0x8d: {  	[sflag:s17] =	ssyncset.done $0x0  }
0x8e: {  	[sflag:s17] =	ssyncadd.s32 $0xFFFFC000  }
0x8f: {  	[tilespmem:s14], [sflag:$0x1] =	stream.indirect.gather [hbm4b:s4+s13], $0x80, s3, s13, $0xb8;
	[tilespmem:$0x1E400] =	vst v63  }
0x90: {  	_ = 	snop  }
0x91: {  	[spmem:s2] =	stream.indirect.scatter.add.f32 [tilespmem:s16], [sflag:$0x3], $0x80, s20, s13, $0xb8;
	[tilespmem:$0x1E400] =	vst v63  }
0x92: {  	_ =	swait.ge [sflag:s12], $0x4000  }
0x93: {  	[sflag:s12] =	ssyncset.done $0x0  }
0x94: {  	[sflag:s12] =	ssyncadd.s32 $0xFFFFC000  }
0x95: {  	_ =	swait.ge [sflag:s15], $0x4000  }
0x96: {  	s21 =	sadd.s32 $0x1, s21;
	[sflag:s15] =	ssyncset.done $0x0  }
0x97: {  	p0 =	sne.s32 s21, s10;
	[sflag:s15] =	ssyncadd.s32 $0xFFFFC000  }
.Ltmp2:
0x98: {  	[bflag:$0x0] =	sbarrier.arrive $0xFFFF;
	(pc) =	sbr.rel @p0 .LBB2_1-.Ltmp2, $4  }
0x99: {  	[hbm:s9], [sflag:s6] =	dma.local [spmem:s11], $0x2780  }
0x9a: {  	_ =	swait.ge [sflag:s12], $0x2780  }
0x9b: {  	[sflag:s12] =	ssyncset.done $0x0  }
0x9c: {  	[sflag:s12] =	ssyncadd.s32 $0xFFFFD880  }
0x9d: {  	_ =	sfence.sel $0x180000  }
0x9e: {  	[bflag:$0x0] =	sbarrier.arrive $0xFFFF  }
0x9f: {  	p0 =	sne.s32 s0, $0x0;
	_ =	strace $0x90000047  }
0xa0: {  	s0 =	sadd.s32 @!p0 $0x100000, s1;
	[bflag:$0x2] =	sbarrier.arrive $0xFFFF  }
0xa1: {  	[sflag:s0] =	ssyncadd.tile.s32 @!p0 $0x1;
	_ =	shalt  }
.Lfunc_end2:
_tile_overlayer_lowered:
.L_overlay_start_2:
0xa2: {  	(tag) =	ssettag $0x2  }
0xa3: {  	s0 =	rddreg [dreg:$0x0];
	s2 =	stileid.u32  }
0xa4: {  	s1 =	rddreg [dreg:$0x1];
	p0 =	sne.s32 s2, $0x0  }
0xa5: {  	s3 =	rddreg [dreg:$0x2];
	[bflag:$0x3] =	sbarrier.arrive $0xFFFF;
	s2 =	simm.s32 @!p0 $0x1C03  }
0xa6: {  	[timem:s3], [sflag:s2] =	dma.local @!p0 [hbm:s0], s1  }
0xa7: {  	s0 =	simm.s32 @!p0 $0x3  }
0xa8: {  	_ =	swait.ge @!p0 [sflag:s0], s1  }
0xa9: {  	s1 =	ssub.s32 @!p0 $0x0, s1;
	[sflag:s0] =	ssyncset.done @!p0 $0x0  }
0xaa: {  	[sflag:s0] =	ssyncadd.s32 @!p0 s1  }
0xab: {  	[bflag:$0x3] =	sbarrier.arrive $0xFFFF  }
0xac: {  	_ =	shalt  }

// kernel: kernel.16.cloned.1.call-start
scs
__scs_entry_jumppad:
0x0: {  	(pc) =	sbr.rel $0x88, $3  }
0x1: {  	(tag) =	ssettag $0x0;
	lr =	simm.s32 $0x1  }
0x2: {  	[smem:$0x3F96] =	sst lr;
	_ =	strace $0xD0000000  }
0x3: {  	_ = 	snop  }
0x4: {  	_ = 	snop  }
0x5: {  	_ = 	snop  }
0x6: {  	_ = 	snop  }
0x7: {  	_ = 	snop  }
__scs_overlays_trampoline_lowered:
0x8: {  	[smem:$0x3FA5] =	sst s0  }
0x9: {  	[smem:$0x3FA6] =	sst s1  }
0xa: {  	[smem:$0x3FA7] =	sst s2  }
0xb: {  	[smem:$0x3FA8] =	sst s3  }
0xc: {  	[smem:$0x3FA9] =	sst s4  }
0xd: {  	[smem:$0x3FAA] =	sst s5  }
0xe: {  	[smem:$0x3FAB] =	sst s6  }
0xf: {  	[smem:$0x3FAC] =	sst s7  }
0x10: {  	[smem:$0x3FAD] =	sst s8  }
0x11: {  	[smem:$0x3FAE] =	sst s9;
	s0 =	simm.s32 @!p0 $0x0  }
0x12: {  	s1 =	sld [smem:$0x3F94];
	s0 =	simm.s32 @p0 $0x1  }
0x13: {  	[smem:$0x3FAF] =	sst s0;
	s0 =	simm.s32 @!p1 $0x0  }
0x14: {  	s2 =	sld [smem:$0x3F93];
	s0 =	simm.s32 @p1 $0x1  }
0x15: {  	[smem:$0x3FB0] =	sst s0;
	s0 =	simm.s32 @!p2 $0x0  }
0x16: {  	s3 =	sld [smem:$0x3FDB];
	s0 =	simm.s32 @p2 $0x1  }
0x17: {  	s4 =	simm.s32 $0x1BF5;
	[smem:$0x3FB2] =	sst s0  }
0x18: {  	s0 =	sld [smem:$0x3F95];
	_ =	swait.ge [sflag:s4], $0x0  }
0x19: {  	s7 =	sld [smem:$0x3F96]  }
0x1a: {  	s8 =	sadd.s32 $0xFFFFE003, lr  }
0x1b: {  	s9 =	sadd.s32 $0xFFFFFEF7, lr;
	s5 =	simm.s32 $0xFFFFFFFF;
	p2 =	slt.u32 s8, $0xFFFFF086  }
0x1c: {  	p1 =	slt.u32 s9, $0xF7A;
	s5 =	simm.s32 @!p2 $0x0  }
0x1d: {  	s5 =	simm.s32 @p1 $0x1;
	p0 =	seq.s32 s7, s2  }
0x1e: {  	s7 =	smul.u32 @!p0 $0xF7A, s2;
	p2 =	seq.s32 @!p0 s5, $0x0  }
0x1f: {  	s9 =	smul.u32 $0xF7A, s1;
	s8 =	simm.s32 @!p0 $0x1BF5;
	p2 =	por !p2, p0  }
0x20: {  	[sflag:s8] =	ssyncset.s32 @!p0 $0xFFFFF086;
	s6 =	sadd.s32 @!p0 s3, s7;
	s7 =	simm.s32 @!p0 $0x108  }
0x21: {  	s3 =	sadd.s32 s3, s9;
	s6 =	sadd.s32 @!p0 $0x88, s6;
	s7 =	simm.s32 @p2 $0x1082  }
0x22: {  	[simem:s7], [sflag:s8] =	dma.local @!p0 [hbm:s6], $0xF7A  }
0x23: {  	s9 =	sor.u32 $0xD0000000, s2;
	s6 =	simm.s32 $0x108;
	_ =	swait.ge @!p0 [sflag:s8], $0x0  }
0x24: {  	s3 =	sadd.s32 $0x88, s3;
	s6 =	simm.s32 @!p1 $0x1082;
	[sflag:s4] =	ssyncset.s32 $0xFFFFF086  }
0x25: {  	[simem:s6], [sflag:s4] =	dma.local [hbm:s3], $0xF7A  }
0x26: {  	[smem:$0x3F96] =	sst s1;
	(tag) =	ssettag s2;
	_ =	strace s9  }
0x27: {  	s1 =	sld [smem:$0x3FA6]  }
0x28: {  	s2 =	sld [smem:$0x3FA7]  }
0x29: {  	s4 =	sld [smem:$0x3FA9]  }
0x2a: {  	p0 =	seq.s32 s5, $0x0;
	s5 =	sld [smem:$0x3FAA]  }
0x2b: {  	s6 =	sld [smem:$0x3FAB]  }
0x2c: {  	s7 =	sld [smem:$0x3FAC]  }
0x2d: {  	s3 =	simm.s32 $0x108;
	s8 =	sld [smem:$0x3FAD]  }
0x2e: {  	s3 =	simm.s32 @!p0 $0x1082;
	s9 =	sld [smem:$0x3FAE]  }
0x2f: {  	lr =	sadd.s32 s0, s3;
	s0 =	sld [smem:$0x3FA5]  }
0x30: {  	s3 =	sld [smem:$0x3FA8]  }
0x31: {  	[smem:$0x3FB1] =	sst s10  }
0x32: {  	s10 =	sld [smem:$0x3FAF];
	_ =	sdelay $0x3  }
0x33: {  	p0 =	seq.s32 s10, $0x1;
	s10 =	sld [smem:$0x3FB1];
	_ =	sdelay $0x3  }
0x34: {  	[smem:$0x3FB1] =	sst s10  }
0x35: {  	s10 =	sld [smem:$0x3FB0];
	_ =	sdelay $0x3  }
0x36: {  	p1 =	seq.s32 s10, $0x1;
	s10 =	sld [smem:$0x3FB1];
	_ =	sdelay $0x3  }
0x37: {  	[smem:$0x3FB1] =	sst s10  }
0x38: {  	s10 =	sld [smem:$0x3FB2]  }
0x39: {  	_ = 	snop;
	(pc) =	sbr.ind lr, $3  }
0x3a: {  	_ = 	snop  }
0x3b: {  	_ = 	snop  }
0x3c: {  	p2 =	seq.s32 s10, $0x1;
	s10 =	sld [smem:$0x3FB1]  }
0x3d: {  	_ =	shalt  }
0x3e: {  	_ =	shalt  }
0x3f: {  	_ =	shalt  }
0x40: {  	_ =	shalt  }
0x41: {  	_ =	shalt  }
0x42: {  	_ =	shalt  }
0x43: {  	_ =	shalt  }
0x44: {  	_ =	shalt  }
0x45: {  	_ =	shalt  }
0x46: {  	_ =	shalt  }
0x47: {  	_ =	shalt  }
0x48: {  	_ =	shalt  }
0x49: {  	_ =	shalt  }
0x4a: {  	_ =	shalt  }
0x4b: {  	_ =	shalt  }
0x4c: {  	_ =	shalt  }
0x4d: {  	_ =	shalt  }
0x4e: {  	_ =	shalt  }
0x4f: {  	_ =	shalt  }
0x50: {  	_ =	shalt  }
0x51: {  	_ =	shalt  }
0x52: {  	_ =	shalt  }
0x53: {  	_ =	shalt  }
0x54: {  	_ =	shalt  }
0x55: {  	_ =	shalt  }
0x56: {  	_ =	shalt  }
0x57: {  	_ =	shalt  }
0x58: {  	_ =	shalt  }
0x59: {  	_ =	shalt  }
0x5a: {  	_ =	shalt  }
0x5b: {  	_ =	shalt  }
0x5c: {  	_ =	shalt  }
0x5d: {  	_ =	shalt  }
0x5e: {  	_ =	shalt  }
0x5f: {  	_ =	shalt  }
0x60: {  	_ =	shalt  }
0x61: {  	_ =	shalt  }
0x62: {  	_ =	shalt  }
0x63: {  	_ =	shalt  }
0x64: {  	_ =	shalt  }
0x65: {  	_ =	shalt  }
0x66: {  	_ =	shalt  }
0x67: {  	_ =	shalt  }
0x68: {  	_ =	shalt  }
0x69: {  	_ =	shalt  }
0x6a: {  	_ =	shalt  }
0x6b: {  	_ =	shalt  }
0x6c: {  	_ =	shalt  }
0x6d: {  	_ =	shalt  }
0x6e: {  	_ =	shalt  }
0x6f: {  	_ =	shalt  }
0x70: {  	_ =	shalt  }
0x71: {  	_ =	shalt  }
0x72: {  	_ =	shalt  }
0x73: {  	_ =	shalt  }
0x74: {  	_ =	shalt  }
0x75: {  	_ =	shalt  }
0x76: {  	_ =	shalt  }
0x77: {  	_ =	shalt  }
0x78: {  	_ =	shalt  }
0x79: {  	_ =	shalt  }
0x7a: {  	_ =	shalt  }
0x7b: {  	_ =	shalt  }
0x7c: {  	_ =	shalt  }
0x7d: {  	_ =	shalt  }
0x7e: {  	_ =	shalt  }
0x7f: {  	_ =	shalt  }
0x80: {  	_ =	shalt  }
0x81: {  	_ =	shalt  }
0x82: {  	_ =	shalt  }
0x83: {  	_ =	shalt  }
0x84: {  	_ =	shalt  }
0x85: {  	_ =	shalt  }
0x86: {  	_ =	shalt  }
0x87: {  	_ =	shalt  }
.Lfunc_end0:
.L_simem_size_0:
called_computation.2_lowered:
.L_overlay_start_0:
0x88: {  	s2 =	sld [smem:$0x3FD9]  }
0x89: {  	s3 =	sld [smem:$0x3FFE];
	_ =	sdelay $0x1  }
0x8a: {  	s1 =	srdreg.scid  }
0x8b: {  	s0 =	sand.u32 $0x1, s1  }
0x8c: {  	s16 =	sshll.u32 s0, $0xA;
	s2 =	sadd.s32 s3, s2  }
0x8d: {  	s2 =	sadd.s32 s2, s16  }
0x8e: {  	[smem:$0x3FBD] =	sst s2  }
0x8f: {  	_ = 	snop  }
0x90: {  	(tm) =	ssettm $0x1  }
0x91: {  	s17 =	sld [smem:$0x3FFB];
	_ =	sdelay $0x3  }
0x92: {  	_ =	strace s17  }
0x93: {  	s2 =	sld [smem:$0x3FFC];
	_ =	sdelay $0x3  }
0x94: {  	_ =	strace s2  }
0x95: {  	s2 =	sld [smem:$0x3FFD];
	_ =	sdelay $0x3  }
0x96: {  	_ =	strace s2  }
0x97: {  	_ =	strace $0x8FFFFFFF  }
0x98: {  	s18 =	sld [smem:$0x3FDB];
	_ =	sdelay $0x1  }
0x99: {  	s19 =	simm.s32 $_scs_section_size  }
0x9a: {  	s4 =	simm.s32 $_size__tile_overlayer_lowered;
	s5 =	simm.s32 $_tile_overlayer_lowered  }
0x9b: {  	s22 =	simm.s32 $0x1BFF;
	s21 =	sshll.u32 s5, $0x1;
	s2 =	sadd.s32 s19, s18  }
0x9c: {  	s6 =	simm.s32 $0x0;
	s20 =	sshll.u32 s4, $0x1;
	s4 =	sadd.s32 s21, s2  }
0x9d: {  	[timem:s6], [sflag:s22] =	dma.local [hbm:s4], s20  }
0x9e: {  	_ =	swait.ge [sflag:s22], s20  }
0x9f: {  	s3 =	ssub.s32 $0x0, s20;
	[sflag:s22] =	ssyncset.done $0x0  }
0xa0: {  	[sflag:s22] =	ssyncadd.s32 s3;
	_ =	sdelay $0x1  }
0xa1: {  	s23 =	simm.s32 $0x1B8B  }
0xa2: {  	_ =	swait.ge [sflag:s23], $0x1  }
0xa3: {  	[sflag:s23] =	ssyncset.done $0x0  }
0xa4: {  	s25 =	simm.s32 $0x1B8E;
	s24 =	sld [smem:$0x3FFE];
	[sflag:s23] =	ssyncadd.s32 $0xFFFFFFFF  }
0xa5: {  	s26 =	simm.s32 $execute0_lowered;
	[smem:$0x3FD2] =	sst s25  }
0xa6: {  	s4 =	sshll.u32 s26, $0x1;
	_ =	strace $0x8000004C;
	[dreg:$0x1] =	wrdreg $0xFFFFFFFF  }
0xa7: {  	s28 =	simm.s32 $_size_execute0_lowered;
	s2 =	sadd.s32 s2, s4;
	[dreg:$0x0] =	wrdreg $0x0  }
0xa8: {  	s4 =	sshll.u32 s28, $0x1;
	[dreg:$0x2] =	wrdreg s2  }
0xa9: {  	[dreg:$0x3] =	wrdreg s4  }
0xaa: {  	[dreg:$0x4] =	wrdreg $0xC0  }
0xab: {  	_ =	task [dreg:s6], $0x5FFFF  }
0xac: {  	[dreg:$0x1] =	wrdreg $0xFFFFFFFF  }
0xad: {  	[dreg:$0x0] =	wrdreg $0x60  }
0xae: {  	[dreg:$0x2] =	wrdreg s24  }
0xaf: {  	[dreg:$0x3] =	wrdreg $0xA8000  }
0xb0: {  	[dreg:$0x4] =	wrdreg $0x9  }
0xb1: {  	_ =	task.clear_ibuf [dreg:s6], $0x5FFFF;
	_ =	strace $0x9000004C  }
0xb2: {  	s29 =	simm.s32 $0x9;
	_ =	strace $0x8000004E  }
0xb3: {  	_ =	swait.ge [sflag:s29], $0x1  }
0xb4: {  	[sflag:s29] =	ssyncadd.s32 $0xFFFFFFFF  }
0xb5: {  	_ =	strace $0x9000004E  }
0xb6: {  	_ =	sfence  }
0xb7: {  	s30 =	sld [smem:$0x0];
	_ =	sdelay $0x2  }
0xb8: {  	s31 =	sshll.u32 s1, $0xD;
	s1 =	sshrl.u32 s1, $0x2  }
0xb9: {  	s3 =	sand.u32 $0x4000, s31;
	s1 =	sadd.s32 s1, s30  }
0xba: {  	s0 =	sor.u32 s3, s0;
	s1 =	sshll.u32 s1, $0x11  }
0xbb: {  	s0 =	sor.u32 s1, s0  }
0xbc: {  	s0 =	sadd.s32 $0x8F2B, s0  }
0xbd: {  	[sflag:s0] =	ssyncadd.remote.s32 $0x1  }
0xbe: {  	_ =	sfence.sel $0xFFFF  }
0xbf: {  	[dreg:$0x0] =	wrdreg $0xFFFFFFFF;
	(pc) =	sbr.abs _section_cstart, $3  }
0xc0: {  	[dreg:$0x1] =	wrdreg $0xFFFFFFFF  }
0xc1: {  	_ =	task.clear_ibuf [dreg:s6], $0x2FFFF;
	_ =	strace $0x9FFFFFFF  }
0xc2: {  	(tm) =	ssettm $0x7FFFFFFF  }
0xc3: {  	_ =	shalt  }
tec
execute0_lowered:
.L_overlay_start_1:
0x0: {  	(tag) =	ssettag $0x1  }
0x1: {  	s1 =	srdreg.scid;
	s6 =	rddreg [dreg:$0x0]  }
0x2: {  	s0 =	stileid.u32;
	s2 =	rddreg [dreg:$0x1]  }
0x3: {  	s3 =	simm.s32 $0x0;
	s14 =	simm.s32 $0x2800;
	s15 =	simm.s32 $0x1  }
0x4: {  	s16 =	simm.s32 $0x6800;
	s17 =	simm.s32 $0x2;
	s18 =	simm.s32 $0x2700  }
0x5: {  	s19 =	simm.s32 $0x2680;
	s20 =	simm.s32 $0x2780;
	s21 =	simm.s32 $0x0  }
0x6: {  	s5 =	sand.u32 $0x1, s1;
	s26 =	sshll.u32 s0, $0x1;
	s7 =	smul.u32 $0x13C00, s0  }
0x7: {  	[smem:$0x7FF] =	sst s3;
	s28 =	smul.u32 $0x4F000, s0;
	s31 =	sshll.u32 s0, $0x6  }
0x8: {  	s1 =	sor.u32 s5, s26;
	s8 =	smul.u32 $0x13C000, s5;
	s5 =	ssub.s32 $0x2, s5  }
0x9: {  	s4 =	smul.u32 $0x5000, s1;
	s1 =	rddreg [dreg:$0x2];
	_ =	strace $0x8000004D  }
0xa: {  	s10 =	sshrl.u32 s7, $0x3;
	s29 =	sshrl.u32 s5, $0x1;
	s30 =	sshrl.u32 s28, $0x2  }
0xb: {  	s7 =	sadd.s32 s7, s8;
	s10 =	sadd.s32 s10, s6;
	s12 =	ssub.s32 s5, s29  }
0xc: {  	s13 =	sadd.s32 s30, s2;
	s4 =	sshrl.u32 s4, $0x3;
	s7 =	sshrl.u32 s7, $0x3  }
0xd: {  	s5 =	sadd.s32 $0x40200, s10;
	s10 =	smax.u32 s12, $0x1;
	s12 =	simm.s32 $0x3  }
0xe: {  	s9 =	sadd.s32 s4, s6;
	s4 =	sadd.s32 $0x19000, s6;
	s11 =	sadd.s32 s7, s6  }
0xf: {  	s6 =	sor.u32 $0x1C03, s31;
	s7 =	sadd.s32 $0x5000, s9;
	s8 =	sadd.s32 $0x5500, s9  }
0x10: {  	s9 =	sadd.s32 $0x67A00, s11;
	s11 =	sshrl.u32 s13, $0x3;
	s13 =	simm.s32 $0x80  }
.LBB2_1:
0x11: {  	[spmem:s11], [sflag:s6] =	dma.local [hbm:s5], $0x2780  }
0x12: {  	_ =	swait.ge [sflag:s12], $0x2780  }
0x13: {  	[sflag:s12] =	ssyncset.done $0x0  }
0x14: {  	[sflag:s12] =	ssyncadd.s32 $0xFFFFD880  }
0x15: {  	[bflag:$0x0] =	sbarrier.arrive $0xFFFF  }
0x16: {  	[tilespmem:s3], [sflag:$0x3] =	stream.linear.gather [hbm4b:s7+s3], $0x2800, $0x38;
	[tilespmem:$0x1E400] =	vst v63  }
0x17: {  	_ =	swait.ge [sflag:s12], $0x2800  }
0x18: {  	[sflag:s12] =	ssyncset.done $0x0  }
0x19: {  	[sflag:s12] =	ssyncadd.s32 $0xFFFFD800  }
0x1a: {  	[tilespmem:s14], [sflag:$0x1] =	stream.indirect.gather [hbm4b:s4+s13], $0x80, s3, s13, $0xb8;
	[tilespmem:$0x1E400] =	vst v63  }
0x1b: {  	_ =	swait.ge [sflag:s15], $0x4000  }
0x1c: {  	[sflag:s15] =	ssyncset.done $0x0  }
0x1d: {  	s22 =	simm.s32 $0x100;
	[sflag:s15] =	ssyncadd.s32 $0xFFFFC000  }
0x1e: {  	[tilespmem:s16], [sflag:$0x2] =	stream.indirect.gather [hbm4b:s4+s13], $0x80, s22, s13, $0xb8;
	[tilespmem:$0x1E400] =	vst v63  }
0x1f: {  	s29 =	simm.s32 $0x80  }
0x20: {  	[spmem:s2] =	stream.indirect.scatter.add.f32 [tilespmem:s14], [sflag:$0x3], $0x80, s29, s13, $0xb8;
	[tilespmem:$0x1E400] =	vst v63  }
0x21: {  	_ =	swait.ge [sflag:s12], $0x4000  }
0x22: {  	[sflag:s12] =	ssyncset.done $0x0  }
0x23: {  	[sflag:s12] =	ssyncadd.s32 $0xFFFFC000  }
0x24: {  	_ =	swait.ge [sflag:s17], $0x4000  }
0x25: {  	[sflag:s17] =	ssyncset.done $0x0  }
0x26: {  	s30 =	simm.s32 $0x200;
	[sflag:s17] =	ssyncadd.s32 $0xFFFFC000  }
0x27: {  	[tilespmem:s14], [sflag:$0x1] =	stream.indirect.gather [hbm4b:s4+s13], $0x80, s30, s13, $0xb8;
	[tilespmem:$0x1E400] =	vst v63  }
0x28: {  	s31 =	simm.s32 $0x180  }
0x29: {  	[spmem:s2] =	stream.indirect.scatter.add.f32 [tilespmem:s16], [sflag:$0x3], $0x80, s31, s13, $0xb8;
	[tilespmem:$0x1E400] =	vst v63  }
0x2a: {  	_ =	swait.ge [sflag:s12], $0x4000  }
0x2b: {  	s22 =	simm.s32 $0xFFFF7000;
	[sflag:s12] =	ssyncset.done $0x0  }
.LBB2_2:
0x2c: {  	p0 =	sne.s32 s22, $0xFFFFF800  }
0x2d: {  	[sflag:s12] =	ssyncadd.s32 $0xFFFFC000;
	s23 =	smov.u32 s22;
	s22 =	sadd.s32 $0x800, s22  }
0x2e: {  	_ = 	snop  }
0x2f: {  	_ =	swait.ge [sflag:s15], $0x4000  }
0x30: {  	s23 =	sshra.s32 s23, $0x2;
	[sflag:s15] =	ssyncset.done $0x0  }
0x31: {  	s24 =	sadd.s32 $0x2700, s23;
	[sflag:s15] =	ssyncadd.s32 $0xFFFFC000  }
0x32: {  	[tilespmem:s16], [sflag:$0x2] =	stream.indirect.gather [hbm4b:s4+s13], $0x80, s24, s13, $0xb8;
	[tilespmem:$0x1E400] =	vst v63  }
0x33: {  	s24 =	sadd.s32 $0x2680, s23  }
0x34: {  	[spmem:s2] =	stream.indirect.scatter.add.f32 [tilespmem:s14], [sflag:$0x3], $0x80, s24, s13, $0xb8;
	[tilespmem:$0x1E400] =	vst v63  }
0x35: {  	_ =	swait.ge [sflag:s12], $0x4000  }
0x36: {  	[sflag:s12] =	ssyncset.done $0x0  }
0x37: {  	[sflag:s12] =	ssyncadd.s32 $0xFFFFC000  }
0x38: {  	_ =	swait.ge [sflag:s17], $0x4000  }
0x39: {  	[sflag:s17] =	ssyncset.done $0x0  }
0x3a: {  	s24 =	sadd.s32 $0x2800, s23;
	[sflag:s17] =	ssyncadd.s32 $0xFFFFC000  }
0x3b: {  	[tilespmem:s14], [sflag:$0x1] =	stream.indirect.gather [hbm4b:s4+s13], $0x80, s24, s13, $0xb8;
	[tilespmem:$0x1E400] =	vst v63  }
.Ltmp0:
0x3c: {  	_ = 	snop;
	(pc) =	sbr.rel @p0 .LBB2_2-.Ltmp0, $4  }
0x3d: {  	s23 =	sadd.s32 $0x2780, s23  }
0x3e: {  	[spmem:s2] =	stream.indirect.scatter.add.f32 [tilespmem:s16], [sflag:$0x3], $0x80, s23, s13, $0xb8;
	[tilespmem:$0x1E400] =	vst v63  }
0x3f: {  	_ =	swait.ge [sflag:s12], $0x4000  }
0x40: {  	[sflag:s12] =	ssyncset.done $0x0  }
0x41: {  	[sflag:s12] =	ssyncadd.s32 $0xFFFFC000  }
0x42: {  	_ =	swait.ge [sflag:s15], $0x4000  }
0x43: {  	[sflag:s15] =	ssyncset.done $0x0  }
0x44: {  	[sflag:s15] =	ssyncadd.s32 $0xFFFFC000  }
0x45: {  	[tilespmem:s16], [sflag:$0x2] =	stream.indirect.gather [hbm4b:s4+s13], $0x80, s18, s13, $0xb8;
	[tilespmem:$0x1E400] =	vst v63  }
0x46: {  	_ = 	snop  }
0x47: {  	[spmem:s2] =	stream.indirect.scatter.add.f32 [tilespmem:s14], [sflag:$0x3], $0x80, s19, s13, $0xb8;
	[tilespmem:$0x1E400] =	vst v63  }
0x48: {  	_ =	swait.ge [sflag:s12], $0x4000  }
0x49: {  	[sflag:s12] =	ssyncset.done $0x0  }
0x4a: {  	[sflag:s12] =	ssyncadd.s32 $0xFFFFC000  }
0x4b: {  	_ =	swait.ge [sflag:s17], $0x4000  }
0x4c: {  	[sflag:s17] =	ssyncset.done $0x0  }
0x4d: {  	[sflag:s17] =	ssyncadd.s32 $0xFFFFC000  }
0x4e: {  	[tilespmem:s14], [sflag:$0x1] =	stream.indirect.gather [hbm4b:s4+s13], $0x80, s3, s13, $0xb8;
	[tilespmem:$0x1E400] =	vst v63  }
0x4f: {  	_ = 	snop  }
0x50: {  	[spmem:s2] =	stream.indirect.scatter.add.f32 [tilespmem:s16], [sflag:$0x3], $0x80, s20, s13, $0xb8;
	[tilespmem:$0x1E400] =	vst v63  }
0x51: {  	_ =	swait.ge [sflag:s12], $0x4000  }
0x52: {  	[sflag:s12] =	ssyncset.done $0x0  }
0x53: {  	[sflag:s12] =	ssyncadd.s32 $0xFFFFC000  }
0x54: {  	_ =	swait.ge [sflag:s15], $0x4000  }
0x55: {  	[sflag:s15] =	ssyncset.done $0x0  }
0x56: {  	[sflag:s15] =	ssyncadd.s32 $0xFFFFC000  }
0x57: {  	[tilespmem:s3], [sflag:$0x3] =	stream.linear.gather [hbm4b:s8+s3], $0x2800, $0x38;
	[tilespmem:$0x1E400] =	vst v63  }
0x58: {  	_ =	swait.ge [sflag:s12], $0x2800  }
0x59: {  	[sflag:s12] =	ssyncset.done $0x0  }
0x5a: {  	[sflag:s12] =	ssyncadd.s32 $0xFFFFD800  }
0x5b: {  	[tilespmem:s14], [sflag:$0x1] =	stream.indirect.gather [hbm4b:s4+s13], $0x80, s3, s13, $0xb8;
	[tilespmem:$0x1E400] =	vst v63  }
0x5c: {  	_ =	swait.ge [sflag:s15], $0x4000  }
0x5d: {  	[sflag:s15] =	ssyncset.done $0x0  }
0x5e: {  	s22 =	simm.s32 $0x100;
	[sflag:s15] =	ssyncadd.s32 $0xFFFFC000  }
0x5f: {  	[tilespmem:s16], [sflag:$0x2] =	stream.indirect.gather [hbm4b:s4+s13], $0x80, s22, s13, $0xb8;
	[tilespmem:$0x1E400] =	vst v63  }
0x60: {  	s29 =	simm.s32 $0x80  }
0x61: {  	[spmem:s2] =	stream.indirect.scatter.add.f32 [tilespmem:s14], [sflag:$0x3], $0x80, s29, s13, $0xb8;
	[tilespmem:$0x1E400] =	vst v63  }
0x62: {  	_ =	swait.ge [sflag:s12], $0x4000  }
0x63: {  	[sflag:s12] =	ssyncset.done $0x0  }
0x64: {  	[sflag:s12] =	ssyncadd.s32 $0xFFFFC000  }
0x65: {  	_ =	swait.ge [sflag:s17], $0x4000  }
0x66: {  	[sflag:s17] =	ssyncset.done $0x0  }
0x67: {  	s30 =	simm.s32 $0x200;
	[sflag:s17] =	ssyncadd.s32 $0xFFFFC000  }
0x68: {  	[tilespmem:s14], [sflag:$0x1] =	stream.indirect.gather [hbm4b:s4+s13], $0x80, s30, s13, $0xb8;
	[tilespmem:$0x1E400] =	vst v63  }
0x69: {  	s31 =	simm.s32 $0x180  }
0x6a: {  	[spmem:s2] =	stream.indirect.scatter.add.f32 [tilespmem:s16], [sflag:$0x3], $0x80, s31, s13, $0xb8;
	[tilespmem:$0x1E400] =	vst v63  }
0x6b: {  	_ =	swait.ge [sflag:s12], $0x4000  }
0x6c: {  	s22 =	simm.s32 $0xFFFF7000;
	[sflag:s12] =	ssyncset.done $0x0  }
.LBB2_4:
0x6d: {  	p0 =	sne.s32 s22, $0xFFFFF800  }
0x6e: {  	[sflag:s12] =	ssyncadd.s32 $0xFFFFC000;
	s23 =	smov.u32 s22;
	s22 =	sadd.s32 $0x800, s22  }
0x6f: {  	_ = 	snop  }
0x70: {  	_ =	swait.ge [sflag:s15], $0x4000  }
0x71: {  	s23 =	sshra.s32 s23, $0x2;
	[sflag:s15] =	ssyncset.done $0x0  }
0x72: {  	s24 =	sadd.s32 $0x2700, s23;
	[sflag:s15] =	ssyncadd.s32 $0xFFFFC000  }
0x73: {  	[tilespmem:s16], [sflag:$0x2] =	stream.indirect.gather [hbm4b:s4+s13], $0x80, s24, s13, $0xb8;
	[tilespmem:$0x1E400] =	vst v63  }
0x74: {  	s24 =	sadd.s32 $0x2680, s23  }
0x75: {  	[spmem:s2] =	stream.indirect.scatter.add.f32 [tilespmem:s14], [sflag:$0x3], $0x80, s24, s13, $0xb8;
	[tilespmem:$0x1E400] =	vst v63  }
0x76: {  	_ =	swait.ge [sflag:s12], $0x4000  }
0x77: {  	[sflag:s12] =	ssyncset.done $0x0  }
0x78: {  	[sflag:s12] =	ssyncadd.s32 $0xFFFFC000  }
0x79: {  	_ =	swait.ge [sflag:s17], $0x4000  }
0x7a: {  	[sflag:s17] =	ssyncset.done $0x0  }
0x7b: {  	s24 =	sadd.s32 $0x2800, s23;
	[sflag:s17] =	ssyncadd.s32 $0xFFFFC000  }
0x7c: {  	[tilespmem:s14], [sflag:$0x1] =	stream.indirect.gather [hbm4b:s4+s13], $0x80, s24, s13, $0xb8;
	[tilespmem:$0x1E400] =	vst v63  }
.Ltmp1:
0x7d: {  	_ = 	snop;
	(pc) =	sbr.rel @p0 .LBB2_4-.Ltmp1, $4  }
0x7e: {  	s23 =	sadd.s32 $0x2780, s23  }
0x7f: {  	[spmem:s2] =	stream.indirect.scatter.add.f32 [tilespmem:s16], [sflag:$0x3], $0x80, s23, s13, $0xb8;
	[tilespmem:$0x1E400] =	vst v63  }
0x80: {  	_ =	swait.ge [sflag:s12], $0x4000  }
0x81: {  	[sflag:s12] =	ssyncset.done $0x0  }
0x82: {  	[sflag:s12] =	ssyncadd.s32 $0xFFFFC000  }
0x83: {  	_ =	swait.ge [sflag:s15], $0x4000  }
0x84: {  	[sflag:s15] =	ssyncset.done $0x0  }
0x85: {  	[sflag:s15] =	ssyncadd.s32 $0xFFFFC000  }
0x86: {  	[tilespmem:s16], [sflag:$0x2] =	stream.indirect.gather [hbm4b:s4+s13], $0x80, s18, s13, $0xb8;
	[tilespmem:$0x1E400] =	vst v63  }
0x87: {  	_ = 	snop  }
0x88: {  	[spmem:s2] =	stream.indirect.scatter.add.f32 [tilespmem:s14], [sflag:$0x3], $0x80, s19, s13, $0xb8;
	[tilespmem:$0x1E400] =	vst v63  }
0x89: {  	_ =	swait.ge [sflag:s12], $0x4000  }
0x8a: {  	[sflag:s12] =	ssyncset.done $0x0  }
0x8b: {  	[sflag:s12] =	ssyncadd.s32 $0xFFFFC000  }
0x8c: {  	_ =	swait.ge [sflag:s17], $0x4000  }
0x8d: {  	[sflag:s17] =	ssyncset.done $0x0  }
0x8e: {  	[sflag:s17] =	ssyncadd.s32 $0xFFFFC000  }
0x8f: {  	[tilespmem:s14], [sflag:$0x1] =	stream.indirect.gather [hbm4b:s4+s13], $0x80, s3, s13, $0xb8;
	[tilespmem:$0x1E400] =	vst v63  }
0x90: {  	_ = 	snop  }
0x91: {  	[spmem:s2] =	stream.indirect.scatter.add.f32 [tilespmem:s16], [sflag:$0x3], $0x80, s20, s13, $0xb8;
	[tilespmem:$0x1E400] =	vst v63  }
0x92: {  	_ =	swait.ge [sflag:s12], $0x4000  }
0x93: {  	[sflag:s12] =	ssyncset.done $0x0  }
0x94: {  	[sflag:s12] =	ssyncadd.s32 $0xFFFFC000  }
0x95: {  	_ =	swait.ge [sflag:s15], $0x4000  }
0x96: {  	s21 =	sadd.s32 $0x1, s21;
	[sflag:s15] =	ssyncset.done $0x0  }
0x97: {  	p0 =	sne.s32 s21, s10;
	[sflag:s15] =	ssyncadd.s32 $0xFFFFC000  }
.Ltmp2:
0x98: {  	[bflag:$0x0] =	sbarrier.arrive $0xFFFF;
	(pc) =	sbr.rel @p0 .LBB2_1-.Ltmp2, $4  }
0x99: {  	[hbm:s9], [sflag:s6] =	dma.local [spmem:s11], $0x2780  }
0x9a: {  	_ =	swait.ge [sflag:s12], $0x2780  }
0x9b: {  	[sflag:s12] =	ssyncset.done $0x0  }
0x9c: {  	[sflag:s12] =	ssyncadd.s32 $0xFFFFD880  }
0x9d: {  	_ =	sfence.sel $0x180000  }
0x9e: {  	[bflag:$0x0] =	sbarrier.arrive $0xFFFF  }
0x9f: {  	p0 =	sne.s32 s0, $0x0;
	_ =	strace $0x9000004D  }
0xa0: {  	s0 =	sadd.s32 @!p0 $0x100000, s1;
	[bflag:$0x2] =	sbarrier.arrive $0xFFFF  }
0xa1: {  	[sflag:s0] =	ssyncadd.tile.s32 @!p0 $0x1;
	_ =	shalt  }
.Lfunc_end2:
_tile_overlayer_lowered:
.L_overlay_start_2:
0xa2: {  	(tag) =	ssettag $0x2  }
0xa3: {  	s0 =	rddreg [dreg:$0x0];
	s2 =	stileid.u32  }
0xa4: {  	s1 =	rddreg [dreg:$0x1];
	p0 =	sne.s32 s2, $0x0  }
0xa5: {  	s3 =	rddreg [dreg:$0x2];
	[bflag:$0x3] =	sbarrier.arrive $0xFFFF;
	s2 =	simm.s32 @!p0 $0x1C03  }
0xa6: {  	[timem:s3], [sflag:s2] =	dma.local @!p0 [hbm:s0], s1  }
0xa7: {  	s0 =	simm.s32 @!p0 $0x3  }
0xa8: {  	_ =	swait.ge @!p0 [sflag:s0], s1  }
0xa9: {  	s1 =	ssub.s32 @!p0 $0x0, s1;
	[sflag:s0] =	ssyncset.done @!p0 $0x0  }
0xaa: {  	[sflag:s0] =	ssyncadd.s32 @!p0 s1  }
0xab: {  	[bflag:$0x3] =	sbarrier.arrive $0xFFFF  }
0xac: {  	_ =	shalt  }

// kernel: kernel.19.cloned.1.call-start
scs
__scs_entry_jumppad:
0x0: {  	(pc) =	sbr.rel $0x88, $3  }
0x1: {  	(tag) =	ssettag $0x0;
	lr =	simm.s32 $0x1  }
0x2: {  	[smem:$0x3F96] =	sst lr;
	_ =	strace $0xD0000000  }
0x3: {  	_ = 	snop  }
0x4: {  	_ = 	snop  }
0x5: {  	_ = 	snop  }
0x6: {  	_ = 	snop  }
0x7: {  	_ = 	snop  }
__scs_overlays_trampoline_lowered:
0x8: {  	[smem:$0x3FA5] =	sst s0  }
0x9: {  	[smem:$0x3FA6] =	sst s1  }
0xa: {  	[smem:$0x3FA7] =	sst s2  }
0xb: {  	[smem:$0x3FA8] =	sst s3  }
0xc: {  	[smem:$0x3FA9] =	sst s4  }
0xd: {  	[smem:$0x3FAA] =	sst s5  }
0xe: {  	[smem:$0x3FAB] =	sst s6  }
0xf: {  	[smem:$0x3FAC] =	sst s7  }
0x10: {  	[smem:$0x3FAD] =	sst s8  }
0x11: {  	[smem:$0x3FAE] =	sst s9;
	s0 =	simm.s32 @!p0 $0x0  }
0x12: {  	s1 =	sld [smem:$0x3F94];
	s0 =	simm.s32 @p0 $0x1  }
0x13: {  	[smem:$0x3FAF] =	sst s0;
	s0 =	simm.s32 @!p1 $0x0  }
0x14: {  	s2 =	sld [smem:$0x3F93];
	s0 =	simm.s32 @p1 $0x1  }
0x15: {  	[smem:$0x3FB0] =	sst s0;
	s0 =	simm.s32 @!p2 $0x0  }
0x16: {  	s3 =	sld [smem:$0x3FDB];
	s0 =	simm.s32 @p2 $0x1  }
0x17: {  	s4 =	simm.s32 $0x1BF5;
	[smem:$0x3FB2] =	sst s0  }
0x18: {  	s0 =	sld [smem:$0x3F95];
	_ =	swait.ge [sflag:s4], $0x0  }
0x19: {  	s7 =	sld [smem:$0x3F96]  }
0x1a: {  	s8 =	sadd.s32 $0xFFFFE003, lr  }
0x1b: {  	s9 =	sadd.s32 $0xFFFFFEF7, lr;
	s5 =	simm.s32 $0xFFFFFFFF;
	p2 =	slt.u32 s8, $0xFFFFF086  }
0x1c: {  	p1 =	slt.u32 s9, $0xF7A;
	s5 =	simm.s32 @!p2 $0x0  }
0x1d: {  	s5 =	simm.s32 @p1 $0x1;
	p0 =	seq.s32 s7, s2  }
0x1e: {  	s7 =	smul.u32 @!p0 $0xF7A, s2;
	p2 =	seq.s32 @!p0 s5, $0x0  }
0x1f: {  	s9 =	smul.u32 $0xF7A, s1;
	s8 =	simm.s32 @!p0 $0x1BF5;
	p2 =	por !p2, p0  }
0x20: {  	[sflag:s8] =	ssyncset.s32 @!p0 $0xFFFFF086;
	s6 =	sadd.s32 @!p0 s3, s7;
	s7 =	simm.s32 @!p0 $0x108  }
0x21: {  	s3 =	sadd.s32 s3, s9;
	s6 =	sadd.s32 @!p0 $0x88, s6;
	s7 =	simm.s32 @p2 $0x1082  }
0x22: {  	[simem:s7], [sflag:s8] =	dma.local @!p0 [hbm:s6], $0xF7A  }
0x23: {  	s9 =	sor.u32 $0xD0000000, s2;
	s6 =	simm.s32 $0x108;
	_ =	swait.ge @!p0 [sflag:s8], $0x0  }
0x24: {  	s3 =	sadd.s32 $0x88, s3;
	s6 =	simm.s32 @!p1 $0x1082;
	[sflag:s4] =	ssyncset.s32 $0xFFFFF086  }
0x25: {  	[simem:s6], [sflag:s4] =	dma.local [hbm:s3], $0xF7A  }
0x26: {  	[smem:$0x3F96] =	sst s1;
	(tag) =	ssettag s2;
	_ =	strace s9  }
0x27: {  	s1 =	sld [smem:$0x3FA6]  }
0x28: {  	s2 =	sld [smem:$0x3FA7]  }
0x29: {  	s4 =	sld [smem:$0x3FA9]  }
0x2a: {  	p0 =	seq.s32 s5, $0x0;
	s5 =	sld [smem:$0x3FAA]  }
0x2b: {  	s6 =	sld [smem:$0x3FAB]  }
0x2c: {  	s7 =	sld [smem:$0x3FAC]  }
0x2d: {  	s3 =	simm.s32 $0x108;
	s8 =	sld [smem:$0x3FAD]  }
0x2e: {  	s3 =	simm.s32 @!p0 $0x1082;
	s9 =	sld [smem:$0x3FAE]  }
0x2f: {  	lr =	sadd.s32 s0, s3;
	s0 =	sld [smem:$0x3FA5]  }
0x30: {  	s3 =	sld [smem:$0x3FA8]  }
0x31: {  	[smem:$0x3FB1] =	sst s10  }
0x32: {  	s10 =	sld [smem:$0x3FAF];
	_ =	sdelay $0x3  }
0x33: {  	p0 =	seq.s32 s10, $0x1;
	s10 =	sld [smem:$0x3FB1];
	_ =	sdelay $0x3  }
0x34: {  	[smem:$0x3FB1] =	sst s10  }
0x35: {  	s10 =	sld [smem:$0x3FB0];
	_ =	sdelay $0x3  }
0x36: {  	p1 =	seq.s32 s10, $0x1;
	s10 =	sld [smem:$0x3FB1];
	_ =	sdelay $0x3  }
0x37: {  	[smem:$0x3FB1] =	sst s10  }
0x38: {  	s10 =	sld [smem:$0x3FB2]  }
0x39: {  	_ = 	snop;
	(pc) =	sbr.ind lr, $3  }
0x3a: {  	_ = 	snop  }
0x3b: {  	_ = 	snop  }
0x3c: {  	p2 =	seq.s32 s10, $0x1;
	s10 =	sld [smem:$0x3FB1]  }
0x3d: {  	_ =	shalt  }
0x3e: {  	_ =	shalt  }
0x3f: {  	_ =	shalt  }
0x40: {  	_ =	shalt  }
0x41: {  	_ =	shalt  }
0x42: {  	_ =	shalt  }
0x43: {  	_ =	shalt  }
0x44: {  	_ =	shalt  }
0x45: {  	_ =	shalt  }
0x46: {  	_ =	shalt  }
0x47: {  	_ =	shalt  }
0x48: {  	_ =	shalt  }
0x49: {  	_ =	shalt  }
0x4a: {  	_ =	shalt  }
0x4b: {  	_ =	shalt  }
0x4c: {  	_ =	shalt  }
0x4d: {  	_ =	shalt  }
0x4e: {  	_ =	shalt  }
0x4f: {  	_ =	shalt  }
0x50: {  	_ =	shalt  }
0x51: {  	_ =	shalt  }
0x52: {  	_ =	shalt  }
0x53: {  	_ =	shalt  }
0x54: {  	_ =	shalt  }
0x55: {  	_ =	shalt  }
0x56: {  	_ =	shalt  }
0x57: {  	_ =	shalt  }
0x58: {  	_ =	shalt  }
0x59: {  	_ =	shalt  }
0x5a: {  	_ =	shalt  }
0x5b: {  	_ =	shalt  }
0x5c: {  	_ =	shalt  }
0x5d: {  	_ =	shalt  }
0x5e: {  	_ =	shalt  }
0x5f: {  	_ =	shalt  }
0x60: {  	_ =	shalt  }
0x61: {  	_ =	shalt  }
0x62: {  	_ =	shalt  }
0x63: {  	_ =	shalt  }
0x64: {  	_ =	shalt  }
0x65: {  	_ =	shalt  }
0x66: {  	_ =	shalt  }
0x67: {  	_ =	shalt  }
0x68: {  	_ =	shalt  }
0x69: {  	_ =	shalt  }
0x6a: {  	_ =	shalt  }
0x6b: {  	_ =	shalt  }
0x6c: {  	_ =	shalt  }
0x6d: {  	_ =	shalt  }
0x6e: {  	_ =	shalt  }
0x6f: {  	_ =	shalt  }
0x70: {  	_ =	shalt  }
0x71: {  	_ =	shalt  }
0x72: {  	_ =	shalt  }
0x73: {  	_ =	shalt  }
0x74: {  	_ =	shalt  }
0x75: {  	_ =	shalt  }
0x76: {  	_ =	shalt  }
0x77: {  	_ =	shalt  }
0x78: {  	_ =	shalt  }
0x79: {  	_ =	shalt  }
0x7a: {  	_ =	shalt  }
0x7b: {  	_ =	shalt  }
0x7c: {  	_ =	shalt  }
0x7d: {  	_ =	shalt  }
0x7e: {  	_ =	shalt  }
0x7f: {  	_ =	shalt  }
0x80: {  	_ =	shalt  }
0x81: {  	_ =	shalt  }
0x82: {  	_ =	shalt  }
0x83: {  	_ =	shalt  }
0x84: {  	_ =	shalt  }
0x85: {  	_ =	shalt  }
0x86: {  	_ =	shalt  }
0x87: {  	_ =	shalt  }
.Lfunc_end0:
.L_simem_size_0:
called_computation.3_lowered:
.L_overlay_start_0:
0x88: {  	s2 =	sld [smem:$0x3FD9]  }
0x89: {  	s3 =	sld [smem:$0x3FFE];
	_ =	sdelay $0x1  }
0x8a: {  	s1 =	srdreg.scid  }
0x8b: {  	s0 =	sand.u32 $0x1, s1  }
0x8c: {  	s16 =	sshll.u32 s0, $0xA;
	s2 =	sadd.s32 s3, s2  }
0x8d: {  	s2 =	sadd.s32 s2, s16  }
0x8e: {  	[smem:$0x3FBD] =	sst s2  }
0x8f: {  	_ = 	snop  }
0x90: {  	(tm) =	ssettm $0x1  }
0x91: {  	s17 =	sld [smem:$0x3FFB];
	_ =	sdelay $0x3  }
0x92: {  	_ =	strace s17  }
0x93: {  	s2 =	sld [smem:$0x3FFC];
	_ =	sdelay $0x3  }
0x94: {  	_ =	strace s2  }
0x95: {  	s2 =	sld [smem:$0x3FFD];
	_ =	sdelay $0x3  }
0x96: {  	_ =	strace s2  }
0x97: {  	_ =	strace $0x8FFFFFFF  }
0x98: {  	s18 =	sld [smem:$0x3FDB];
	_ =	sdelay $0x1  }
0x99: {  	s19 =	simm.s32 $_scs_section_size  }
0x9a: {  	s4 =	simm.s32 $_size__tile_overlayer_lowered;
	s5 =	simm.s32 $_tile_overlayer_lowered  }
0x9b: {  	s22 =	simm.s32 $0x1BFF;
	s21 =	sshll.u32 s5, $0x1;
	s2 =	sadd.s32 s19, s18  }
0x9c: {  	s6 =	simm.s32 $0x0;
	s20 =	sshll.u32 s4, $0x1;
	s4 =	sadd.s32 s21, s2  }
0x9d: {  	[timem:s6], [sflag:s22] =	dma.local [hbm:s4], s20  }
0x9e: {  	_ =	swait.ge [sflag:s22], s20  }
0x9f: {  	s3 =	ssub.s32 $0x0, s20;
	[sflag:s22] =	ssyncset.done $0x0  }
0xa0: {  	[sflag:s22] =	ssyncadd.s32 s3;
	_ =	sdelay $0x1  }
0xa1: {  	s23 =	simm.s32 $0x1B8B  }
0xa2: {  	_ =	swait.ge [sflag:s23], $0x1  }
0xa3: {  	[sflag:s23] =	ssyncset.done $0x0  }
0xa4: {  	s25 =	simm.s32 $0x1B8E;
	s24 =	sld [smem:$0x3FFE];
	[sflag:s23] =	ssyncadd.s32 $0xFFFFFFFF  }
0xa5: {  	s26 =	simm.s32 $execute0_lowered;
	[smem:$0x3FD2] =	sst s25  }
0xa6: {  	s4 =	sshll.u32 s26, $0x1;
	_ =	strace $0x8000004F;
	[dreg:$0x1] =	wrdreg $0xFFFFFFFF  }
0xa7: {  	s28 =	simm.s32 $_size_execute0_lowered;
	s2 =	sadd.s32 s2, s4;
	[dreg:$0x0] =	wrdreg $0x0  }
0xa8: {  	s4 =	sshll.u32 s28, $0x1;
	[dreg:$0x2] =	wrdreg s2  }
0xa9: {  	[dreg:$0x3] =	wrdreg s4  }
0xaa: {  	[dreg:$0x4] =	wrdreg $0xC0  }
0xab: {  	_ =	task [dreg:s6], $0x5FFFF  }
0xac: {  	[dreg:$0x1] =	wrdreg $0xFFFFFFFF  }
0xad: {  	[dreg:$0x0] =	wrdreg $0x60  }
0xae: {  	[dreg:$0x2] =	wrdreg s24  }
0xaf: {  	[dreg:$0x3] =	wrdreg $0xA8000  }
0xb0: {  	[dreg:$0x4] =	wrdreg $0x9  }
0xb1: {  	_ =	task.clear_ibuf [dreg:s6], $0x5FFFF;
	_ =	strace $0x9000004F  }
0xb2: {  	s29 =	simm.s32 $0x9;
	_ =	strace $0x80000051  }
0xb3: {  	_ =	swait.ge [sflag:s29], $0x1  }
0xb4: {  	[sflag:s29] =	ssyncadd.s32 $0xFFFFFFFF  }
0xb5: {  	_ =	strace $0x90000051  }
0xb6: {  	_ =	sfence  }
0xb7: {  	s30 =	sld [smem:$0x0];
	_ =	sdelay $0x2  }
0xb8: {  	s31 =	sshll.u32 s1, $0xD;
	s1 =	sshrl.u32 s1, $0x2  }
0xb9: {  	s3 =	sand.u32 $0x4000, s31;
	s1 =	sadd.s32 s1, s30  }
0xba: {  	s0 =	sor.u32 s3, s0;
	s1 =	sshll.u32 s1, $0x11  }
0xbb: {  	s0 =	sor.u32 s1, s0  }
0xbc: {  	s0 =	sadd.s32 $0x8F2B, s0  }
0xbd: {  	[sflag:s0] =	ssyncadd.remote.s32 $0x1  }
0xbe: {  	_ =	sfence.sel $0xFFFF  }
0xbf: {  	[dreg:$0x0] =	wrdreg $0xFFFFFFFF;
	(pc) =	sbr.abs _section_cstart, $3  }
0xc0: {  	[dreg:$0x1] =	wrdreg $0xFFFFFFFF  }
0xc1: {  	_ =	task.clear_ibuf [dreg:s6], $0x2FFFF;
	_ =	strace $0x9FFFFFFF  }
0xc2: {  	(tm) =	ssettm $0x7FFFFFFF  }
0xc3: {  	_ =	shalt  }
tec
execute0_lowered:
.L_overlay_start_1:
0x0: {  	(tag) =	ssettag $0x1  }
0x1: {  	s1 =	srdreg.scid;
	s6 =	rddreg [dreg:$0x0]  }
0x2: {  	s0 =	stileid.u32;
	s2 =	rddreg [dreg:$0x1]  }
0x3: {  	s3 =	simm.s32 $0x0;
	s14 =	simm.s32 $0x2800;
	s15 =	simm.s32 $0x1  }
0x4: {  	s16 =	simm.s32 $0x6800;
	s17 =	simm.s32 $0x2;
	s18 =	simm.s32 $0x2700  }
0x5: {  	s19 =	simm.s32 $0x2680;
	s20 =	simm.s32 $0x2780;
	s21 =	simm.s32 $0x0  }
0x6: {  	s5 =	sand.u32 $0x1, s1;
	s26 =	sshll.u32 s0, $0x1;
	s7 =	smul.u32 $0x13C00, s0  }
0x7: {  	[smem:$0x7FF] =	sst s3;
	s28 =	smul.u32 $0x4F000, s0;
	s31 =	sshll.u32 s0, $0x6  }
0x8: {  	s1 =	sor.u32 s5, s26;
	s8 =	smul.u32 $0x13C000, s5;
	s5 =	ssub.s32 $0x2, s5  }
0x9: {  	s4 =	smul.u32 $0x5000, s1;
	s1 =	rddreg [dreg:$0x2];
	_ =	strace $0x80000050  }
0xa: {  	s10 =	sshrl.u32 s7, $0x3;
	s29 =	sshrl.u32 s5, $0x1;
	s30 =	sshrl.u32 s28, $0x2  }
0xb: {  	s7 =	sadd.s32 s7, s8;
	s10 =	sadd.s32 s10, s6;
	s12 =	ssub.s32 s5, s29  }
0xc: {  	s13 =	sadd.s32 s30, s2;
	s4 =	sshrl.u32 s4, $0x3;
	s7 =	sshrl.u32 s7, $0x3  }
0xd: {  	s5 =	sadd.s32 $0x40200, s10;
	s10 =	smax.u32 s12, $0x1;
	s12 =	simm.s32 $0x3  }
0xe: {  	s9 =	sadd.s32 s4, s6;
	s4 =	sadd.s32 $0x19000, s6;
	s11 =	sadd.s32 s7, s6  }
0xf: {  	s6 =	sor.u32 $0x1C03, s31;
	s7 =	sadd.s32 $0x5000, s9;
	s8 =	sadd.s32 $0x5500, s9  }
0x10: {  	s9 =	sadd.s32 $0x67A00, s11;
	s11 =	sshrl.u32 s13, $0x3;
	s13 =	simm.s32 $0x80  }
.LBB2_1:
0x11: {  	[spmem:s11], [sflag:s6] =	dma.local [hbm:s5], $0x2780  }
0x12: {  	_ =	swait.ge [sflag:s12], $0x2780  }
0x13: {  	[sflag:s12] =	ssyncset.done $0x0  }
0x14: {  	[sflag:s12] =	ssyncadd.s32 $0xFFFFD880  }
0x15: {  	[bflag:$0x0] =	sbarrier.arrive $0xFFFF  }
0x16: {  	[tilespmem:s3], [sflag:$0x3] =	stream.linear.gather [hbm4b:s7+s3], $0x2800, $0x38;
	[tilespmem:$0x1E400] =	vst v63  }
0x17: {  	_ =	swait.ge [sflag:s12], $0x2800  }
0x18: {  	[sflag:s12] =	ssyncset.done $0x0  }
0x19: {  	[sflag:s12] =	ssyncadd.s32 $0xFFFFD800  }
0x1a: {  	[tilespmem:s14], [sflag:$0x1] =	stream.indirect.gather [hbm4b:s4+s13], $0x80, s3, s13, $0xb8;
	[tilespmem:$0x1E400] =	vst v63  }
0x1b: {  	_ =	swait.ge [sflag:s15], $0x4000  }
0x1c: {  	[sflag:s15] =	ssyncset.done $0x0  }
0x1d: {  	s22 =	simm.s32 $0x100;
	[sflag:s15] =	ssyncadd.s32 $0xFFFFC000  }
0x1e: {  	[tilespmem:s16], [sflag:$0x2] =	stream.indirect.gather [hbm4b:s4+s13], $0x80, s22, s13, $0xb8;
	[tilespmem:$0x1E400] =	vst v63  }
0x1f: {  	s29 =	simm.s32 $0x80  }
0x20: {  	[spmem:s2] =	stream.indirect.scatter.add.f32 [tilespmem:s14], [sflag:$0x3], $0x80, s29, s13, $0xb8;
	[tilespmem:$0x1E400] =	vst v63  }
0x21: {  	_ =	swait.ge [sflag:s12], $0x4000  }
0x22: {  	[sflag:s12] =	ssyncset.done $0x0  }
0x23: {  	[sflag:s12] =	ssyncadd.s32 $0xFFFFC000  }
0x24: {  	_ =	swait.ge [sflag:s17], $0x4000  }
0x25: {  	[sflag:s17] =	ssyncset.done $0x0  }
0x26: {  	s30 =	simm.s32 $0x200;
	[sflag:s17] =	ssyncadd.s32 $0xFFFFC000  }
0x27: {  	[tilespmem:s14], [sflag:$0x1] =	stream.indirect.gather [hbm4b:s4+s13], $0x80, s30, s13, $0xb8;
	[tilespmem:$0x1E400] =	vst v63  }
0x28: {  	s31 =	simm.s32 $0x180  }
0x29: {  	[spmem:s2] =	stream.indirect.scatter.add.f32 [tilespmem:s16], [sflag:$0x3], $0x80, s31, s13, $0xb8;
	[tilespmem:$0x1E400] =	vst v63  }
0x2a: {  	_ =	swait.ge [sflag:s12], $0x4000  }
0x2b: {  	s22 =	simm.s32 $0xFFFF7000;
	[sflag:s12] =	ssyncset.done $0x0  }
.LBB2_2:
0x2c: {  	p0 =	sne.s32 s22, $0xFFFFF800  }
0x2d: {  	[sflag:s12] =	ssyncadd.s32 $0xFFFFC000;
	s23 =	smov.u32 s22;
	s22 =	sadd.s32 $0x800, s22  }
0x2e: {  	_ = 	snop  }
0x2f: {  	_ =	swait.ge [sflag:s15], $0x4000  }
0x30: {  	s23 =	sshra.s32 s23, $0x2;
	[sflag:s15] =	ssyncset.done $0x0  }
0x31: {  	s24 =	sadd.s32 $0x2700, s23;
	[sflag:s15] =	ssyncadd.s32 $0xFFFFC000  }
0x32: {  	[tilespmem:s16], [sflag:$0x2] =	stream.indirect.gather [hbm4b:s4+s13], $0x80, s24, s13, $0xb8;
	[tilespmem:$0x1E400] =	vst v63  }
0x33: {  	s24 =	sadd.s32 $0x2680, s23  }
0x34: {  	[spmem:s2] =	stream.indirect.scatter.add.f32 [tilespmem:s14], [sflag:$0x3], $0x80, s24, s13, $0xb8;
	[tilespmem:$0x1E400] =	vst v63  }
0x35: {  	_ =	swait.ge [sflag:s12], $0x4000  }
0x36: {  	[sflag:s12] =	ssyncset.done $0x0  }
0x37: {  	[sflag:s12] =	ssyncadd.s32 $0xFFFFC000  }
0x38: {  	_ =	swait.ge [sflag:s17], $0x4000  }
0x39: {  	[sflag:s17] =	ssyncset.done $0x0  }
0x3a: {  	s24 =	sadd.s32 $0x2800, s23;
	[sflag:s17] =	ssyncadd.s32 $0xFFFFC000  }
0x3b: {  	[tilespmem:s14], [sflag:$0x1] =	stream.indirect.gather [hbm4b:s4+s13], $0x80, s24, s13, $0xb8;
	[tilespmem:$0x1E400] =	vst v63  }
.Ltmp0:
0x3c: {  	_ = 	snop;
	(pc) =	sbr.rel @p0 .LBB2_2-.Ltmp0, $4  }
0x3d: {  	s23 =	sadd.s32 $0x2780, s23  }
0x3e: {  	[spmem:s2] =	stream.indirect.scatter.add.f32 [tilespmem:s16], [sflag:$0x3], $0x80, s23, s13, $0xb8;
	[tilespmem:$0x1E400] =	vst v63  }
0x3f: {  	_ =	swait.ge [sflag:s12], $0x4000  }
0x40: {  	[sflag:s12] =	ssyncset.done $0x0  }
0x41: {  	[sflag:s12] =	ssyncadd.s32 $0xFFFFC000  }
0x42: {  	_ =	swait.ge [sflag:s15], $0x4000  }
0x43: {  	[sflag:s15] =	ssyncset.done $0x0  }
0x44: {  	[sflag:s15] =	ssyncadd.s32 $0xFFFFC000  }
0x45: {  	[tilespmem:s16], [sflag:$0x2] =	stream.indirect.gather [hbm4b:s4+s13], $0x80, s18, s13, $0xb8;
	[tilespmem:$0x1E400] =	vst v63  }
0x46: {  	_ = 	snop  }
0x47: {  	[spmem:s2] =	stream.indirect.scatter.add.f32 [tilespmem:s14], [sflag:$0x3], $0x80, s19, s13, $0xb8;
	[tilespmem:$0x1E400] =	vst v63  }
0x48: {  	_ =	swait.ge [sflag:s12], $0x4000  }
0x49: {  	[sflag:s12] =	ssyncset.done $0x0  }
0x4a: {  	[sflag:s12] =	ssyncadd.s32 $0xFFFFC000  }
0x4b: {  	_ =	swait.ge [sflag:s17], $0x4000  }
0x4c: {  	[sflag:s17] =	ssyncset.done $0x0  }
0x4d: {  	[sflag:s17] =	ssyncadd.s32 $0xFFFFC000  }
0x4e: {  	[tilespmem:s14], [sflag:$0x1] =	stream.indirect.gather [hbm4b:s4+s13], $0x80, s3, s13, $0xb8;
	[tilespmem:$0x1E400] =	vst v63  }
0x4f: {  	_ = 	snop  }
0x50: {  	[spmem:s2] =	stream.indirect.scatter.add.f32 [tilespmem:s16], [sflag:$0x3], $0x80, s20, s13, $0xb8;
	[tilespmem:$0x1E400] =	vst v63  }
0x51: {  	_ =	swait.ge [sflag:s12], $0x4000  }
0x52: {  	[sflag:s12] =	ssyncset.done $0x0  }
0x53: {  	[sflag:s12] =	ssyncadd.s32 $0xFFFFC000  }
0x54: {  	_ =	swait.ge [sflag:s15], $0x4000  }
0x55: {  	[sflag:s15] =	ssyncset.done $0x0  }
0x56: {  	[sflag:s15] =	ssyncadd.s32 $0xFFFFC000  }
0x57: {  	[tilespmem:s3], [sflag:$0x3] =	stream.linear.gather [hbm4b:s8+s3], $0x2800, $0x38;
	[tilespmem:$0x1E400] =	vst v63  }
0x58: {  	_ =	swait.ge [sflag:s12], $0x2800  }
0x59: {  	[sflag:s12] =	ssyncset.done $0x0  }
0x5a: {  	[sflag:s12] =	ssyncadd.s32 $0xFFFFD800  }
0x5b: {  	[tilespmem:s14], [sflag:$0x1] =	stream.indirect.gather [hbm4b:s4+s13], $0x80, s3, s13, $0xb8;
	[tilespmem:$0x1E400] =	vst v63  }
0x5c: {  	_ =	swait.ge [sflag:s15], $0x4000  }
0x5d: {  	[sflag:s15] =	ssyncset.done $0x0  }
0x5e: {  	s22 =	simm.s32 $0x100;
	[sflag:s15] =	ssyncadd.s32 $0xFFFFC000  }
0x5f: {  	[tilespmem:s16], [sflag:$0x2] =	stream.indirect.gather [hbm4b:s4+s13], $0x80, s22, s13, $0xb8;
	[tilespmem:$0x1E400] =	vst v63  }
0x60: {  	s29 =	simm.s32 $0x80  }
0x61: {  	[spmem:s2] =	stream.indirect.scatter.add.f32 [tilespmem:s14], [sflag:$0x3], $0x80, s29, s13, $0xb8;
	[tilespmem:$0x1E400] =	vst v63  }
0x62: {  	_ =	swait.ge [sflag:s12], $0x4000  }
0x63: {  	[sflag:s12] =	ssyncset.done $0x0  }
0x64: {  	[sflag:s12] =	ssyncadd.s32 $0xFFFFC000  }
0x65: {  	_ =	swait.ge [sflag:s17], $0x4000  }
0x66: {  	[sflag:s17] =	ssyncset.done $0x0  }
0x67: {  	s30 =	simm.s32 $0x200;
	[sflag:s17] =	ssyncadd.s32 $0xFFFFC000  }
0x68: {  	[tilespmem:s14], [sflag:$0x1] =	stream.indirect.gather [hbm4b:s4+s13], $0x80, s30, s13, $0xb8;
	[tilespmem:$0x1E400] =	vst v63  }
0x69: {  	s31 =	simm.s32 $0x180  }
0x6a: {  	[spmem:s2] =	stream.indirect.scatter.add.f32 [tilespmem:s16], [sflag:$0x3], $0x80, s31, s13, $0xb8;
	[tilespmem:$0x1E400] =	vst v63  }
0x6b: {  	_ =	swait.ge [sflag:s12], $0x4000  }
0x6c: {  	s22 =	simm.s32 $0xFFFF7000;
	[sflag:s12] =	ssyncset.done $0x0  }
.LBB2_4:
0x6d: {  	p0 =	sne.s32 s22, $0xFFFFF800  }
0x6e: {  	[sflag:s12] =	ssyncadd.s32 $0xFFFFC000;
	s23 =	smov.u32 s22;
	s22 =	sadd.s32 $0x800, s22  }
0x6f: {  	_ = 	snop  }
0x70: {  	_ =	swait.ge [sflag:s15], $0x4000  }
0x71: {  	s23 =	sshra.s32 s23, $0x2;
	[sflag:s15] =	ssyncset.done $0x0  }
0x72: {  	s24 =	sadd.s32 $0x2700, s23;
	[sflag:s15] =	ssyncadd.s32 $0xFFFFC000  }
0x73: {  	[tilespmem:s16], [sflag:$0x2] =	stream.indirect.gather [hbm4b:s4+s13], $0x80, s24, s13, $0xb8;
	[tilespmem:$0x1E400] =	vst v63  }
0x74: {  	s24 =	sadd.s32 $0x2680, s23  }
0x75: {  	[spmem:s2] =	stream.indirect.scatter.add.f32 [tilespmem:s14], [sflag:$0x3], $0x80, s24, s13, $0xb8;
	[tilespmem:$0x1E400] =	vst v63  }
0x76: {  	_ =	swait.ge [sflag:s12], $0x4000  }
0x77: {  	[sflag:s12] =	ssyncset.done $0x0  }
0x78: {  	[sflag:s12] =	ssyncadd.s32 $0xFFFFC000  }
0x79: {  	_ =	swait.ge [sflag:s17], $0x4000  }
0x7a: {  	[sflag:s17] =	ssyncset.done $0x0  }
0x7b: {  	s24 =	sadd.s32 $0x2800, s23;
	[sflag:s17] =	ssyncadd.s32 $0xFFFFC000  }
0x7c: {  	[tilespmem:s14], [sflag:$0x1] =	stream.indirect.gather [hbm4b:s4+s13], $0x80, s24, s13, $0xb8;
	[tilespmem:$0x1E400] =	vst v63  }
.Ltmp1:
0x7d: {  	_ = 	snop;
	(pc) =	sbr.rel @p0 .LBB2_4-.Ltmp1, $4  }
0x7e: {  	s23 =	sadd.s32 $0x2780, s23  }
0x7f: {  	[spmem:s2] =	stream.indirect.scatter.add.f32 [tilespmem:s16], [sflag:$0x3], $0x80, s23, s13, $0xb8;
	[tilespmem:$0x1E400] =	vst v63  }
0x80: {  	_ =	swait.ge [sflag:s12], $0x4000  }
0x81: {  	[sflag:s12] =	ssyncset.done $0x0  }
0x82: {  	[sflag:s12] =	ssyncadd.s32 $0xFFFFC000  }
0x83: {  	_ =	swait.ge [sflag:s15], $0x4000  }
0x84: {  	[sflag:s15] =	ssyncset.done $0x0  }
0x85: {  	[sflag:s15] =	ssyncadd.s32 $0xFFFFC000  }
0x86: {  	[tilespmem:s16], [sflag:$0x2] =	stream.indirect.gather [hbm4b:s4+s13], $0x80, s18, s13, $0xb8;
	[tilespmem:$0x1E400] =	vst v63  }
0x87: {  	_ = 	snop  }
0x88: {  	[spmem:s2] =	stream.indirect.scatter.add.f32 [tilespmem:s14], [sflag:$0x3], $0x80, s19, s13, $0xb8;
	[tilespmem:$0x1E400] =	vst v63  }
0x89: {  	_ =	swait.ge [sflag:s12], $0x4000  }
0x8a: {  	[sflag:s12] =	ssyncset.done $0x0  }
0x8b: {  	[sflag:s12] =	ssyncadd.s32 $0xFFFFC000  }
0x8c: {  	_ =	swait.ge [sflag:s17], $0x4000  }
0x8d: {  	[sflag:s17] =	ssyncset.done $0x0  }
0x8e: {  	[sflag:s17] =	ssyncadd.s32 $0xFFFFC000  }
0x8f: {  	[tilespmem:s14], [sflag:$0x1] =	stream.indirect.gather [hbm4b:s4+s13], $0x80, s3, s13, $0xb8;
	[tilespmem:$0x1E400] =	vst v63  }
0x90: {  	_ = 	snop  }
0x91: {  	[spmem:s2] =	stream.indirect.scatter.add.f32 [tilespmem:s16], [sflag:$0x3], $0x80, s20, s13, $0xb8;
	[tilespmem:$0x1E400] =	vst v63  }
0x92: {  	_ =	swait.ge [sflag:s12], $0x4000  }
0x93: {  	[sflag:s12] =	ssyncset.done $0x0  }
0x94: {  	[sflag:s12] =	ssyncadd.s32 $0xFFFFC000  }
0x95: {  	_ =	swait.ge [sflag:s15], $0x4000  }
0x96: {  	s21 =	sadd.s32 $0x1, s21;
	[sflag:s15] =	ssyncset.done $0x0  }
0x97: {  	p0 =	sne.s32 s21, s10;
	[sflag:s15] =	ssyncadd.s32 $0xFFFFC000  }
.Ltmp2:
0x98: {  	[bflag:$0x0] =	sbarrier.arrive $0xFFFF;
	(pc) =	sbr.rel @p0 .LBB2_1-.Ltmp2, $4  }
0x99: {  	[hbm:s9], [sflag:s6] =	dma.local [spmem:s11], $0x2780  }
0x9a: {  	_ =	swait.ge [sflag:s12], $0x2780  }
0x9b: {  	[sflag:s12] =	ssyncset.done $0x0  }
0x9c: {  	[sflag:s12] =	ssyncadd.s32 $0xFFFFD880  }
0x9d: {  	_ =	sfence.sel $0x180000  }
0x9e: {  	[bflag:$0x0] =	sbarrier.arrive $0xFFFF  }
0x9f: {  	p0 =	sne.s32 s0, $0x0;
	_ =	strace $0x90000050  }
0xa0: {  	s0 =	sadd.s32 @!p0 $0x100000, s1;
	[bflag:$0x2] =	sbarrier.arrive $0xFFFF  }
0xa1: {  	[sflag:s0] =	ssyncadd.tile.s32 @!p0 $0x1;
	_ =	shalt  }
.Lfunc_end2:
_tile_overlayer_lowered:
.L_overlay_start_2:
0xa2: {  	(tag) =	ssettag $0x2  }
0xa3: {  	s0 =	rddreg [dreg:$0x0];
	s2 =	stileid.u32  }
0xa4: {  	s1 =	rddreg [dreg:$0x1];
	p0 =	sne.s32 s2, $0x0  }
0xa5: {  	s3 =	rddreg [dreg:$0x2];
	[bflag:$0x3] =	sbarrier.arrive $0xFFFF;
	s2 =	simm.s32 @!p0 $0x1C03  }
0xa6: {  	[timem:s3], [sflag:s2] =	dma.local @!p0 [hbm:s0], s1  }
0xa7: {  	s0 =	simm.s32 @!p0 $0x3  }
0xa8: {  	_ =	swait.ge @!p0 [sflag:s0], s1  }
0xa9: {  	s1 =	ssub.s32 @!p0 $0x0, s1;
	[sflag:s0] =	ssyncset.done @!p0 $0x0  }
0xaa: {  	[sflag:s0] =	ssyncadd.s32 @!p0 s1  }
0xab: {  	[bflag:$0x3] =	sbarrier.arrive $0xFFFF  }
0xac: {  	_ =	shalt  }

</sc_bundles>
